<compile_context>
chip_gen: v7x
topology: tpu7x:2x2x1
jax: 0.10.2.dev20260603
libtpu: 0.0.44.dev20260713+nightly
codegen_flags: <defaults>
</compile_context>

<pallas_src>
import functools

import jax
import jax.numpy as jnp
from jax import lax
from jax.experimental import pallas as pl
from jax.experimental.pallas import tpu as pltpu
from jax.experimental.pallas import tpu_sc as plsc

_NSUB = 16
_NCORE = 2


def _round_up(v, m):
    return ((v + m - 1) // m) * m




def _sc_degree(dst_raw2, npad):
    rows_n = dst_raw2.shape[0]
    nw = _NSUB * _NCORE
    rt = _round_up(-(-rows_n // nw), 8)
    npt = npad // _NSUB
    mesh = plsc.VectorSubcoreMesh(core_axis_name="c", subcore_axis_name="s")

    @functools.partial(
        pl.kernel,
        out_type=(jax.ShapeDtypeStruct((npad,), jnp.float32),
                  jax.ShapeDtypeStruct((npad,), jnp.float32)),
        mesh=mesh,
        scratch_types=[
            pltpu.VMEM_SHARED((npad,), jnp.float32),
            pltpu.VMEM((rt, _EW), jnp.int32),
            pltpu.VMEM((npt,), jnp.float32),
        ],
    )
    def k(dst_h, deg0_h, deg1_h, deg_sh, dst_v, ones_v):
        c = lax.axis_index("c")
        s = lax.axis_index("s")

        def fill(i, carry):
            ones_v[pl.ds(i * 16, 16)] = jnp.ones((16,), jnp.float32)
            return carry

        lax.fori_loop(0, npt // 16, fill, 0)
        pltpu.sync_copy(ones_v, deg_sh.at[pl.ds(s * npt, npt)])
        wid = c * _NSUB + s
        base = wid * rt
        base_ld = pl.multiple_of(jnp.minimum(base, rows_n - rt), 8)
        off = base - base_ld
        cnt = jnp.clip(rows_n - base, 0, rt)
        pltpu.sync_copy(dst_h.at[pl.ds(base_ld, rt)], dst_v)
        plsc.subcore_barrier()

        def body(j, carry):
            pltpu.sync_copy(ones_v.at[pl.ds(0, _EW)],
                            deg_sh.at[dst_v.at[off + j]], add=True)
            return carry

        lax.fori_loop(0, cnt, body, 0)
        plsc.subcore_barrier()

        @pl.when(c == 0)
        def _():
            pltpu.sync_copy(deg_sh.at[pl.ds(s * npt, npt)],
                            deg0_h.at[pl.ds(s * npt, npt)])

        @pl.when(c == 1)
        def _():
            pltpu.sync_copy(deg_sh.at[pl.ds(s * npt, npt)],
                            deg1_h.at[pl.ds(s * npt, npt)])

    return k(dst_raw2)


_EW = 64
_CH = 32
_NBUF = 4
_LA = 2


def _edge_pipeline(gather_start, gather_wait, acc_sh, src_h, dst_h,
                   src_v, dst_v, rows, gsems, ssems, row0, nrows):
    nblk = _CH // _NBUF

    def sc_desc(p, jj):
        return pltpu.make_async_copy(rows[p], acc_sh.at[dst_v.at[jj]],
                                     ssems[p])

    def chunk(jc, carry):
        base = row0 + jc * _CH
        pltpu.sync_copy(src_h.at[pl.ds(base, _CH)], src_v)
        pltpu.sync_copy(dst_h.at[pl.ds(base, _CH)], dst_v)
        for r in range(_LA):
            pl.when(jc > 0)(lambda r=r: sc_desc(r % _NBUF, r).wait())
            gather_start(src_v.at[r], rows[r % _NBUF], gsems[r % _NBUF])

        def blk(jb, carry2):
            for u in range(_NBUF):
                r = jb * _NBUF + u
                gather_wait(src_v.at[r], rows[u], gsems[u])
                sc_desc(u, r).start(add=True)
                rn = r + _LA
                pn = (u + _LA) % _NBUF
                if u + _LA < _NBUF:
                    def pre(rn=rn, pn=pn):
                        gather_start(src_v.at[rn], rows[pn], gsems[pn])
                    pl.when(jnp.logical_or(jc > 0, jb > 0))(
                        lambda rn=rn, pn=pn: sc_desc(pn, rn).wait())
                    pre()
                else:
                    def pre(rn=rn, pn=pn):
                        sc_desc(pn, rn).wait()
                        gather_start(src_v.at[rn], rows[pn], gsems[pn])
                    pl.when(jb < nblk - 1)(pre)
            return carry2

        return lax.fori_loop(0, nblk, blk, carry)

    lax.fori_loop(0, nrows // _CH, chunk, 0)
    for p in range(_NBUF):
        sc_desc(p, p).wait()


def _sc_scatter(hp0, hp1, src2, dst2, tsrc, tdst, npad, dc, rows_per_tec):
    npt = npad // _NSUB
    mesh = plsc.VectorSubcoreMesh(core_axis_name="c", subcore_axis_name="s")

    @functools.partial(
        pl.kernel,
        out_type=(jax.ShapeDtypeStruct((npad, dc), jnp.float32),
                  jax.ShapeDtypeStruct((npad, dc), jnp.float32)),
        mesh=mesh,
        scratch_types=[
            pltpu.VMEM_SHARED((npad, dc), jnp.float32),
            pltpu.VMEM((_CH, _EW), jnp.int32),
            pltpu.VMEM((_CH, _EW), jnp.int32),
        ] + [pltpu.VMEM((_EW, dc), jnp.float32)] * _NBUF
          + [pltpu.SemaphoreType.DMA] * (2 * _NBUF),
    )
    def k(hp0_h, hp1_h, src_h, dst_h, tsrc_h, tdst_h, acc0_h, acc1_h,
          acc_sh, src_v, dst_v, *bufs):
        rows = bufs[:_NBUF]
        gsems = bufs[_NBUF:2 * _NBUF]
        ssems = bufs[2 * _NBUF:]
        c = lax.axis_index("c")
        s = lax.axis_index("s")

        @pl.when(c == 0)
        def _():
            pltpu.sync_copy(hp0_h.at[pl.ds(s * npt, npt)],
                            acc_sh.at[pl.ds(s * npt, npt)])

        @pl.when(c == 1)
        def _():
            pltpu.sync_copy(hp1_h.at[pl.ds(s * npt, npt)],
                            acc_sh.at[pl.ds(s * npt, npt)])

        plsc.subcore_barrier()

        def gather_start(idx_ref, buf, gsem):
            @pl.when(c == 0)
            def _():
                pltpu.make_async_copy(hp0_h.at[idx_ref], buf, gsem).start()

            @pl.when(c == 1)
            def _():
                pltpu.make_async_copy(hp1_h.at[idx_ref], buf, gsem).start()

        def gather_wait(idx_ref, buf, gsem):
            pltpu.make_async_copy(hp0_h.at[idx_ref], buf, gsem).wait()

        @pl.when(s < _NSUB - 1)
        def _():
            _edge_pipeline(gather_start, gather_wait, acc_sh, src_h, dst_h,
                           src_v, dst_v, rows, gsems, ssems,
                           s * rows_per_tec, rows_per_tec)

        @pl.when(s == _NSUB - 1)
        def _():
            _edge_pipeline(gather_start, gather_wait, acc_sh, tsrc_h, tdst_h,
                           src_v, dst_v, rows, gsems, ssems, 0, rows_per_tec)

        plsc.subcore_barrier()

        @pl.when(c == 0)
        def _():
            pltpu.sync_copy(acc_sh.at[pl.ds(s * npt, npt)],
                            acc0_h.at[pl.ds(s * npt, npt)])

        @pl.when(c == 1)
        def _():
            pltpu.sync_copy(acc_sh.at[pl.ds(s * npt, npt)],
                            acc1_h.at[pl.ds(s * npt, npt)])

    return k(hp0, hp1, src2, dst2, tsrc, tdst)


def _sc_scatter_edge(hp, src2, dst2, tsrc, tdst, npad, d, rows_per_tec):
    npt = npad // _NSUB
    mesh = plsc.VectorSubcoreMesh(core_axis_name="c", subcore_axis_name="s")

    @functools.partial(
        pl.kernel,
        out_type=(jax.ShapeDtypeStruct((npad, d), jnp.float32),
                  jax.ShapeDtypeStruct((npad, d), jnp.float32)),
        mesh=mesh,
        scratch_types=[
            pltpu.VMEM_SHARED((npad, d), jnp.float32),
            pltpu.VMEM((_CH, _EW), jnp.int32),
            pltpu.VMEM((_CH, _EW), jnp.int32),
        ] + [pltpu.VMEM((_EW, d), jnp.float32)] * _NBUF
          + [pltpu.SemaphoreType.DMA] * (2 * _NBUF),
    )
    def k(hp_h, src_h, dst_h, tsrc_h, tdst_h, acca_h, accb_h,
          acc_sh, src_v, dst_v, *bufs):
        rows = bufs[:_NBUF]
        gsems = bufs[_NBUF:2 * _NBUF]
        ssems = bufs[2 * _NBUF:]
        c = lax.axis_index("c")
        s = lax.axis_index("s")

        pltpu.sync_copy(hp_h.at[pl.ds(s * npt, npt)],
                        acc_sh.at[pl.ds(s * npt, npt)])

        plsc.subcore_barrier()

        def gather_start(idx_ref, buf, gsem):
            pltpu.make_async_copy(hp_h.at[idx_ref], buf, gsem).start()

        def gather_wait(idx_ref, buf, gsem):
            pltpu.make_async_copy(hp_h.at[idx_ref], buf, gsem).wait()

        wid = c * _NSUB + s
        nw = _NCORE * _NSUB

        @pl.when(wid < nw - 1)
        def _():
            _edge_pipeline(gather_start, gather_wait, acc_sh, src_h, dst_h,
                           src_v, dst_v, rows, gsems, ssems,
                           wid * rows_per_tec, rows_per_tec)

        @pl.when(wid == nw - 1)
        def _():
            _edge_pipeline(gather_start, gather_wait, acc_sh, tsrc_h, tdst_h,
                           src_v, dst_v, rows, gsems, ssems,
                           rows_per_tec, rows_per_tec)
        plsc.subcore_barrier()

        @pl.when(c == 0)
        def _():
            pltpu.sync_copy(acc_sh.at[pl.ds(s * npt, npt)],
                            acca_h.at[pl.ds(s * npt, npt)])

        @pl.when(c == 1)
        def _():
            pltpu.sync_copy(acc_sh.at[pl.ds(s * npt, npt)],
                            accb_h.at[pl.ds(s * npt, npt)])

    return k(hp, src2, dst2, tsrc, tdst)




def _tc_matmul_scale(x, w, deg0, deg1, npad, bm):
    n, d_in = x.shape
    d_out = w.shape[1]
    dh = d_out // 2

    def body(x_ref, w_ref, d0_ref, d1_ref, o0_ref, o1_ref):
        dis = lax.rsqrt(d0_ref[...] + d1_ref[...] - 1.0)
        h = jnp.dot(x_ref[...], w_ref[...], preferred_element_type=jnp.float32)
        hp = h * dis
        o0_ref[...] = hp[:, :dh]
        o1_ref[...] = hp[:, dh:]

    return pl.pallas_call(
        body,
        grid=(npad // bm,),
        in_specs=[
            pl.BlockSpec((bm, d_in), lambda i: (i, 0)),
            pl.BlockSpec((d_in, d_out), lambda i: (0, 0)),
            pl.BlockSpec((bm, 1), lambda i: (i, 0)),
            pl.BlockSpec((bm, 1), lambda i: (i, 0)),
        ],
        out_specs=[
            pl.BlockSpec((bm, dh), lambda i: (i, 0)),
            pl.BlockSpec((bm, dh), lambda i: (i, 0)),
        ],
        out_shape=[
            jax.ShapeDtypeStruct((npad, dh), jnp.float32),
            jax.ShapeDtypeStruct((npad, dh), jnp.float32),
        ],
    )(x, w, deg0, deg1)


def _tc_relu_matmul_scale(acc0, acc1, deg0, deg1, b, w, npad, bm):
    dc = acc0.shape[1]
    d_out = w.shape[1]

    def body(a0_ref, a1_ref, d0_ref, d1_ref, b_ref, w_ref, o_ref):
        dis = lax.rsqrt(d0_ref[...] + d1_ref[...] - 1.0)
        a = jnp.concatenate([a0_ref[...], a1_ref[...]], axis=1)
        out1 = jnp.maximum(a * dis + b_ref[...], 0.0)
        h = jnp.dot(out1, w_ref[...], preferred_element_type=jnp.float32)
        o_ref[...] = h * dis

    return pl.pallas_call(
        body,
        grid=(npad // bm,),
        in_specs=[
            pl.BlockSpec((bm, dc), lambda i: (i, 0)),
            pl.BlockSpec((bm, dc), lambda i: (i, 0)),
            pl.BlockSpec((bm, 1), lambda i: (i, 0)),
            pl.BlockSpec((bm, 1), lambda i: (i, 0)),
            pl.BlockSpec((1, 2 * dc), lambda i: (0, 0)),
            pl.BlockSpec((2 * dc, d_out), lambda i: (0, 0)),
        ],
        out_specs=pl.BlockSpec((bm, d_out), lambda i: (i, 0)),
        out_shape=jax.ShapeDtypeStruct((npad, d_out), jnp.float32),
    )(acc0, acc1, deg0, deg1, b, w)


def _tc_relu_sum(acca, accb, hp, deg0, deg1, b, nout, npad, bm):
    d = acca.shape[1]

    def body(aa_ref, ab_ref, hp_ref, d0_ref, d1_ref, b_ref, o_ref):
        dis = lax.rsqrt(d0_ref[...] + d1_ref[...] - 1.0)
        a = aa_ref[...] + ab_ref[...] - hp_ref[...]
        o_ref[...] = jnp.maximum(a * dis + b_ref[...], 0.0)

    return pl.pallas_call(
        body,
        grid=(npad // bm,),
        in_specs=[
            pl.BlockSpec((bm, d), lambda i: (i, 0)),
            pl.BlockSpec((bm, d), lambda i: (i, 0)),
            pl.BlockSpec((bm, d), lambda i: (i, 0)),
            pl.BlockSpec((bm, 1), lambda i: (i, 0)),
            pl.BlockSpec((bm, 1), lambda i: (i, 0)),
            pl.BlockSpec((1, d), lambda i: (0, 0)),
        ],
        out_specs=pl.BlockSpec((bm, d), lambda i: (i, 0)),
        out_shape=jax.ShapeDtypeStruct((nout, d), jnp.float32),
    )(acca, accb, hp, deg0, deg1, b)




def kernel(x, edge_index, idx, pre_z1, pre_z2, W1, b1, W2, b2):
    n = x.shape[0]
    e = edge_index.shape[1]
    d_hid = W1.shape[1]
    d_out = W2.shape[1]

    npt = _round_up(-(-n // _NSUB), 64)
    npad = npt * _NSUB
    rows_per_tec = _round_up(-(-e // (_NSUB * _EW)), 2 * _CH)
    epad = rows_per_tec * _NSUB * _EW

    src = edge_index[0]
    dst = edge_index[1]
    pad = epad - e
    pad_ar = jnp.arange(pad, dtype=jnp.int32)
    pad_src = pad_ar % n
    pad_dst = n + pad_ar % (npad - n)
    rows_raw = e // _EW
    tail_lo = (_NSUB - 1) * rows_per_tec
    if (e % _EW == 0 and rows_raw >= tail_lo
            and rows_raw >= (2 * _NSUB - 1) * (rows_per_tec // 2)):
        src2 = src.reshape(rows_raw, _EW)
        dst2 = dst.reshape(rows_raw, _EW)
        tsrc = jnp.concatenate(
            [src[tail_lo * _EW:], pad_src]).reshape(rows_per_tec, _EW)
        tdst = jnp.concatenate(
            [dst[tail_lo * _EW:], pad_dst]).reshape(rows_per_tec, _EW)
    else:
        src2 = jnp.concatenate([src, pad_src]).reshape(epad // _EW, _EW)
        dst2 = jnp.concatenate([dst, pad_dst]).reshape(epad // _EW, _EW)
        tsrc = src2[tail_lo:]
        tdst = dst2[tail_lo:]

    rows_raw = e // _EW
    rt_deg = _round_up(-(-rows_raw // (_NSUB * _NCORE)), 8)
    if e % _EW == 0 and (rows_raw - rt_deg) % 8 == 0 and rows_raw >= rt_deg:
        deg0, deg1 = _sc_degree(dst.reshape(rows_raw, _EW), npad)
    else:
        deg0, deg1 = _sc_degree(dst2, npad)
    deg0r = deg0.reshape(npad, 1)
    deg1r = deg1.reshape(npad, 1)

    bm = npad // 10

    hp0, hp1 = _tc_matmul_scale(x, W1, deg0r, deg1r, npad, bm)
    acc0, acc1 = _sc_scatter(hp0, hp1, src2, dst2, tsrc, tdst, npad,
                             d_hid // 2, rows_per_tec)
    h2p = _tc_relu_matmul_scale(acc0, acc1, deg0r, deg1r,
                                b1.reshape(1, d_hid), W2, npad, bm)
    acc2a, acc2b = _sc_scatter_edge(h2p, src2, dst2, tsrc, tdst, npad,
                                    d_out, rows_per_tec // 2)
    return _tc_relu_sum(acc2a, acc2b, h2p, deg0r, deg1r,
                        b2.reshape(1, d_out), n, npad, bm)

# --- scband reference (transcript-rebuilt; emitter-appended) ---
"""Pipeline reference for scband-encoder-53446573031597 (READ-ONLY COPY).

The authoritative reference and input builder live on the scoring server;
editing this copy changes nothing except your own understanding.
"""

import jax, jax.numpy as jnp
import numpy as np

N = 10000
E = 320000
D_IN = 128
D_HID = 256  # 2 * out_channels
D_OUT = 128


def setup_inputs(seed: int = 0) -> dict:
    key = jax.random.key(seed)
    ks = jax.random.split(key, 6)
    x = jax.random.normal(ks[0], (N, D_IN), dtype=jnp.float32)
    edge_index = jax.random.randint(ks[1], (2, E), 0, N, dtype=jnp.int32)
    pre_z1 = jnp.zeros((1, 1), dtype=jnp.float32)
    pre_z2 = jnp.zeros((1, 1), dtype=jnp.float32)
    W1 = jax.random.normal(ks[2], (D_IN, D_HID), dtype=jnp.float32) / np.sqrt(D_IN)
    b1 = jnp.zeros((D_HID,), dtype=jnp.float32)
    W2 = jax.random.normal(ks[3], (D_HID, D_OUT), dtype=jnp.float32) / np.sqrt(D_HID)
    b2 = jnp.zeros((D_OUT,), dtype=jnp.float32)
    return {"x": x, "edge_index": edge_index, "idx": 1, "pre_z1": pre_z1, "pre_z2": pre_z2,
            "W1": W1, "b1": b1, "W2": W2, "b2": b2}


def _gcn_conv(x, src, dst, ew, W, b, n):
    # Faithful GCNConv: x' = D^-1/2 (A + I) D^-1/2 (x W) + b, with edge_weight ew
    h = x @ W
    loop = jnp.arange(n, dtype=src.dtype)
    src2 = jnp.concatenate([src, loop])
    dst2 = jnp.concatenate([dst, loop])
    ew2 = jnp.concatenate([ew, jnp.ones((n,), dtype=h.dtype)])
    deg = jnp.zeros((n,), dtype=h.dtype).at[dst2].add(ew2)
    safe_deg = jnp.where(deg > 0, deg, 1.0)
    dis = jnp.where(deg > 0, 1.0 / jnp.sqrt(safe_deg), 0.0)
    norm = dis[src2] * ew2 * dis[dst2]
    out = jnp.zeros((n, W.shape[1]), dtype=h.dtype).at[dst2].add(norm[:, None] * h[src2])
    return out + b


def reference(x, edge_index, idx, pre_z1, pre_z2, W1, b1, W2, b2):
    # mode=1 => simple path: pre_z1/pre_z2 unused; edge_weight = ones
    src, dst = edge_index[0], edge_index[1]
    n = x.shape[0]
    ew = jnp.ones((edge_index.shape[1],), dtype=jnp.float32)
    h = jax.nn.relu(_gcn_conv(x, src, dst, ew, W1, b1, n))
    h = jax.nn.relu(_gcn_conv(h, src, dst, ew, W2, b2, n))
    return h

if __name__ == "__main__":
    import jax
    _d = setup_inputs()
    print(jax.jit(kernel)(*tuple(_d.values())))

</pallas_src>

<mosaic_0001>
#map = affine_map<(d0, d1) -> (0, 0)>
module attributes {stable_mosaic.version = 14 : i64} {
  func.func @k(%arg0: i32, %arg1: i32, %arg2: memref<10240x128xf32, #tpu.memory_space<hbm>>, %arg3: memref<5000x64xi32, #tpu.memory_space<hbm>>, %arg4: memref<5000x64xi32, #tpu.memory_space<hbm>>, %arg5: memref<320x64xi32, #tpu.memory_space<hbm>>, %arg6: memref<320x64xi32, #tpu.memory_space<hbm>>, %arg7: memref<10240x128xf32, #tpu.memory_space<hbm>>, %arg8: memref<10240x128xf32, #tpu.memory_space<hbm>>, %arg9: memref<10240x128xf32, #tpu.memory_space<vmem_shared>>, %arg10: memref<32x64xi32, #tpu.memory_space<vmem>>, %arg11: memref<32x64xi32, #tpu.memory_space<vmem>>, %arg12: memref<64x128xf32, #tpu.memory_space<vmem>>, %arg13: memref<64x128xf32, #tpu.memory_space<vmem>>, %arg14: memref<64x128xf32, #tpu.memory_space<vmem>>, %arg15: memref<64x128xf32, #tpu.memory_space<vmem>>, %arg16: memref<!tpu.dma_semaphore, #tpu.memory_space<semaphore_mem>>, %arg17: memref<!tpu.dma_semaphore, #tpu.memory_space<semaphore_mem>>, %arg18: memref<!tpu.dma_semaphore, #tpu.memory_space<semaphore_mem>>, %arg19: memref<!tpu.dma_semaphore, #tpu.memory_space<semaphore_mem>>, %arg20: memref<!tpu.dma_semaphore, #tpu.memory_space<semaphore_mem>>, %arg21: memref<!tpu.dma_semaphore, #tpu.memory_space<semaphore_mem>>, %arg22: memref<!tpu.dma_semaphore, #tpu.memory_space<semaphore_mem>>, %arg23: memref<!tpu.dma_semaphore, #tpu.memory_space<semaphore_mem>>) attributes {dimension_semantics = [#tpu.dimension_semantics<core_parallel>, #tpu.dimension_semantics<subcore_parallel>], iteration_bounds = array<i64: 2, 16>, scalar_prefetch = 0 : i64, scratch_operands = 15 : i64, tpu.core_type = #tpu.core_type<sc_vector_subcore>, window_params = [{transform_indices = #map}, {transform_indices = #map}, {transform_indices = #map}, {transform_indices = #map}, {transform_indices = #map}, {transform_indices = #map}, {transform_indices = #map}]} {
    %mul3A = arith.constant 640 : i32
    %mul3A_0 = arith.muli %arg1, %mul3A : i32
    %mul3A_1 = arith.constant 640 : i32
    %mul3A_2 = arith.muli %arg1, %mul3A_1 : i32
    "tpu.region"() ({
      %run_scoped3A = tpu.sem_alloc : memref<!tpu.dma_semaphore, #tpu.memory_space<semaphore_mem>>
      %dma_start3A = arith.constant 0 : i32
      %dma_start3A_22 = tpu.memref_slice %arg9[%mul3A_2, %dma_start3A] : memref<10240x128xf32, #tpu.memory_space<vmem_shared>> -> memref<640x128xf32, #tpu.memory_space<vmem_shared>>
      %dma_start3A_23 = arith.constant 0 : i32
      %dma_start3A_24 = tpu.memref_slice %arg2[%mul3A_0, %dma_start3A_23] : memref<10240x128xf32, #tpu.memory_space<hbm>> -> memref<640x128xf32, #tpu.memory_space<hbm>>
      tpu.enqueue_dma source(%dma_start3A_24 : memref<640x128xf32, #tpu.memory_space<hbm>>) target(%dma_start3A_22 : memref<640x128xf32, #tpu.memory_space<vmem_shared>>) target_semaphore(%run_scoped3A : memref<!tpu.dma_semaphore, #tpu.memory_space<semaphore_mem>>)
      %dma_wait3A = arith.constant 0 : i32
      %dma_wait3A_25 = tpu.memref_slice %arg9[%mul3A_2, %dma_wait3A] : memref<10240x128xf32, #tpu.memory_space<vmem_shared>> -> memref<640x128xf32, #tpu.memory_space<vmem_shared>>
      %dma_wait3A_26 = arith.constant 0 : i32
      %dma_wait3A_27 = tpu.memref_slice %arg2[%mul3A_0, %dma_wait3A_26] : memref<10240x128xf32, #tpu.memory_space<hbm>> -> memref<640x128xf32, #tpu.memory_space<hbm>>
      tpu.wait_dma2 semaphore(%run_scoped3A : memref<!tpu.dma_semaphore, #tpu.memory_space<semaphore_mem>>) src(%dma_wait3A_27 : memref<640x128xf32, #tpu.memory_space<hbm>>) dst(%dma_wait3A_25 : memref<640x128xf32, #tpu.memory_space<vmem_shared>>)
      tpu.yield
    }) : () -> ()
    %barrier3A = arith.constant 0 : index
    tpu.barrier barrier_id(%barrier3A)
    %mul3A_3 = arith.constant 16 : i32
    %mul3A_4 = arith.muli %arg0, %mul3A_3 : i32
    %add3A = arith.addi %mul3A_4, %arg1 : i32
    %lt3A = arith.constant 31 : i32
    %lt3A_5 = arith.cmpi slt, %add3A, %lt3A : i32
    %convert_element_type3A = arith.extui %lt3A_5 : i1 to i32
    %cond3A = arith.constant 0 : i32
    %cond3A_6 = arith.cmpi ne, %convert_element_type3A, %cond3A : i32
    scf.if %cond3A_6 {
      %mul3A_22 = arith.constant 160 : i32
      %mul3A_23 = arith.muli %add3A, %mul3A_22 : i32
      %scan3A = arith.constant 0 : i32
      %scan3A_24 = arith.constant 0 : i32
      %scan3A_25 = arith.constant 5 : i32
      %scan3A_26 = arith.addi %scan3A_24, %scan3A_25 : i32
      %scan3A_27 = arith.constant 1 : i32
      scf.for %scan3A_56 = %scan3A_24 to %scan3A_26 step %scan3A_27  : i32 {
        %mul3A_57 = arith.constant 32 : i32
        %mul3A_58 = arith.muli %scan3A_56, %mul3A_57 : i32
        %add3A_59 = arith.addi %mul3A_23, %mul3A_58 : i32
        "tpu.region"() ({
          %run_scoped3A = tpu.sem_alloc : memref<!tpu.dma_semaphore, #tpu.memory_space<semaphore_mem>>
          %dma_start3A_87 = arith.constant 0 : i32
          %dma_start3A_88 = tpu.memref_slice %arg3[%add3A_59, %dma_start3A_87] : memref<5000x64xi32, #tpu.memory_space<hbm>> -> memref<32x64xi32, #tpu.memory_space<hbm>>
          %dma_start3A_89 = arith.constant 0 : i32
          %dma_start3A_90 = tpu.memref_slice %arg3[%add3A_59, %dma_start3A_89] : memref<5000x64xi32, #tpu.memory_space<hbm>> -> memref<32x64xi32, #tpu.memory_space<hbm>>
          tpu.enqueue_dma source(%dma_start3A_90 : memref<32x64xi32, #tpu.memory_space<hbm>>) target(%arg10 : memref<32x64xi32, #tpu.memory_space<vmem>>) target_semaphore(%run_scoped3A : memref<!tpu.dma_semaphore, #tpu.memory_space<semaphore_mem>>)
          %dma_wait3A_91 = arith.constant 0 : i32
          %dma_wait3A_92 = tpu.memref_slice %arg3[%add3A_59, %dma_wait3A_91] : memref<5000x64xi32, #tpu.memory_space<hbm>> -> memref<32x64xi32, #tpu.memory_space<hbm>>
          %dma_wait3A_93 = arith.constant 0 : i32
          %dma_wait3A_94 = tpu.memref_slice %arg3[%add3A_59, %dma_wait3A_93] : memref<5000x64xi32, #tpu.memory_space<hbm>> -> memref<32x64xi32, #tpu.memory_space<hbm>>
          tpu.wait_dma2 semaphore(%run_scoped3A : memref<!tpu.dma_semaphore, #tpu.memory_space<semaphore_mem>>) src(%dma_wait3A_94 : memref<32x64xi32, #tpu.memory_space<hbm>>) dst(%arg10 : memref<32x64xi32, #tpu.memory_space<vmem>>)
          tpu.yield
        }) : () -> ()
        "tpu.region"() ({
          %run_scoped3A = tpu.sem_alloc : memref<!tpu.dma_semaphore, #tpu.memory_space<semaphore_mem>>
          %dma_start3A_87 = arith.constant 0 : i32
          %dma_start3A_88 = tpu.memref_slice %arg4[%add3A_59, %dma_start3A_87] : memref<5000x64xi32, #tpu.memory_space<hbm>> -> memref<32x64xi32, #tpu.memory_space<hbm>>
          %dma_start3A_89 = arith.constant 0 : i32
          %dma_start3A_90 = tpu.memref_slice %arg4[%add3A_59, %dma_start3A_89] : memref<5000x64xi32, #tpu.memory_space<hbm>> -> memref<32x64xi32, #tpu.memory_space<hbm>>
          tpu.enqueue_dma source(%dma_start3A_90 : memref<32x64xi32, #tpu.memory_space<hbm>>) target(%arg11 : memref<32x64xi32, #tpu.memory_space<vmem>>) target_semaphore(%run_scoped3A : memref<!tpu.dma_semaphore, #tpu.memory_space<semaphore_mem>>)
          %dma_wait3A_91 = arith.constant 0 : i32
          %dma_wait3A_92 = tpu.memref_slice %arg4[%add3A_59, %dma_wait3A_91] : memref<5000x64xi32, #tpu.memory_space<hbm>> -> memref<32x64xi32, #tpu.memory_space<hbm>>
          %dma_wait3A_93 = arith.constant 0 : i32
          %dma_wait3A_94 = tpu.memref_slice %arg4[%add3A_59, %dma_wait3A_93] : memref<5000x64xi32, #tpu.memory_space<hbm>> -> memref<32x64xi32, #tpu.memory_space<hbm>>
          tpu.wait_dma2 semaphore(%run_scoped3A : memref<!tpu.dma_semaphore, #tpu.memory_space<semaphore_mem>>) src(%dma_wait3A_94 : memref<32x64xi32, #tpu.memory_space<hbm>>) dst(%arg11 : memref<32x64xi32, #tpu.memory_space<vmem>>)
          tpu.yield
        }) : () -> ()
        %gt3A = arith.constant 0 : i32
        %gt3A_60 = arith.cmpi sgt, %scan3A_56, %gt3A : i32
        %convert_element_type3A_61 = arith.extui %gt3A_60 : i1 to i32
        %cond3A_62 = arith.constant 0 : i32
        %cond3A_63 = arith.cmpi ne, %convert_element_type3A_61, %cond3A_62 : i32
        scf.if %cond3A_63 {
          %dma_wait3A_87 = arith.constant 0 : i32
          %dma_wait3A_88 = arith.constant 0 : i32
          %dma_wait3A_89 = tpu.memref_slice %arg11[%dma_wait3A_87, %dma_wait3A_88] : memref<32x64xi32, #tpu.memory_space<vmem>> -> memref<1x64xi32, #tpu.memory_space<vmem>>
          %dma_wait3A_90 = tpu.memref_squeeze %dma_wait3A_89 : memref<1x64xi32, #tpu.memory_space<vmem>> -> memref<64xi32, #tpu.memory_space<vmem>>
          %dma_wait3A_91 = arith.constant 0 : i32
          %dma_wait3A_92 = arith.constant 0 : i32
          %dma_wait3A_93 = tpu.memref_slice %arg9[%dma_wait3A_91, %dma_wait3A_92] : memref<10240x128xf32, #tpu.memory_space<vmem_shared>> -> memref<10240x128xf32, #tpu.memory_space<vmem_shared>>
          tpu.wait_indirect_dma semaphore(%arg20 : memref<!tpu.dma_semaphore, #tpu.memory_space<semaphore_mem>>) src(%arg12 : memref<64x128xf32, #tpu.memory_space<vmem>>) dst(%dma_wait3A_93 : memref<10240x128xf32, #tpu.memory_space<vmem_shared>>)
        } else {
        }
        %dma_start3A = arith.constant 0 : i32
        %dma_start3A_64 = arith.constant 0 : i32
        %dma_start3A_65 = tpu.memref_slice %arg10[%dma_start3A, %dma_start3A_64] : memref<32x64xi32, #tpu.memory_space<vmem>> -> memref<1x64xi32, #tpu.memory_space<vmem>>
        %dma_start3A_66 = tpu.memref_squeeze %dma_start3A_65 : memref<1x64xi32, #tpu.memory_space<vmem>> -> memref<64xi32, #tpu.memory_space<vmem>>
        %dma_start3A_67 = arith.constant 0 : i32
        %dma_start3A_68 = arith.constant 0 : i32
        %dma_start3A_69 = tpu.memref_slice %arg2[%dma_start3A_67, %dma_start3A_68] : memref<10240x128xf32, #tpu.memory_space<hbm>> -> memref<10240x128xf32, #tpu.memory_space<hbm>>
        tpu.enqueue_indirect_dma source(%dma_start3A_69 : memref<10240x128xf32, #tpu.memory_space<hbm>>) target(%arg12 : memref<64x128xf32, #tpu.memory_space<vmem>>) offsets(%dma_start3A_66 : memref<64xi32, #tpu.memory_space<vmem>>) semaphore(%arg16 : memref<!tpu.dma_semaphore, #tpu.memory_space<semaphore_mem>>)
        %gt3A_70 = arith.constant 0 : i32
        %gt3A_71 = arith.cmpi sgt, %scan3A_56, %gt3A_70 : i32
        %convert_element_type3A_72 = arith.extui %gt3A_71 : i1 to i32
        %cond3A_73 = arith.constant 0 : i32
        %cond3A_74 = arith.cmpi ne, %convert_element_type3A_72, %cond3A_73 : i32
        scf.if %cond3A_74 {
          %dma_wait3A_87 = arith.constant 1 : i32
          %dma_wait3A_88 = arith.constant 0 : i32
          %dma_wait3A_89 = tpu.memref_slice %arg11[%dma_wait3A_87, %dma_wait3A_88] : memref<32x64xi32, #tpu.memory_space<vmem>> -> memref<1x64xi32, #tpu.memory_space<vmem>>
          %dma_wait3A_90 = tpu.memref_squeeze %dma_wait3A_89 : memref<1x64xi32, #tpu.memory_space<vmem>> -> memref<64xi32, #tpu.memory_space<vmem>>
          %dma_wait3A_91 = arith.constant 0 : i32
          %dma_wait3A_92 = arith.constant 0 : i32
          %dma_wait3A_93 = tpu.memref_slice %arg9[%dma_wait3A_91, %dma_wait3A_92] : memref<10240x128xf32, #tpu.memory_space<vmem_shared>> -> memref<10240x128xf32, #tpu.memory_space<vmem_shared>>
          tpu.wait_indirect_dma semaphore(%arg21 : memref<!tpu.dma_semaphore, #tpu.memory_space<semaphore_mem>>) src(%arg13 : memref<64x128xf32, #tpu.memory_space<vmem>>) dst(%dma_wait3A_93 : memref<10240x128xf32, #tpu.memory_space<vmem_shared>>)
        } else {
        }
        %dma_start3A_75 = arith.constant 1 : i32
        %dma_start3A_76 = arith.constant 0 : i32
        %dma_start3A_77 = tpu.memref_slice %arg10[%dma_start3A_75, %dma_start3A_76] : memref<32x64xi32, #tpu.memory_space<vmem>> -> memref<1x64xi32, #tpu.memory_space<vmem>>
        %dma_start3A_78 = tpu.memref_squeeze %dma_start3A_77 : memref<1x64xi32, #tpu.memory_space<vmem>> -> memref<64xi32, #tpu.memory_space<vmem>>
        %dma_start3A_79 = arith.constant 0 : i32
        %dma_start3A_80 = arith.constant 0 : i32
        %dma_start3A_81 = tpu.memref_slice %arg2[%dma_start3A_79, %dma_start3A_80] : memref<10240x128xf32, #tpu.memory_space<hbm>> -> memref<10240x128xf32, #tpu.memory_space<hbm>>
        tpu.enqueue_indirect_dma source(%dma_start3A_81 : memref<10240x128xf32, #tpu.memory_space<hbm>>) target(%arg13 : memref<64x128xf32, #tpu.memory_space<vmem>>) offsets(%dma_start3A_78 : memref<64xi32, #tpu.memory_space<vmem>>) semaphore(%arg17 : memref<!tpu.dma_semaphore, #tpu.memory_space<semaphore_mem>>)
        %scan3A_82 = arith.constant 0 : i32
        %scan3A_83 = arith.constant 8 : i32
        %scan3A_84 = arith.addi %scan3A_82, %scan3A_83 : i32
        %scan3A_85 = arith.constant 1 : i32
        scf.for %scan3A_87 = %scan3A_82 to %scan3A_84 step %scan3A_85  : i32 {
          %mul3A_88 = arith.constant 4 : i32
          %mul3A_89 = arith.muli %scan3A_87, %mul3A_88 : i32
          %add3A_90 = arith.constant 0 : i32
          %add3A_91 = arith.addi %mul3A_89, %add3A_90 : i32
          %dma_wait3A_92 = arith.constant 0 : i32
          %dma_wait3A_93 = tpu.memref_slice %arg10[%add3A_91, %dma_wait3A_92] : memref<32x64xi32, #tpu.memory_space<vmem>> -> memref<1x64xi32, #tpu.memory_space<vmem>>
          %dma_wait3A_94 = tpu.memref_squeeze %dma_wait3A_93 : memref<1x64xi32, #tpu.memory_space<vmem>> -> memref<64xi32, #tpu.memory_space<vmem>>
          %dma_wait3A_95 = arith.constant 0 : i32
          %dma_wait3A_96 = arith.constant 0 : i32
          %dma_wait3A_97 = tpu.memref_slice %arg2[%dma_wait3A_95, %dma_wait3A_96] : memref<10240x128xf32, #tpu.memory_space<hbm>> -> memref<10240x128xf32, #tpu.memory_space<hbm>>
          tpu.wait_indirect_dma semaphore(%arg16 : memref<!tpu.dma_semaphore, #tpu.memory_space<semaphore_mem>>) src(%dma_wait3A_97 : memref<10240x128xf32, #tpu.memory_space<hbm>>) dst(%arg12 : memref<64x128xf32, #tpu.memory_space<vmem>>)
          %dma_start3A_98 = arith.constant 0 : i32
          %dma_start3A_99 = tpu.memref_slice %arg11[%add3A_91, %dma_start3A_98] : memref<32x64xi32, #tpu.memory_space<vmem>> -> memref<1x64xi32, #tpu.memory_space<vmem>>
          %dma_start3A_100 = tpu.memref_squeeze %dma_start3A_99 : memref<1x64xi32, #tpu.memory_space<vmem>> -> memref<64xi32, #tpu.memory_space<vmem>>
          %dma_start3A_101 = arith.constant 0 : i32
          %dma_start3A_102 = arith.constant 0 : i32
          %dma_start3A_103 = tpu.memref_slice %arg9[%dma_start3A_101, %dma_start3A_102] : memref<10240x128xf32, #tpu.memory_space<vmem_shared>> -> memref<10240x128xf32, #tpu.memory_space<vmem_shared>>
          tpu.enqueue_indirect_dma source(%arg12 : memref<64x128xf32, #tpu.memory_space<vmem>>) target(%dma_start3A_103 : memref<10240x128xf32, #tpu.memory_space<vmem_shared>>) offsets(%dma_start3A_100 : memref<64xi32, #tpu.memory_space<vmem>>) semaphore(%arg20 : memref<!tpu.dma_semaphore, #tpu.memory_space<semaphore_mem>>) {add = true}
          %add3A_104 = arith.constant 2 : i32
          %add3A_105 = arith.addi %add3A_91, %add3A_104 : i32
          %gt3A_106 = arith.constant 0 : i32
          %gt3A_107 = arith.cmpi sgt, %scan3A_56, %gt3A_106 : i32
          %gt3A_108 = arith.constant 0 : i32
          %gt3A_109 = arith.cmpi sgt, %scan3A_87, %gt3A_108 : i32
          %or3A = arith.ori %gt3A_107, %gt3A_109 : i1
          %convert_element_type3A_110 = arith.extui %or3A : i1 to i32
          %cond3A_111 = arith.constant 0 : i32
          %cond3A_112 = arith.cmpi ne, %convert_element_type3A_110, %cond3A_111 : i32
          scf.if %cond3A_112 {
            %dma_wait3A_197 = arith.constant 0 : i32
            %dma_wait3A_198 = tpu.memref_slice %arg11[%add3A_105, %dma_wait3A_197] : memref<32x64xi32, #tpu.memory_space<vmem>> -> memref<1x64xi32, #tpu.memory_space<vmem>>
            %dma_wait3A_199 = tpu.memref_squeeze %dma_wait3A_198 : memref<1x64xi32, #tpu.memory_space<vmem>> -> memref<64xi32, #tpu.memory_space<vmem>>
            %dma_wait3A_200 = arith.constant 0 : i32
            %dma_wait3A_201 = arith.constant 0 : i32
            %dma_wait3A_202 = tpu.memref_slice %arg9[%dma_wait3A_200, %dma_wait3A_201] : memref<10240x128xf32, #tpu.memory_space<vmem_shared>> -> memref<10240x128xf32, #tpu.memory_space<vmem_shared>>
            tpu.wait_indirect_dma semaphore(%arg22 : memref<!tpu.dma_semaphore, #tpu.memory_space<semaphore_mem>>) src(%arg14 : memref<64x128xf32, #tpu.memory_space<vmem>>) dst(%dma_wait3A_202 : memref<10240x128xf32, #tpu.memory_space<vmem_shared>>)
          } else {
          }
          %dma_start3A_113 = arith.constant 0 : i32
          %dma_start3A_114 = tpu.memref_slice %arg10[%add3A_105, %dma_start3A_113] : memref<32x64xi32, #tpu.memory_space<vmem>> -> memref<1x64xi32, #tpu.memory_space<vmem>>
          %dma_start3A_115 = tpu.memref_squeeze %dma_start3A_114 : memref<1x64xi32, #tpu.memory_space<vmem>> -> memref<64xi32, #tpu.memory_space<vmem>>
          %dma_start3A_116 = arith.constant 0 : i32
          %dma_start3A_117 = arith.constant 0 : i32
          %dma_start3A_118 = tpu.memref_slice %arg2[%dma_start3A_116, %dma_start3A_117] : memref<10240x128xf32, #tpu.memory_space<hbm>> -> memref<10240x128xf32, #tpu.memory_space<hbm>>
          tpu.enqueue_indirect_dma source(%dma_start3A_118 : memref<10240x128xf32, #tpu.memory_space<hbm>>) target(%arg14 : memref<64x128xf32, #tpu.memory_space<vmem>>) offsets(%dma_start3A_115 : memref<64xi32, #tpu.memory_space<vmem>>) semaphore(%arg18 : memref<!tpu.dma_semaphore, #tpu.memory_space<semaphore_mem>>)
          %mul3A_119 = arith.constant 4 : i32
          %mul3A_120 = arith.muli %scan3A_87, %mul3A_119 : i32
          %add3A_121 = arith.constant 1 : i32
          %add3A_122 = arith.addi %mul3A_120, %add3A_121 : i32
          %dma_wait3A_123 = arith.constant 0 : i32
          %dma_wait3A_124 = tpu.memref_slice %arg10[%add3A_122, %dma_wait3A_123] : memref<32x64xi32, #tpu.memory_space<vmem>> -> memref<1x64xi32, #tpu.memory_space<vmem>>
          %dma_wait3A_125 = tpu.memref_squeeze %dma_wait3A_124 : memref<1x64xi32, #tpu.memory_space<vmem>> -> memref<64xi32, #tpu.memory_space<vmem>>
          %dma_wait3A_126 = arith.constant 0 : i32
          %dma_wait3A_127 = arith.constant 0 : i32
          %dma_wait3A_128 = tpu.memref_slice %arg2[%dma_wait3A_126, %dma_wait3A_127] : memref<10240x128xf32, #tpu.memory_space<hbm>> -> memref<10240x128xf32, #tpu.memory_space<hbm>>
          tpu.wait_indirect_dma semaphore(%arg17 : memref<!tpu.dma_semaphore, #tpu.memory_space<semaphore_mem>>) src(%dma_wait3A_128 : memref<10240x128xf32, #tpu.memory_space<hbm>>) dst(%arg13 : memref<64x128xf32, #tpu.memory_space<vmem>>)
          %dma_start3A_129 = arith.constant 0 : i32
          %dma_start3A_130 = tpu.memref_slice %arg11[%add3A_122, %dma_start3A_129] : memref<32x64xi32, #tpu.memory_space<vmem>> -> memref<1x64xi32, #tpu.memory_space<vmem>>
          %dma_start3A_131 = tpu.memref_squeeze %dma_start3A_130 : memref<1x64xi32, #tpu.memory_space<vmem>> -> memref<64xi32, #tpu.memory_space<vmem>>
          %dma_start3A_132 = arith.constant 0 : i32
          %dma_start3A_133 = arith.constant 0 : i32
          %dma_start3A_134 = tpu.memref_slice %arg9[%dma_start3A_132, %dma_start3A_133] : memref<10240x128xf32, #tpu.memory_space<vmem_shared>> -> memref<10240x128xf32, #tpu.memory_space<vmem_shared>>
          tpu.enqueue_indirect_dma source(%arg13 : memref<64x128xf32, #tpu.memory_space<vmem>>) target(%dma_start3A_134 : memref<10240x128xf32, #tpu.memory_space<vmem_shared>>) offsets(%dma_start3A_131 : memref<64xi32, #tpu.memory_space<vmem>>) semaphore(%arg21 : memref<!tpu.dma_semaphore, #tpu.memory_space<semaphore_mem>>) {add = true}
          %add3A_135 = arith.constant 2 : i32
          %add3A_136 = arith.addi %add3A_122, %add3A_135 : i32
          %gt3A_137 = arith.constant 0 : i32
          %gt3A_138 = arith.cmpi sgt, %scan3A_56, %gt3A_137 : i32
          %gt3A_139 = arith.constant 0 : i32
          %gt3A_140 = arith.cmpi sgt, %scan3A_87, %gt3A_139 : i32
          %or3A_141 = arith.ori %gt3A_138, %gt3A_140 : i1
          %convert_element_type3A_142 = arith.extui %or3A_141 : i1 to i32
          %cond3A_143 = arith.constant 0 : i32
          %cond3A_144 = arith.cmpi ne, %convert_element_type3A_142, %cond3A_143 : i32
          scf.if %cond3A_144 {
            %dma_wait3A_197 = arith.constant 0 : i32
            %dma_wait3A_198 = tpu.memref_slice %arg11[%add3A_136, %dma_wait3A_197] : memref<32x64xi32, #tpu.memory_space<vmem>> -> memref<1x64xi32, #tpu.memory_space<vmem>>
            %dma_wait3A_199 = tpu.memref_squeeze %dma_wait3A_198 : memref<1x64xi32, #tpu.memory_space<vmem>> -> memref<64xi32, #tpu.memory_space<vmem>>
            %dma_wait3A_200 = arith.constant 0 : i32
            %dma_wait3A_201 = arith.constant 0 : i32
            %dma_wait3A_202 = tpu.memref_slice %arg9[%dma_wait3A_200, %dma_wait3A_201] : memref<10240x128xf32, #tpu.memory_space<vmem_shared>> -> memref<10240x128xf32, #tpu.memory_space<vmem_shared>>
            tpu.wait_indirect_dma semaphore(%arg23 : memref<!tpu.dma_semaphore, #tpu.memory_space<semaphore_mem>>) src(%arg15 : memref<64x128xf32, #tpu.memory_space<vmem>>) dst(%dma_wait3A_202 : memref<10240x128xf32, #tpu.memory_space<vmem_shared>>)
          } else {
          }
          %dma_start3A_145 = arith.constant 0 : i32
          %dma_start3A_146 = tpu.memref_slice %arg10[%add3A_136, %dma_start3A_145] : memref<32x64xi32, #tpu.memory_space<vmem>> -> memref<1x64xi32, #tpu.memory_space<vmem>>
          %dma_start3A_147 = tpu.memref_squeeze %dma_start3A_146 : memref<1x64xi32, #tpu.memory_space<vmem>> -> memref<64xi32, #tpu.memory_space<vmem>>
          %dma_start3A_148 = arith.constant 0 : i32
          %dma_start3A_149 = arith.constant 0 : i32
          %dma_start3A_150 = tpu.memref_slice %arg2[%dma_start3A_148, %dma_start3A_149] : memref<10240x128xf32, #tpu.memory_space<hbm>> -> memref<10240x128xf32, #tpu.memory_space<hbm>>
          tpu.enqueue_indirect_dma source(%dma_start3A_150 : memref<10240x128xf32, #tpu.memory_space<hbm>>) target(%arg15 : memref<64x128xf32, #tpu.memory_space<vmem>>) offsets(%dma_start3A_147 : memref<64xi32, #tpu.memory_space<vmem>>) semaphore(%arg19 : memref<!tpu.dma_semaphore, #tpu.memory_space<semaphore_mem>>)
          %mul3A_151 = arith.constant 4 : i32
          %mul3A_152 = arith.muli %scan3A_87, %mul3A_151 : i32
          %add3A_153 = arith.constant 2 : i32
          %add3A_154 = arith.addi %mul3A_152, %add3A_153 : i32
          %dma_wait3A_155 = arith.constant 0 : i32
          %dma_wait3A_156 = tpu.memref_slice %arg10[%add3A_154, %dma_wait3A_155] : memref<32x64xi32, #tpu.memory_space<vmem>> -> memref<1x64xi32, #tpu.memory_space<vmem>>
          %dma_wait3A_157 = tpu.memref_squeeze %dma_wait3A_156 : memref<1x64xi32, #tpu.memory_space<vmem>> -> memref<64xi32, #tpu.memory_space<vmem>>
          %dma_wait3A_158 = arith.constant 0 : i32
          %dma_wait3A_159 = arith.constant 0 : i32
          %dma_wait3A_160 = tpu.memref_slice %arg2[%dma_wait3A_158, %dma_wait3A_159] : memref<10240x128xf32, #tpu.memory_space<hbm>> -> memref<10240x128xf32, #tpu.memory_space<hbm>>
          tpu.wait_indirect_dma semaphore(%arg18 : memref<!tpu.dma_semaphore, #tpu.memory_space<semaphore_mem>>) src(%dma_wait3A_160 : memref<10240x128xf32, #tpu.memory_space<hbm>>) dst(%arg14 : memref<64x128xf32, #tpu.memory_space<vmem>>)
          %dma_start3A_161 = arith.constant 0 : i32
          %dma_start3A_162 = tpu.memref_slice %arg11[%add3A_154, %dma_start3A_161] : memref<32x64xi32, #tpu.memory_space<vmem>> -> memref<1x64xi32, #tpu.memory_space<vmem>>
          %dma_start3A_163 = tpu.memref_squeeze %dma_start3A_162 : memref<1x64xi32, #tpu.memory_space<vmem>> -> memref<64xi32, #tpu.memory_space<vmem>>
          %dma_start3A_164 = arith.constant 0 : i32
          %dma_start3A_165 = arith.constant 0 : i32
          %dma_start3A_166 = tpu.memref_slice %arg9[%dma_start3A_164, %dma_start3A_165] : memref<10240x128xf32, #tpu.memory_space<vmem_shared>> -> memref<10240x128xf32, #tpu.memory_space<vmem_shared>>
          tpu.enqueue_indirect_dma source(%arg14 : memref<64x128xf32, #tpu.memory_space<vmem>>) target(%dma_start3A_166 : memref<10240x128xf32, #tpu.memory_space<vmem_shared>>) offsets(%dma_start3A_163 : memref<64xi32, #tpu.memory_space<vmem>>) semaphore(%arg22 : memref<!tpu.dma_semaphore, #tpu.memory_space<semaphore_mem>>) {add = true}
          %add3A_167 = arith.constant 2 : i32
          %add3A_168 = arith.addi %add3A_154, %add3A_167 : i32
          %lt3A_169 = arith.constant 7 : i32
          %lt3A_170 = arith.cmpi slt, %scan3A_87, %lt3A_169 : i32
          %convert_element_type3A_171 = arith.extui %lt3A_170 : i1 to i32
          %cond3A_172 = arith.constant 0 : i32
          %cond3A_173 = arith.cmpi ne, %convert_element_type3A_171, %cond3A_172 : i32
          scf.if %cond3A_173 {
            %dma_wait3A_197 = arith.constant 0 : i32
            %dma_wait3A_198 = tpu.memref_slice %arg11[%add3A_168, %dma_wait3A_197] : memref<32x64xi32, #tpu.memory_space<vmem>> -> memref<1x64xi32, #tpu.memory_space<vmem>>
            %dma_wait3A_199 = tpu.memref_squeeze %dma_wait3A_198 : memref<1x64xi32, #tpu.memory_space<vmem>> -> memref<64xi32, #tpu.memory_space<vmem>>
            %dma_wait3A_200 = arith.constant 0 : i32
            %dma_wait3A_201 = arith.constant 0 : i32
            %dma_wait3A_202 = tpu.memref_slice %arg9[%dma_wait3A_200, %dma_wait3A_201] : memref<10240x128xf32, #tpu.memory_space<vmem_shared>> -> memref<10240x128xf32, #tpu.memory_space<vmem_shared>>
            tpu.wait_indirect_dma semaphore(%arg20 : memref<!tpu.dma_semaphore, #tpu.memory_space<semaphore_mem>>) src(%arg12 : memref<64x128xf32, #tpu.memory_space<vmem>>) dst(%dma_wait3A_202 : memref<10240x128xf32, #tpu.memory_space<vmem_shared>>)
            %dma_start3A_203 = arith.constant 0 : i32
            %dma_start3A_204 = tpu.memref_slice %arg10[%add3A_168, %dma_start3A_203] : memref<32x64xi32, #tpu.memory_space<vmem>> -> memref<1x64xi32, #tpu.memory_space<vmem>>
            %dma_start3A_205 = tpu.memref_squeeze %dma_start3A_204 : memref<1x64xi32, #tpu.memory_space<vmem>> -> memref<64xi32, #tpu.memory_space<vmem>>
            %dma_start3A_206 = arith.constant 0 : i32
            %dma_start3A_207 = arith.constant 0 : i32
            %dma_start3A_208 = tpu.memref_slice %arg2[%dma_start3A_206, %dma_start3A_207] : memref<10240x128xf32, #tpu.memory_space<hbm>> -> memref<10240x128xf32, #tpu.memory_space<hbm>>
            tpu.enqueue_indirect_dma source(%dma_start3A_208 : memref<10240x128xf32, #tpu.memory_space<hbm>>) target(%arg12 : memref<64x128xf32, #tpu.memory_space<vmem>>) offsets(%dma_start3A_205 : memref<64xi32, #tpu.memory_space<vmem>>) semaphore(%arg16 : memref<!tpu.dma_semaphore, #tpu.memory_space<semaphore_mem>>)
          } else {
          }
          %mul3A_174 = arith.constant 4 : i32
          %mul3A_175 = arith.muli %scan3A_87, %mul3A_174 : i32
          %add3A_176 = arith.constant 3 : i32
          %add3A_177 = arith.addi %mul3A_175, %add3A_176 : i32
          %dma_wait3A_178 = arith.constant 0 : i32
          %dma_wait3A_179 = tpu.memref_slice %arg10[%add3A_177, %dma_wait3A_178] : memref<32x64xi32, #tpu.memory_space<vmem>> -> memref<1x64xi32, #tpu.memory_space<vmem>>
          %dma_wait3A_180 = tpu.memref_squeeze %dma_wait3A_179 : memref<1x64xi32, #tpu.memory_space<vmem>> -> memref<64xi32, #tpu.memory_space<vmem>>
          %dma_wait3A_181 = arith.constant 0 : i32
          %dma_wait3A_182 = arith.constant 0 : i32
          %dma_wait3A_183 = tpu.memref_slice %arg2[%dma_wait3A_181, %dma_wait3A_182] : memref<10240x128xf32, #tpu.memory_space<hbm>> -> memref<10240x128xf32, #tpu.memory_space<hbm>>
          tpu.wait_indirect_dma semaphore(%arg19 : memref<!tpu.dma_semaphore, #tpu.memory_space<semaphore_mem>>) src(%dma_wait3A_183 : memref<10240x128xf32, #tpu.memory_space<hbm>>) dst(%arg15 : memref<64x128xf32, #tpu.memory_space<vmem>>)
          %dma_start3A_184 = arith.constant 0 : i32
          %dma_start3A_185 = tpu.memref_slice %arg11[%add3A_177, %dma_start3A_184] : memref<32x64xi32, #tpu.memory_space<vmem>> -> memref<1x64xi32, #tpu.memory_space<vmem>>
          %dma_start3A_186 = tpu.memref_squeeze %dma_start3A_185 : memref<1x64xi32, #tpu.memory_space<vmem>> -> memref<64xi32, #tpu.memory_space<vmem>>
          %dma_start3A_187 = arith.constant 0 : i32
          %dma_start3A_188 = arith.constant 0 : i32
          %dma_start3A_189 = tpu.memref_slice %arg9[%dma_start3A_187, %dma_start3A_188] : memref<10240x128xf32, #tpu.memory_space<vmem_shared>> -> memref<10240x128xf32, #tpu.memory_space<vmem_shared>>
          tpu.enqueue_indirect_dma source(%arg15 : memref<64x128xf32, #tpu.memory_space<vmem>>) target(%dma_start3A_189 : memref<10240x128xf32, #tpu.memory_space<vmem_shared>>) offsets(%dma_start3A_186 : memref<64xi32, #tpu.memory_space<vmem>>) semaphore(%arg23 : memref<!tpu.dma_semaphore, #tpu.memory_space<semaphore_mem>>) {add = true}
          %add3A_190 = arith.constant 2 : i32
          %add3A_191 = arith.addi %add3A_177, %add3A_190 : i32
          %lt3A_192 = arith.constant 7 : i32
          %lt3A_193 = arith.cmpi slt, %scan3A_87, %lt3A_192 : i32
          %convert_element_type3A_194 = arith.extui %lt3A_193 : i1 to i32
          %cond3A_195 = arith.constant 0 : i32
          %cond3A_196 = arith.cmpi ne, %convert_element_type3A_194, %cond3A_195 : i32
          scf.if %cond3A_196 {
            %dma_wait3A_197 = arith.constant 0 : i32
            %dma_wait3A_198 = tpu.memref_slice %arg11[%add3A_191, %dma_wait3A_197] : memref<32x64xi32, #tpu.memory_space<vmem>> -> memref<1x64xi32, #tpu.memory_space<vmem>>
            %dma_wait3A_199 = tpu.memref_squeeze %dma_wait3A_198 : memref<1x64xi32, #tpu.memory_space<vmem>> -> memref<64xi32, #tpu.memory_space<vmem>>
            %dma_wait3A_200 = arith.constant 0 : i32
            %dma_wait3A_201 = arith.constant 0 : i32
            %dma_wait3A_202 = tpu.memref_slice %arg9[%dma_wait3A_200, %dma_wait3A_201] : memref<10240x128xf32, #tpu.memory_space<vmem_shared>> -> memref<10240x128xf32, #tpu.memory_space<vmem_shared>>
            tpu.wait_indirect_dma semaphore(%arg21 : memref<!tpu.dma_semaphore, #tpu.memory_space<semaphore_mem>>) src(%arg13 : memref<64x128xf32, #tpu.memory_space<vmem>>) dst(%dma_wait3A_202 : memref<10240x128xf32, #tpu.memory_space<vmem_shared>>)
            %dma_start3A_203 = arith.constant 0 : i32
            %dma_start3A_204 = tpu.memref_slice %arg10[%add3A_191, %dma_start3A_203] : memref<32x64xi32, #tpu.memory_space<vmem>> -> memref<1x64xi32, #tpu.memory_space<vmem>>
            %dma_start3A_205 = tpu.memref_squeeze %dma_start3A_204 : memref<1x64xi32, #tpu.memory_space<vmem>> -> memref<64xi32, #tpu.memory_space<vmem>>
            %dma_start3A_206 = arith.constant 0 : i32
            %dma_start3A_207 = arith.constant 0 : i32
            %dma_start3A_208 = tpu.memref_slice %arg2[%dma_start3A_206, %dma_start3A_207] : memref<10240x128xf32, #tpu.memory_space<hbm>> -> memref<10240x128xf32, #tpu.memory_space<hbm>>
            tpu.enqueue_indirect_dma source(%dma_start3A_208 : memref<10240x128xf32, #tpu.memory_space<hbm>>) target(%arg13 : memref<64x128xf32, #tpu.memory_space<vmem>>) offsets(%dma_start3A_205 : memref<64xi32, #tpu.memory_space<vmem>>) semaphore(%arg17 : memref<!tpu.dma_semaphore, #tpu.memory_space<semaphore_mem>>)
          } else {
          }
        }
        %scan3A_86 = arith.constant 8 : i32
      }
      %scan3A_28 = arith.constant 5 : i32
      %dma_wait3A = arith.constant 0 : i32
      %dma_wait3A_29 = arith.constant 0 : i32
      %dma_wait3A_30 = tpu.memref_slice %arg11[%dma_wait3A, %dma_wait3A_29] : memref<32x64xi32, #tpu.memory_space<vmem>> -> memref<1x64xi32, #tpu.memory_space<vmem>>
      %dma_wait3A_31 = tpu.memref_squeeze %dma_wait3A_30 : memref<1x64xi32, #tpu.memory_space<vmem>> -> memref<64xi32, #tpu.memory_space<vmem>>
      %dma_wait3A_32 = arith.constant 0 : i32
      %dma_wait3A_33 = arith.constant 0 : i32
      %dma_wait3A_34 = tpu.memref_slice %arg9[%dma_wait3A_32, %dma_wait3A_33] : memref<10240x128xf32, #tpu.memory_space<vmem_shared>> -> memref<10240x128xf32, #tpu.memory_space<vmem_shared>>
      tpu.wait_indirect_dma semaphore(%arg20 : memref<!tpu.dma_semaphore, #tpu.memory_space<semaphore_mem>>) src(%arg12 : memref<64x128xf32, #tpu.memory_space<vmem>>) dst(%dma_wait3A_34 : memref<10240x128xf32, #tpu.memory_space<vmem_shared>>)
      %dma_wait3A_35 = arith.constant 1 : i32
      %dma_wait3A_36 = arith.constant 0 : i32
      %dma_wait3A_37 = tpu.memref_slice %arg11[%dma_wait3A_35, %dma_wait3A_36] : memref<32x64xi32, #tpu.memory_space<vmem>> -> memref<1x64xi32, #tpu.memory_space<vmem>>
      %dma_wait3A_38 = tpu.memref_squeeze %dma_wait3A_37 : memref<1x64xi32, #tpu.memory_space<vmem>> -> memref<64xi32, #tpu.memory_space<vmem>>
      %dma_wait3A_39 = arith.constant 0 : i32
      %dma_wait3A_40 = arith.constant 0 : i32
      %dma_wait3A_41 = tpu.memref_slice %arg9[%dma_wait3A_39, %dma_wait3A_40] : memref<10240x128xf32, #tpu.memory_space<vmem_shared>> -> memref<10240x128xf32, #tpu.memory_space<vmem_shared>>
      tpu.wait_indirect_dma semaphore(%arg21 : memref<!tpu.dma_semaphore, #tpu.memory_space<semaphore_mem>>) src(%arg13 : memref<64x128xf32, #tpu.memory_space<vmem>>) dst(%dma_wait3A_41 : memref<10240x128xf32, #tpu.memory_space<vmem_shared>>)
      %dma_wait3A_42 = arith.constant 2 : i32
      %dma_wait3A_43 = arith.constant 0 : i32
      %dma_wait3A_44 = tpu.memref_slice %arg11[%dma_wait3A_42, %dma_wait3A_43] : memref<32x64xi32, #tpu.memory_space<vmem>> -> memref<1x64xi32, #tpu.memory_space<vmem>>
      %dma_wait3A_45 = tpu.memref_squeeze %dma_wait3A_44 : memref<1x64xi32, #tpu.memory_space<vmem>> -> memref<64xi32, #tpu.memory_space<vmem>>
      %dma_wait3A_46 = arith.constant 0 : i32
      %dma_wait3A_47 = arith.constant 0 : i32
      %dma_wait3A_48 = tpu.memref_slice %arg9[%dma_wait3A_46, %dma_wait3A_47] : memref<10240x128xf32, #tpu.memory_space<vmem_shared>> -> memref<10240x128xf32, #tpu.memory_space<vmem_shared>>
      tpu.wait_indirect_dma semaphore(%arg22 : memref<!tpu.dma_semaphore, #tpu.memory_space<semaphore_mem>>) src(%arg14 : memref<64x128xf32, #tpu.memory_space<vmem>>) dst(%dma_wait3A_48 : memref<10240x128xf32, #tpu.memory_space<vmem_shared>>)
      %dma_wait3A_49 = arith.constant 3 : i32
      %dma_wait3A_50 = arith.constant 0 : i32
      %dma_wait3A_51 = tpu.memref_slice %arg11[%dma_wait3A_49, %dma_wait3A_50] : memref<32x64xi32, #tpu.memory_space<vmem>> -> memref<1x64xi32, #tpu.memory_space<vmem>>
      %dma_wait3A_52 = tpu.memref_squeeze %dma_wait3A_51 : memref<1x64xi32, #tpu.memory_space<vmem>> -> memref<64xi32, #tpu.memory_space<vmem>>
      %dma_wait3A_53 = arith.constant 0 : i32
      %dma_wait3A_54 = arith.constant 0 : i32
      %dma_wait3A_55 = tpu.memref_slice %arg9[%dma_wait3A_53, %dma_wait3A_54] : memref<10240x128xf32, #tpu.memory_space<vmem_shared>> -> memref<10240x128xf32, #tpu.memory_space<vmem_shared>>
      tpu.wait_indirect_dma semaphore(%arg23 : memref<!tpu.dma_semaphore, #tpu.memory_space<semaphore_mem>>) src(%arg15 : memref<64x128xf32, #tpu.memory_space<vmem>>) dst(%dma_wait3A_55 : memref<10240x128xf32, #tpu.memory_space<vmem_shared>>)
    } else {
    }
    %eq3A = arith.constant 31 : i32
    %eq3A_7 = arith.cmpi eq, %add3A, %eq3A : i32
    %convert_element_type3A_8 = arith.extui %eq3A_7 : i1 to i32
    %cond3A_9 = arith.constant 0 : i32
    %cond3A_10 = arith.cmpi ne, %convert_element_type3A_8, %cond3A_9 : i32
    scf.if %cond3A_10 {
      %scan3A = arith.constant 0 : i32
      %scan3A_22 = arith.constant 0 : i32
      %scan3A_23 = arith.constant 5 : i32
      %scan3A_24 = arith.addi %scan3A_22, %scan3A_23 : i32
      %scan3A_25 = arith.constant 1 : i32
      scf.for %scan3A_54 = %scan3A_22 to %scan3A_24 step %scan3A_25  : i32 {
        %mul3A_55 = arith.constant 32 : i32
        %mul3A_56 = arith.muli %scan3A_54, %mul3A_55 : i32
        %add3A_57 = arith.constant 160 : i32
        %add3A_58 = arith.addi %add3A_57, %mul3A_56 : i32
        "tpu.region"() ({
          %run_scoped3A = tpu.sem_alloc : memref<!tpu.dma_semaphore, #tpu.memory_space<semaphore_mem>>
          %dma_start3A_86 = arith.constant 0 : i32
          %dma_start3A_87 = tpu.memref_slice %arg5[%add3A_58, %dma_start3A_86] : memref<320x64xi32, #tpu.memory_space<hbm>> -> memref<32x64xi32, #tpu.memory_space<hbm>>
          %dma_start3A_88 = arith.constant 0 : i32
          %dma_start3A_89 = tpu.memref_slice %arg5[%add3A_58, %dma_start3A_88] : memref<320x64xi32, #tpu.memory_space<hbm>> -> memref<32x64xi32, #tpu.memory_space<hbm>>
          tpu.enqueue_dma source(%dma_start3A_89 : memref<32x64xi32, #tpu.memory_space<hbm>>) target(%arg10 : memref<32x64xi32, #tpu.memory_space<vmem>>) target_semaphore(%run_scoped3A : memref<!tpu.dma_semaphore, #tpu.memory_space<semaphore_mem>>)
          %dma_wait3A_90 = arith.constant 0 : i32
          %dma_wait3A_91 = tpu.memref_slice %arg5[%add3A_58, %dma_wait3A_90] : memref<320x64xi32, #tpu.memory_space<hbm>> -> memref<32x64xi32, #tpu.memory_space<hbm>>
          %dma_wait3A_92 = arith.constant 0 : i32
          %dma_wait3A_93 = tpu.memref_slice %arg5[%add3A_58, %dma_wait3A_92] : memref<320x64xi32, #tpu.memory_space<hbm>> -> memref<32x64xi32, #tpu.memory_space<hbm>>
          tpu.wait_dma2 semaphore(%run_scoped3A : memref<!tpu.dma_semaphore, #tpu.memory_space<semaphore_mem>>) src(%dma_wait3A_93 : memref<32x64xi32, #tpu.memory_space<hbm>>) dst(%arg10 : memref<32x64xi32, #tpu.memory_space<vmem>>)
          tpu.yield
        }) : () -> ()
        "tpu.region"() ({
          %run_scoped3A = tpu.sem_alloc : memref<!tpu.dma_semaphore, #tpu.memory_space<semaphore_mem>>
          %dma_start3A_86 = arith.constant 0 : i32
          %dma_start3A_87 = tpu.memref_slice %arg6[%add3A_58, %dma_start3A_86] : memref<320x64xi32, #tpu.memory_space<hbm>> -> memref<32x64xi32, #tpu.memory_space<hbm>>
          %dma_start3A_88 = arith.constant 0 : i32
          %dma_start3A_89 = tpu.memref_slice %arg6[%add3A_58, %dma_start3A_88] : memref<320x64xi32, #tpu.memory_space<hbm>> -> memref<32x64xi32, #tpu.memory_space<hbm>>
          tpu.enqueue_dma source(%dma_start3A_89 : memref<32x64xi32, #tpu.memory_space<hbm>>) target(%arg11 : memref<32x64xi32, #tpu.memory_space<vmem>>) target_semaphore(%run_scoped3A : memref<!tpu.dma_semaphore, #tpu.memory_space<semaphore_mem>>)
          %dma_wait3A_90 = arith.constant 0 : i32
          %dma_wait3A_91 = tpu.memref_slice %arg6[%add3A_58, %dma_wait3A_90] : memref<320x64xi32, #tpu.memory_space<hbm>> -> memref<32x64xi32, #tpu.memory_space<hbm>>
          %dma_wait3A_92 = arith.constant 0 : i32
          %dma_wait3A_93 = tpu.memref_slice %arg6[%add3A_58, %dma_wait3A_92] : memref<320x64xi32, #tpu.memory_space<hbm>> -> memref<32x64xi32, #tpu.memory_space<hbm>>
          tpu.wait_dma2 semaphore(%run_scoped3A : memref<!tpu.dma_semaphore, #tpu.memory_space<semaphore_mem>>) src(%dma_wait3A_93 : memref<32x64xi32, #tpu.memory_space<hbm>>) dst(%arg11 : memref<32x64xi32, #tpu.memory_space<vmem>>)
          tpu.yield
        }) : () -> ()
        %gt3A = arith.constant 0 : i32
        %gt3A_59 = arith.cmpi sgt, %scan3A_54, %gt3A : i32
        %convert_element_type3A_60 = arith.extui %gt3A_59 : i1 to i32
        %cond3A_61 = arith.constant 0 : i32
        %cond3A_62 = arith.cmpi ne, %convert_element_type3A_60, %cond3A_61 : i32
        scf.if %cond3A_62 {
          %dma_wait3A_86 = arith.constant 0 : i32
          %dma_wait3A_87 = arith.constant 0 : i32
          %dma_wait3A_88 = tpu.memref_slice %arg11[%dma_wait3A_86, %dma_wait3A_87] : memref<32x64xi32, #tpu.memory_space<vmem>> -> memref<1x64xi32, #tpu.memory_space<vmem>>
          %dma_wait3A_89 = tpu.memref_squeeze %dma_wait3A_88 : memref<1x64xi32, #tpu.memory_space<vmem>> -> memref<64xi32, #tpu.memory_space<vmem>>
          %dma_wait3A_90 = arith.constant 0 : i32
          %dma_wait3A_91 = arith.constant 0 : i32
          %dma_wait3A_92 = tpu.memref_slice %arg9[%dma_wait3A_90, %dma_wait3A_91] : memref<10240x128xf32, #tpu.memory_space<vmem_shared>> -> memref<10240x128xf32, #tpu.memory_space<vmem_shared>>
          tpu.wait_indirect_dma semaphore(%arg20 : memref<!tpu.dma_semaphore, #tpu.memory_space<semaphore_mem>>) src(%arg12 : memref<64x128xf32, #tpu.memory_space<vmem>>) dst(%dma_wait3A_92 : memref<10240x128xf32, #tpu.memory_space<vmem_shared>>)
        } else {
        }
        %dma_start3A = arith.constant 0 : i32
        %dma_start3A_63 = arith.constant 0 : i32
        %dma_start3A_64 = tpu.memref_slice %arg10[%dma_start3A, %dma_start3A_63] : memref<32x64xi32, #tpu.memory_space<vmem>> -> memref<1x64xi32, #tpu.memory_space<vmem>>
        %dma_start3A_65 = tpu.memref_squeeze %dma_start3A_64 : memref<1x64xi32, #tpu.memory_space<vmem>> -> memref<64xi32, #tpu.memory_space<vmem>>
        %dma_start3A_66 = arith.constant 0 : i32
        %dma_start3A_67 = arith.constant 0 : i32
        %dma_start3A_68 = tpu.memref_slice %arg2[%dma_start3A_66, %dma_start3A_67] : memref<10240x128xf32, #tpu.memory_space<hbm>> -> memref<10240x128xf32, #tpu.memory_space<hbm>>
        tpu.enqueue_indirect_dma source(%dma_start3A_68 : memref<10240x128xf32, #tpu.memory_space<hbm>>) target(%arg12 : memref<64x128xf32, #tpu.memory_space<vmem>>) offsets(%dma_start3A_65 : memref<64xi32, #tpu.memory_space<vmem>>) semaphore(%arg16 : memref<!tpu.dma_semaphore, #tpu.memory_space<semaphore_mem>>)
        %gt3A_69 = arith.constant 0 : i32
        %gt3A_70 = arith.cmpi sgt, %scan3A_54, %gt3A_69 : i32
        %convert_element_type3A_71 = arith.extui %gt3A_70 : i1 to i32
        %cond3A_72 = arith.constant 0 : i32
        %cond3A_73 = arith.cmpi ne, %convert_element_type3A_71, %cond3A_72 : i32
        scf.if %cond3A_73 {
          %dma_wait3A_86 = arith.constant 1 : i32
          %dma_wait3A_87 = arith.constant 0 : i32
          %dma_wait3A_88 = tpu.memref_slice %arg11[%dma_wait3A_86, %dma_wait3A_87] : memref<32x64xi32, #tpu.memory_space<vmem>> -> memref<1x64xi32, #tpu.memory_space<vmem>>
          %dma_wait3A_89 = tpu.memref_squeeze %dma_wait3A_88 : memref<1x64xi32, #tpu.memory_space<vmem>> -> memref<64xi32, #tpu.memory_space<vmem>>
          %dma_wait3A_90 = arith.constant 0 : i32
          %dma_wait3A_91 = arith.constant 0 : i32
          %dma_wait3A_92 = tpu.memref_slice %arg9[%dma_wait3A_90, %dma_wait3A_91] : memref<10240x128xf32, #tpu.memory_space<vmem_shared>> -> memref<10240x128xf32, #tpu.memory_space<vmem_shared>>
          tpu.wait_indirect_dma semaphore(%arg21 : memref<!tpu.dma_semaphore, #tpu.memory_space<semaphore_mem>>) src(%arg13 : memref<64x128xf32, #tpu.memory_space<vmem>>) dst(%dma_wait3A_92 : memref<10240x128xf32, #tpu.memory_space<vmem_shared>>)
        } else {
        }
        %dma_start3A_74 = arith.constant 1 : i32
        %dma_start3A_75 = arith.constant 0 : i32
        %dma_start3A_76 = tpu.memref_slice %arg10[%dma_start3A_74, %dma_start3A_75] : memref<32x64xi32, #tpu.memory_space<vmem>> -> memref<1x64xi32, #tpu.memory_space<vmem>>
        %dma_start3A_77 = tpu.memref_squeeze %dma_start3A_76 : memref<1x64xi32, #tpu.memory_space<vmem>> -> memref<64xi32, #tpu.memory_space<vmem>>
        %dma_start3A_78 = arith.constant 0 : i32
        %dma_start3A_79 = arith.constant 0 : i32
        %dma_start3A_80 = tpu.memref_slice %arg2[%dma_start3A_78, %dma_start3A_79] : memref<10240x128xf32, #tpu.memory_space<hbm>> -> memref<10240x128xf32, #tpu.memory_space<hbm>>
        tpu.enqueue_indirect_dma source(%dma_start3A_80 : memref<10240x128xf32, #tpu.memory_space<hbm>>) target(%arg13 : memref<64x128xf32, #tpu.memory_space<vmem>>) offsets(%dma_start3A_77 : memref<64xi32, #tpu.memory_space<vmem>>) semaphore(%arg17 : memref<!tpu.dma_semaphore, #tpu.memory_space<semaphore_mem>>)
        %scan3A_81 = arith.constant 0 : i32
        %scan3A_82 = arith.constant 8 : i32
        %scan3A_83 = arith.addi %scan3A_81, %scan3A_82 : i32
        %scan3A_84 = arith.constant 1 : i32
        scf.for %scan3A_86 = %scan3A_81 to %scan3A_83 step %scan3A_84  : i32 {
          %mul3A_87 = arith.constant 4 : i32
          %mul3A_88 = arith.muli %scan3A_86, %mul3A_87 : i32
          %add3A_89 = arith.constant 0 : i32
          %add3A_90 = arith.addi %mul3A_88, %add3A_89 : i32
          %dma_wait3A_91 = arith.constant 0 : i32
          %dma_wait3A_92 = tpu.memref_slice %arg10[%add3A_90, %dma_wait3A_91] : memref<32x64xi32, #tpu.memory_space<vmem>> -> memref<1x64xi32, #tpu.memory_space<vmem>>
          %dma_wait3A_93 = tpu.memref_squeeze %dma_wait3A_92 : memref<1x64xi32, #tpu.memory_space<vmem>> -> memref<64xi32, #tpu.memory_space<vmem>>
          %dma_wait3A_94 = arith.constant 0 : i32
          %dma_wait3A_95 = arith.constant 0 : i32
          %dma_wait3A_96 = tpu.memref_slice %arg2[%dma_wait3A_94, %dma_wait3A_95] : memref<10240x128xf32, #tpu.memory_space<hbm>> -> memref<10240x128xf32, #tpu.memory_space<hbm>>
          tpu.wait_indirect_dma semaphore(%arg16 : memref<!tpu.dma_semaphore, #tpu.memory_space<semaphore_mem>>) src(%dma_wait3A_96 : memref<10240x128xf32, #tpu.memory_space<hbm>>) dst(%arg12 : memref<64x128xf32, #tpu.memory_space<vmem>>)
          %dma_start3A_97 = arith.constant 0 : i32
          %dma_start3A_98 = tpu.memref_slice %arg11[%add3A_90, %dma_start3A_97] : memref<32x64xi32, #tpu.memory_space<vmem>> -> memref<1x64xi32, #tpu.memory_space<vmem>>
          %dma_start3A_99 = tpu.memref_squeeze %dma_start3A_98 : memref<1x64xi32, #tpu.memory_space<vmem>> -> memref<64xi32, #tpu.memory_space<vmem>>
          %dma_start3A_100 = arith.constant 0 : i32
          %dma_start3A_101 = arith.constant 0 : i32
          %dma_start3A_102 = tpu.memref_slice %arg9[%dma_start3A_100, %dma_start3A_101] : memref<10240x128xf32, #tpu.memory_space<vmem_shared>> -> memref<10240x128xf32, #tpu.memory_space<vmem_shared>>
          tpu.enqueue_indirect_dma source(%arg12 : memref<64x128xf32, #tpu.memory_space<vmem>>) target(%dma_start3A_102 : memref<10240x128xf32, #tpu.memory_space<vmem_shared>>) offsets(%dma_start3A_99 : memref<64xi32, #tpu.memory_space<vmem>>) semaphore(%arg20 : memref<!tpu.dma_semaphore, #tpu.memory_space<semaphore_mem>>) {add = true}
          %add3A_103 = arith.constant 2 : i32
          %add3A_104 = arith.addi %add3A_90, %add3A_103 : i32
          %gt3A_105 = arith.constant 0 : i32
          %gt3A_106 = arith.cmpi sgt, %scan3A_54, %gt3A_105 : i32
          %gt3A_107 = arith.constant 0 : i32
          %gt3A_108 = arith.cmpi sgt, %scan3A_86, %gt3A_107 : i32
          %or3A = arith.ori %gt3A_106, %gt3A_108 : i1
          %convert_element_type3A_109 = arith.extui %or3A : i1 to i32
          %cond3A_110 = arith.constant 0 : i32
          %cond3A_111 = arith.cmpi ne, %convert_element_type3A_109, %cond3A_110 : i32
          scf.if %cond3A_111 {
            %dma_wait3A_196 = arith.constant 0 : i32
            %dma_wait3A_197 = tpu.memref_slice %arg11[%add3A_104, %dma_wait3A_196] : memref<32x64xi32, #tpu.memory_space<vmem>> -> memref<1x64xi32, #tpu.memory_space<vmem>>
            %dma_wait3A_198 = tpu.memref_squeeze %dma_wait3A_197 : memref<1x64xi32, #tpu.memory_space<vmem>> -> memref<64xi32, #tpu.memory_space<vmem>>
            %dma_wait3A_199 = arith.constant 0 : i32
            %dma_wait3A_200 = arith.constant 0 : i32
            %dma_wait3A_201 = tpu.memref_slice %arg9[%dma_wait3A_199, %dma_wait3A_200] : memref<10240x128xf32, #tpu.memory_space<vmem_shared>> -> memref<10240x128xf32, #tpu.memory_space<vmem_shared>>
            tpu.wait_indirect_dma semaphore(%arg22 : memref<!tpu.dma_semaphore, #tpu.memory_space<semaphore_mem>>) src(%arg14 : memref<64x128xf32, #tpu.memory_space<vmem>>) dst(%dma_wait3A_201 : memref<10240x128xf32, #tpu.memory_space<vmem_shared>>)
          } else {
          }
          %dma_start3A_112 = arith.constant 0 : i32
          %dma_start3A_113 = tpu.memref_slice %arg10[%add3A_104, %dma_start3A_112] : memref<32x64xi32, #tpu.memory_space<vmem>> -> memref<1x64xi32, #tpu.memory_space<vmem>>
          %dma_start3A_114 = tpu.memref_squeeze %dma_start3A_113 : memref<1x64xi32, #tpu.memory_space<vmem>> -> memref<64xi32, #tpu.memory_space<vmem>>
          %dma_start3A_115 = arith.constant 0 : i32
          %dma_start3A_116 = arith.constant 0 : i32
          %dma_start3A_117 = tpu.memref_slice %arg2[%dma_start3A_115, %dma_start3A_116] : memref<10240x128xf32, #tpu.memory_space<hbm>> -> memref<10240x128xf32, #tpu.memory_space<hbm>>
          tpu.enqueue_indirect_dma source(%dma_start3A_117 : memref<10240x128xf32, #tpu.memory_space<hbm>>) target(%arg14 : memref<64x128xf32, #tpu.memory_space<vmem>>) offsets(%dma_start3A_114 : memref<64xi32, #tpu.memory_space<vmem>>) semaphore(%arg18 : memref<!tpu.dma_semaphore, #tpu.memory_space<semaphore_mem>>)
          %mul3A_118 = arith.constant 4 : i32
          %mul3A_119 = arith.muli %scan3A_86, %mul3A_118 : i32
          %add3A_120 = arith.constant 1 : i32
          %add3A_121 = arith.addi %mul3A_119, %add3A_120 : i32
          %dma_wait3A_122 = arith.constant 0 : i32
          %dma_wait3A_123 = tpu.memref_slice %arg10[%add3A_121, %dma_wait3A_122] : memref<32x64xi32, #tpu.memory_space<vmem>> -> memref<1x64xi32, #tpu.memory_space<vmem>>
          %dma_wait3A_124 = tpu.memref_squeeze %dma_wait3A_123 : memref<1x64xi32, #tpu.memory_space<vmem>> -> memref<64xi32, #tpu.memory_space<vmem>>
          %dma_wait3A_125 = arith.constant 0 : i32
          %dma_wait3A_126 = arith.constant 0 : i32
          %dma_wait3A_127 = tpu.memref_slice %arg2[%dma_wait3A_125, %dma_wait3A_126] : memref<10240x128xf32, #tpu.memory_space<hbm>> -> memref<10240x128xf32, #tpu.memory_space<hbm>>
          tpu.wait_indirect_dma semaphore(%arg17 : memref<!tpu.dma_semaphore, #tpu.memory_space<semaphore_mem>>) src(%dma_wait3A_127 : memref<10240x128xf32, #tpu.memory_space<hbm>>) dst(%arg13 : memref<64x128xf32, #tpu.memory_space<vmem>>)
          %dma_start3A_128 = arith.constant 0 : i32
          %dma_start3A_129 = tpu.memref_slice %arg11[%add3A_121, %dma_start3A_128] : memref<32x64xi32, #tpu.memory_space<vmem>> -> memref<1x64xi32, #tpu.memory_space<vmem>>
          %dma_start3A_130 = tpu.memref_squeeze %dma_start3A_129 : memref<1x64xi32, #tpu.memory_space<vmem>> -> memref<64xi32, #tpu.memory_space<vmem>>
          %dma_start3A_131 = arith.constant 0 : i32
          %dma_start3A_132 = arith.constant 0 : i32
          %dma_start3A_133 = tpu.memref_slice %arg9[%dma_start3A_131, %dma_start3A_132] : memref<10240x128xf32, #tpu.memory_space<vmem_shared>> -> memref<10240x128xf32, #tpu.memory_space<vmem_shared>>
          tpu.enqueue_indirect_dma source(%arg13 : memref<64x128xf32, #tpu.memory_space<vmem>>) target(%dma_start3A_133 : memref<10240x128xf32, #tpu.memory_space<vmem_shared>>) offsets(%dma_start3A_130 : memref<64xi32, #tpu.memory_space<vmem>>) semaphore(%arg21 : memref<!tpu.dma_semaphore, #tpu.memory_space<semaphore_mem>>) {add = true}
          %add3A_134 = arith.constant 2 : i32
          %add3A_135 = arith.addi %add3A_121, %add3A_134 : i32
          %gt3A_136 = arith.constant 0 : i32
          %gt3A_137 = arith.cmpi sgt, %scan3A_54, %gt3A_136 : i32
          %gt3A_138 = arith.constant 0 : i32
          %gt3A_139 = arith.cmpi sgt, %scan3A_86, %gt3A_138 : i32
          %or3A_140 = arith.ori %gt3A_137, %gt3A_139 : i1
          %convert_element_type3A_141 = arith.extui %or3A_140 : i1 to i32
          %cond3A_142 = arith.constant 0 : i32
          %cond3A_143 = arith.cmpi ne, %convert_element_type3A_141, %cond3A_142 : i32
          scf.if %cond3A_143 {
            %dma_wait3A_196 = arith.constant 0 : i32
            %dma_wait3A_197 = tpu.memref_slice %arg11[%add3A_135, %dma_wait3A_196] : memref<32x64xi32, #tpu.memory_space<vmem>> -> memref<1x64xi32, #tpu.memory_space<vmem>>
            %dma_wait3A_198 = tpu.memref_squeeze %dma_wait3A_197 : memref<1x64xi32, #tpu.memory_space<vmem>> -> memref<64xi32, #tpu.memory_space<vmem>>
            %dma_wait3A_199 = arith.constant 0 : i32
            %dma_wait3A_200 = arith.constant 0 : i32
            %dma_wait3A_201 = tpu.memref_slice %arg9[%dma_wait3A_199, %dma_wait3A_200] : memref<10240x128xf32, #tpu.memory_space<vmem_shared>> -> memref<10240x128xf32, #tpu.memory_space<vmem_shared>>
            tpu.wait_indirect_dma semaphore(%arg23 : memref<!tpu.dma_semaphore, #tpu.memory_space<semaphore_mem>>) src(%arg15 : memref<64x128xf32, #tpu.memory_space<vmem>>) dst(%dma_wait3A_201 : memref<10240x128xf32, #tpu.memory_space<vmem_shared>>)
          } else {
          }
          %dma_start3A_144 = arith.constant 0 : i32
          %dma_start3A_145 = tpu.memref_slice %arg10[%add3A_135, %dma_start3A_144] : memref<32x64xi32, #tpu.memory_space<vmem>> -> memref<1x64xi32, #tpu.memory_space<vmem>>
          %dma_start3A_146 = tpu.memref_squeeze %dma_start3A_145 : memref<1x64xi32, #tpu.memory_space<vmem>> -> memref<64xi32, #tpu.memory_space<vmem>>
          %dma_start3A_147 = arith.constant 0 : i32
          %dma_start3A_148 = arith.constant 0 : i32
          %dma_start3A_149 = tpu.memref_slice %arg2[%dma_start3A_147, %dma_start3A_148] : memref<10240x128xf32, #tpu.memory_space<hbm>> -> memref<10240x128xf32, #tpu.memory_space<hbm>>
          tpu.enqueue_indirect_dma source(%dma_start3A_149 : memref<10240x128xf32, #tpu.memory_space<hbm>>) target(%arg15 : memref<64x128xf32, #tpu.memory_space<vmem>>) offsets(%dma_start3A_146 : memref<64xi32, #tpu.memory_space<vmem>>) semaphore(%arg19 : memref<!tpu.dma_semaphore, #tpu.memory_space<semaphore_mem>>)
          %mul3A_150 = arith.constant 4 : i32
          %mul3A_151 = arith.muli %scan3A_86, %mul3A_150 : i32
          %add3A_152 = arith.constant 2 : i32
          %add3A_153 = arith.addi %mul3A_151, %add3A_152 : i32
          %dma_wait3A_154 = arith.constant 0 : i32
          %dma_wait3A_155 = tpu.memref_slice %arg10[%add3A_153, %dma_wait3A_154] : memref<32x64xi32, #tpu.memory_space<vmem>> -> memref<1x64xi32, #tpu.memory_space<vmem>>
          %dma_wait3A_156 = tpu.memref_squeeze %dma_wait3A_155 : memref<1x64xi32, #tpu.memory_space<vmem>> -> memref<64xi32, #tpu.memory_space<vmem>>
          %dma_wait3A_157 = arith.constant 0 : i32
          %dma_wait3A_158 = arith.constant 0 : i32
          %dma_wait3A_159 = tpu.memref_slice %arg2[%dma_wait3A_157, %dma_wait3A_158] : memref<10240x128xf32, #tpu.memory_space<hbm>> -> memref<10240x128xf32, #tpu.memory_space<hbm>>
          tpu.wait_indirect_dma semaphore(%arg18 : memref<!tpu.dma_semaphore, #tpu.memory_space<semaphore_mem>>) src(%dma_wait3A_159 : memref<10240x128xf32, #tpu.memory_space<hbm>>) dst(%arg14 : memref<64x128xf32, #tpu.memory_space<vmem>>)
          %dma_start3A_160 = arith.constant 0 : i32
          %dma_start3A_161 = tpu.memref_slice %arg11[%add3A_153, %dma_start3A_160] : memref<32x64xi32, #tpu.memory_space<vmem>> -> memref<1x64xi32, #tpu.memory_space<vmem>>
          %dma_start3A_162 = tpu.memref_squeeze %dma_start3A_161 : memref<1x64xi32, #tpu.memory_space<vmem>> -> memref<64xi32, #tpu.memory_space<vmem>>
          %dma_start3A_163 = arith.constant 0 : i32
          %dma_start3A_164 = arith.constant 0 : i32
          %dma_start3A_165 = tpu.memref_slice %arg9[%dma_start3A_163, %dma_start3A_164] : memref<10240x128xf32, #tpu.memory_space<vmem_shared>> -> memref<10240x128xf32, #tpu.memory_space<vmem_shared>>
          tpu.enqueue_indirect_dma source(%arg14 : memref<64x128xf32, #tpu.memory_space<vmem>>) target(%dma_start3A_165 : memref<10240x128xf32, #tpu.memory_space<vmem_shared>>) offsets(%dma_start3A_162 : memref<64xi32, #tpu.memory_space<vmem>>) semaphore(%arg22 : memref<!tpu.dma_semaphore, #tpu.memory_space<semaphore_mem>>) {add = true}
          %add3A_166 = arith.constant 2 : i32
          %add3A_167 = arith.addi %add3A_153, %add3A_166 : i32
          %lt3A_168 = arith.constant 7 : i32
          %lt3A_169 = arith.cmpi slt, %scan3A_86, %lt3A_168 : i32
          %convert_element_type3A_170 = arith.extui %lt3A_169 : i1 to i32
          %cond3A_171 = arith.constant 0 : i32
          %cond3A_172 = arith.cmpi ne, %convert_element_type3A_170, %cond3A_171 : i32
          scf.if %cond3A_172 {
            %dma_wait3A_196 = arith.constant 0 : i32
            %dma_wait3A_197 = tpu.memref_slice %arg11[%add3A_167, %dma_wait3A_196] : memref<32x64xi32, #tpu.memory_space<vmem>> -> memref<1x64xi32, #tpu.memory_space<vmem>>
            %dma_wait3A_198 = tpu.memref_squeeze %dma_wait3A_197 : memref<1x64xi32, #tpu.memory_space<vmem>> -> memref<64xi32, #tpu.memory_space<vmem>>
            %dma_wait3A_199 = arith.constant 0 : i32
            %dma_wait3A_200 = arith.constant 0 : i32
            %dma_wait3A_201 = tpu.memref_slice %arg9[%dma_wait3A_199, %dma_wait3A_200] : memref<10240x128xf32, #tpu.memory_space<vmem_shared>> -> memref<10240x128xf32, #tpu.memory_space<vmem_shared>>
            tpu.wait_indirect_dma semaphore(%arg20 : memref<!tpu.dma_semaphore, #tpu.memory_space<semaphore_mem>>) src(%arg12 : memref<64x128xf32, #tpu.memory_space<vmem>>) dst(%dma_wait3A_201 : memref<10240x128xf32, #tpu.memory_space<vmem_shared>>)
            %dma_start3A_202 = arith.constant 0 : i32
            %dma_start3A_203 = tpu.memref_slice %arg10[%add3A_167, %dma_start3A_202] : memref<32x64xi32, #tpu.memory_space<vmem>> -> memref<1x64xi32, #tpu.memory_space<vmem>>
            %dma_start3A_204 = tpu.memref_squeeze %dma_start3A_203 : memref<1x64xi32, #tpu.memory_space<vmem>> -> memref<64xi32, #tpu.memory_space<vmem>>
            %dma_start3A_205 = arith.constant 0 : i32
            %dma_start3A_206 = arith.constant 0 : i32
            %dma_start3A_207 = tpu.memref_slice %arg2[%dma_start3A_205, %dma_start3A_206] : memref<10240x128xf32, #tpu.memory_space<hbm>> -> memref<10240x128xf32, #tpu.memory_space<hbm>>
            tpu.enqueue_indirect_dma source(%dma_start3A_207 : memref<10240x128xf32, #tpu.memory_space<hbm>>) target(%arg12 : memref<64x128xf32, #tpu.memory_space<vmem>>) offsets(%dma_start3A_204 : memref<64xi32, #tpu.memory_space<vmem>>) semaphore(%arg16 : memref<!tpu.dma_semaphore, #tpu.memory_space<semaphore_mem>>)
          } else {
          }
          %mul3A_173 = arith.constant 4 : i32
          %mul3A_174 = arith.muli %scan3A_86, %mul3A_173 : i32
          %add3A_175 = arith.constant 3 : i32
          %add3A_176 = arith.addi %mul3A_174, %add3A_175 : i32
          %dma_wait3A_177 = arith.constant 0 : i32
          %dma_wait3A_178 = tpu.memref_slice %arg10[%add3A_176, %dma_wait3A_177] : memref<32x64xi32, #tpu.memory_space<vmem>> -> memref<1x64xi32, #tpu.memory_space<vmem>>
          %dma_wait3A_179 = tpu.memref_squeeze %dma_wait3A_178 : memref<1x64xi32, #tpu.memory_space<vmem>> -> memref<64xi32, #tpu.memory_space<vmem>>
          %dma_wait3A_180 = arith.constant 0 : i32
          %dma_wait3A_181 = arith.constant 0 : i32
          %dma_wait3A_182 = tpu.memref_slice %arg2[%dma_wait3A_180, %dma_wait3A_181] : memref<10240x128xf32, #tpu.memory_space<hbm>> -> memref<10240x128xf32, #tpu.memory_space<hbm>>
          tpu.wait_indirect_dma semaphore(%arg19 : memref<!tpu.dma_semaphore, #tpu.memory_space<semaphore_mem>>) src(%dma_wait3A_182 : memref<10240x128xf32, #tpu.memory_space<hbm>>) dst(%arg15 : memref<64x128xf32, #tpu.memory_space<vmem>>)
          %dma_start3A_183 = arith.constant 0 : i32
          %dma_start3A_184 = tpu.memref_slice %arg11[%add3A_176, %dma_start3A_183] : memref<32x64xi32, #tpu.memory_space<vmem>> -> memref<1x64xi32, #tpu.memory_space<vmem>>
          %dma_start3A_185 = tpu.memref_squeeze %dma_start3A_184 : memref<1x64xi32, #tpu.memory_space<vmem>> -> memref<64xi32, #tpu.memory_space<vmem>>
          %dma_start3A_186 = arith.constant 0 : i32
          %dma_start3A_187 = arith.constant 0 : i32
          %dma_start3A_188 = tpu.memref_slice %arg9[%dma_start3A_186, %dma_start3A_187] : memref<10240x128xf32, #tpu.memory_space<vmem_shared>> -> memref<10240x128xf32, #tpu.memory_space<vmem_shared>>
          tpu.enqueue_indirect_dma source(%arg15 : memref<64x128xf32, #tpu.memory_space<vmem>>) target(%dma_start3A_188 : memref<10240x128xf32, #tpu.memory_space<vmem_shared>>) offsets(%dma_start3A_185 : memref<64xi32, #tpu.memory_space<vmem>>) semaphore(%arg23 : memref<!tpu.dma_semaphore, #tpu.memory_space<semaphore_mem>>) {add = true}
          %add3A_189 = arith.constant 2 : i32
          %add3A_190 = arith.addi %add3A_176, %add3A_189 : i32
          %lt3A_191 = arith.constant 7 : i32
          %lt3A_192 = arith.cmpi slt, %scan3A_86, %lt3A_191 : i32
          %convert_element_type3A_193 = arith.extui %lt3A_192 : i1 to i32
          %cond3A_194 = arith.constant 0 : i32
          %cond3A_195 = arith.cmpi ne, %convert_element_type3A_193, %cond3A_194 : i32
          scf.if %cond3A_195 {
            %dma_wait3A_196 = arith.constant 0 : i32
            %dma_wait3A_197 = tpu.memref_slice %arg11[%add3A_190, %dma_wait3A_196] : memref<32x64xi32, #tpu.memory_space<vmem>> -> memref<1x64xi32, #tpu.memory_space<vmem>>
            %dma_wait3A_198 = tpu.memref_squeeze %dma_wait3A_197 : memref<1x64xi32, #tpu.memory_space<vmem>> -> memref<64xi32, #tpu.memory_space<vmem>>
            %dma_wait3A_199 = arith.constant 0 : i32
            %dma_wait3A_200 = arith.constant 0 : i32
            %dma_wait3A_201 = tpu.memref_slice %arg9[%dma_wait3A_199, %dma_wait3A_200] : memref<10240x128xf32, #tpu.memory_space<vmem_shared>> -> memref<10240x128xf32, #tpu.memory_space<vmem_shared>>
            tpu.wait_indirect_dma semaphore(%arg21 : memref<!tpu.dma_semaphore, #tpu.memory_space<semaphore_mem>>) src(%arg13 : memref<64x128xf32, #tpu.memory_space<vmem>>) dst(%dma_wait3A_201 : memref<10240x128xf32, #tpu.memory_space<vmem_shared>>)
            %dma_start3A_202 = arith.constant 0 : i32
            %dma_start3A_203 = tpu.memref_slice %arg10[%add3A_190, %dma_start3A_202] : memref<32x64xi32, #tpu.memory_space<vmem>> -> memref<1x64xi32, #tpu.memory_space<vmem>>
            %dma_start3A_204 = tpu.memref_squeeze %dma_start3A_203 : memref<1x64xi32, #tpu.memory_space<vmem>> -> memref<64xi32, #tpu.memory_space<vmem>>
            %dma_start3A_205 = arith.constant 0 : i32
            %dma_start3A_206 = arith.constant 0 : i32
            %dma_start3A_207 = tpu.memref_slice %arg2[%dma_start3A_205, %dma_start3A_206] : memref<10240x128xf32, #tpu.memory_space<hbm>> -> memref<10240x128xf32, #tpu.memory_space<hbm>>
            tpu.enqueue_indirect_dma source(%dma_start3A_207 : memref<10240x128xf32, #tpu.memory_space<hbm>>) target(%arg13 : memref<64x128xf32, #tpu.memory_space<vmem>>) offsets(%dma_start3A_204 : memref<64xi32, #tpu.memory_space<vmem>>) semaphore(%arg17 : memref<!tpu.dma_semaphore, #tpu.memory_space<semaphore_mem>>)
          } else {
          }
        }
        %scan3A_85 = arith.constant 8 : i32
      }
      %scan3A_26 = arith.constant 5 : i32
      %dma_wait3A = arith.constant 0 : i32
      %dma_wait3A_27 = arith.constant 0 : i32
      %dma_wait3A_28 = tpu.memref_slice %arg11[%dma_wait3A, %dma_wait3A_27] : memref<32x64xi32, #tpu.memory_space<vmem>> -> memref<1x64xi32, #tpu.memory_space<vmem>>
      %dma_wait3A_29 = tpu.memref_squeeze %dma_wait3A_28 : memref<1x64xi32, #tpu.memory_space<vmem>> -> memref<64xi32, #tpu.memory_space<vmem>>
      %dma_wait3A_30 = arith.constant 0 : i32
      %dma_wait3A_31 = arith.constant 0 : i32
      %dma_wait3A_32 = tpu.memref_slice %arg9[%dma_wait3A_30, %dma_wait3A_31] : memref<10240x128xf32, #tpu.memory_space<vmem_shared>> -> memref<10240x128xf32, #tpu.memory_space<vmem_shared>>
      tpu.wait_indirect_dma semaphore(%arg20 : memref<!tpu.dma_semaphore, #tpu.memory_space<semaphore_mem>>) src(%arg12 : memref<64x128xf32, #tpu.memory_space<vmem>>) dst(%dma_wait3A_32 : memref<10240x128xf32, #tpu.memory_space<vmem_shared>>)
      %dma_wait3A_33 = arith.constant 1 : i32
      %dma_wait3A_34 = arith.constant 0 : i32
      %dma_wait3A_35 = tpu.memref_slice %arg11[%dma_wait3A_33, %dma_wait3A_34] : memref<32x64xi32, #tpu.memory_space<vmem>> -> memref<1x64xi32, #tpu.memory_space<vmem>>
      %dma_wait3A_36 = tpu.memref_squeeze %dma_wait3A_35 : memref<1x64xi32, #tpu.memory_space<vmem>> -> memref<64xi32, #tpu.memory_space<vmem>>
      %dma_wait3A_37 = arith.constant 0 : i32
      %dma_wait3A_38 = arith.constant 0 : i32
      %dma_wait3A_39 = tpu.memref_slice %arg9[%dma_wait3A_37, %dma_wait3A_38] : memref<10240x128xf32, #tpu.memory_space<vmem_shared>> -> memref<10240x128xf32, #tpu.memory_space<vmem_shared>>
      tpu.wait_indirect_dma semaphore(%arg21 : memref<!tpu.dma_semaphore, #tpu.memory_space<semaphore_mem>>) src(%arg13 : memref<64x128xf32, #tpu.memory_space<vmem>>) dst(%dma_wait3A_39 : memref<10240x128xf32, #tpu.memory_space<vmem_shared>>)
      %dma_wait3A_40 = arith.constant 2 : i32
      %dma_wait3A_41 = arith.constant 0 : i32
      %dma_wait3A_42 = tpu.memref_slice %arg11[%dma_wait3A_40, %dma_wait3A_41] : memref<32x64xi32, #tpu.memory_space<vmem>> -> memref<1x64xi32, #tpu.memory_space<vmem>>
      %dma_wait3A_43 = tpu.memref_squeeze %dma_wait3A_42 : memref<1x64xi32, #tpu.memory_space<vmem>> -> memref<64xi32, #tpu.memory_space<vmem>>
      %dma_wait3A_44 = arith.constant 0 : i32
      %dma_wait3A_45 = arith.constant 0 : i32
      %dma_wait3A_46 = tpu.memref_slice %arg9[%dma_wait3A_44, %dma_wait3A_45] : memref<10240x128xf32, #tpu.memory_space<vmem_shared>> -> memref<10240x128xf32, #tpu.memory_space<vmem_shared>>
      tpu.wait_indirect_dma semaphore(%arg22 : memref<!tpu.dma_semaphore, #tpu.memory_space<semaphore_mem>>) src(%arg14 : memref<64x128xf32, #tpu.memory_space<vmem>>) dst(%dma_wait3A_46 : memref<10240x128xf32, #tpu.memory_space<vmem_shared>>)
      %dma_wait3A_47 = arith.constant 3 : i32
      %dma_wait3A_48 = arith.constant 0 : i32
      %dma_wait3A_49 = tpu.memref_slice %arg11[%dma_wait3A_47, %dma_wait3A_48] : memref<32x64xi32, #tpu.memory_space<vmem>> -> memref<1x64xi32, #tpu.memory_space<vmem>>
      %dma_wait3A_50 = tpu.memref_squeeze %dma_wait3A_49 : memref<1x64xi32, #tpu.memory_space<vmem>> -> memref<64xi32, #tpu.memory_space<vmem>>
      %dma_wait3A_51 = arith.constant 0 : i32
      %dma_wait3A_52 = arith.constant 0 : i32
      %dma_wait3A_53 = tpu.memref_slice %arg9[%dma_wait3A_51, %dma_wait3A_52] : memref<10240x128xf32, #tpu.memory_space<vmem_shared>> -> memref<10240x128xf32, #tpu.memory_space<vmem_shared>>
      tpu.wait_indirect_dma semaphore(%arg23 : memref<!tpu.dma_semaphore, #tpu.memory_space<semaphore_mem>>) src(%arg15 : memref<64x128xf32, #tpu.memory_space<vmem>>) dst(%dma_wait3A_53 : memref<10240x128xf32, #tpu.memory_space<vmem_shared>>)
    } else {
    }
    %barrier3A_11 = arith.constant 0 : index
    tpu.barrier barrier_id(%barrier3A_11)
    %eq3A_12 = arith.constant 0 : i32
    %eq3A_13 = arith.cmpi eq, %arg0, %eq3A_12 : i32
    %convert_element_type3A_14 = arith.extui %eq3A_13 : i1 to i32
    %cond3A_15 = arith.constant 0 : i32
    %cond3A_16 = arith.cmpi ne, %convert_element_type3A_14, %cond3A_15 : i32
    scf.if %cond3A_16 {
      %mul3A_22 = arith.constant 640 : i32
      %mul3A_23 = arith.muli %arg1, %mul3A_22 : i32
      %mul3A_24 = arith.constant 640 : i32
      %mul3A_25 = arith.muli %arg1, %mul3A_24 : i32
      "tpu.region"() ({
        %run_scoped3A = tpu.sem_alloc : memref<!tpu.dma_semaphore, #tpu.memory_space<semaphore_mem>>
        %dma_start3A = arith.constant 0 : i32
        %dma_start3A_26 = tpu.memref_slice %arg7[%mul3A_25, %dma_start3A] : memref<10240x128xf32, #tpu.memory_space<hbm>> -> memref<640x128xf32, #tpu.memory_space<hbm>>
        %dma_start3A_27 = arith.constant 0 : i32
        %dma_start3A_28 = tpu.memref_slice %arg9[%mul3A_23, %dma_start3A_27] : memref<10240x128xf32, #tpu.memory_space<vmem_shared>> -> memref<640x128xf32, #tpu.memory_space<vmem_shared>>
        tpu.enqueue_dma source(%dma_start3A_28 : memref<640x128xf32, #tpu.memory_space<vmem_shared>>) target(%dma_start3A_26 : memref<640x128xf32, #tpu.memory_space<hbm>>) target_semaphore(%run_scoped3A : memref<!tpu.dma_semaphore, #tpu.memory_space<semaphore_mem>>)
        %dma_wait3A = arith.constant 0 : i32
        %dma_wait3A_29 = tpu.memref_slice %arg7[%mul3A_25, %dma_wait3A] : memref<10240x128xf32, #tpu.memory_space<hbm>> -> memref<640x128xf32, #tpu.memory_space<hbm>>
        %dma_wait3A_30 = arith.constant 0 : i32
        %dma_wait3A_31 = tpu.memref_slice %arg9[%mul3A_23, %dma_wait3A_30] : memref<10240x128xf32, #tpu.memory_space<vmem_shared>> -> memref<640x128xf32, #tpu.memory_space<vmem_shared>>
        tpu.wait_dma2 semaphore(%run_scoped3A : memref<!tpu.dma_semaphore, #tpu.memory_space<semaphore_mem>>) src(%dma_wait3A_31 : memref<640x128xf32, #tpu.memory_space<vmem_shared>>) dst(%dma_wait3A_29 : memref<640x128xf32, #tpu.memory_space<hbm>>)
        tpu.yield
      }) : () -> ()
    } else {
    }
    %eq3A_17 = arith.constant 1 : i32
    %eq3A_18 = arith.cmpi eq, %arg0, %eq3A_17 : i32
    %convert_element_type3A_19 = arith.extui %eq3A_18 : i1 to i32
    %cond3A_20 = arith.constant 0 : i32
    %cond3A_21 = arith.cmpi ne, %convert_element_type3A_19, %cond3A_20 : i32
    scf.if %cond3A_21 {
      %mul3A_22 = arith.constant 640 : i32
      %mul3A_23 = arith.muli %arg1, %mul3A_22 : i32
      %mul3A_24 = arith.constant 640 : i32
      %mul3A_25 = arith.muli %arg1, %mul3A_24 : i32
      "tpu.region"() ({
        %run_scoped3A = tpu.sem_alloc : memref<!tpu.dma_semaphore, #tpu.memory_space<semaphore_mem>>
        %dma_start3A = arith.constant 0 : i32
        %dma_start3A_26 = tpu.memref_slice %arg8[%mul3A_25, %dma_start3A] : memref<10240x128xf32, #tpu.memory_space<hbm>> -> memref<640x128xf32, #tpu.memory_space<hbm>>
        %dma_start3A_27 = arith.constant 0 : i32
        %dma_start3A_28 = tpu.memref_slice %arg9[%mul3A_23, %dma_start3A_27] : memref<10240x128xf32, #tpu.memory_space<vmem_shared>> -> memref<640x128xf32, #tpu.memory_space<vmem_shared>>
        tpu.enqueue_dma source(%dma_start3A_28 : memref<640x128xf32, #tpu.memory_space<vmem_shared>>) target(%dma_start3A_26 : memref<640x128xf32, #tpu.memory_space<hbm>>) target_semaphore(%run_scoped3A : memref<!tpu.dma_semaphore, #tpu.memory_space<semaphore_mem>>)
        %dma_wait3A = arith.constant 0 : i32
        %dma_wait3A_29 = tpu.memref_slice %arg8[%mul3A_25, %dma_wait3A] : memref<10240x128xf32, #tpu.memory_space<hbm>> -> memref<640x128xf32, #tpu.memory_space<hbm>>
        %dma_wait3A_30 = arith.constant 0 : i32
        %dma_wait3A_31 = tpu.memref_slice %arg9[%mul3A_23, %dma_wait3A_30] : memref<10240x128xf32, #tpu.memory_space<vmem_shared>> -> memref<640x128xf32, #tpu.memory_space<vmem_shared>>
        tpu.wait_dma2 semaphore(%run_scoped3A : memref<!tpu.dma_semaphore, #tpu.memory_space<semaphore_mem>>) src(%dma_wait3A_31 : memref<640x128xf32, #tpu.memory_space<vmem_shared>>) dst(%dma_wait3A_29 : memref<640x128xf32, #tpu.memory_space<hbm>>)
        tpu.yield
      }) : () -> ()
    } else {
    }
    return
  }
}

#map = affine_map<(d0, d1) -> (0, 0)>
#map1 = affine_map<(d0, d1) -> (0)>
module attributes {stable_mosaic.version = 14 : i64} {
  func.func @k(%arg0: i32, %arg1: i32, %arg2: memref<5000x64xi32, #tpu.memory_space<hbm>>, %arg3: memref<10240xf32, #tpu.memory_space<hbm>>, %arg4: memref<10240xf32, #tpu.memory_space<hbm>>, %arg5: memref<10240xf32, #tpu.memory_space<vmem_shared>>, %arg6: memref<160x64xi32, #tpu.memory_space<vmem>>, %arg7: memref<640xf32, #tpu.memory_space<vmem>>) attributes {dimension_semantics = [#tpu.dimension_semantics<core_parallel>, #tpu.dimension_semantics<subcore_parallel>], iteration_bounds = array<i64: 2, 16>, scalar_prefetch = 0 : i64, scratch_operands = 3 : i64, tpu.core_type = #tpu.core_type<sc_vector_subcore>, window_params = [{transform_indices = #map}, {transform_indices = #map1}, {transform_indices = #map1}]} {
    %scan3A = arith.constant 0 : i32
    %scan3A_0 = arith.constant 0 : i32
    %scan3A_1 = arith.constant 40 : i32
    %scan3A_2 = arith.addi %scan3A_0, %scan3A_1 : i32
    %scan3A_3 = arith.constant 1 : i32
    scf.for %scan3A_32 = %scan3A_0 to %scan3A_2 step %scan3A_3  : i32 {
      %broadcast_in_dim3A = arith.constant 1.000000e+00 : f32
      %broadcast_in_dim3A_33 = vector.broadcast %broadcast_in_dim3A : f32 to vector<16xf32>
      %mul3A_34 = arith.constant 16 : i32
      %mul3A_35 = arith.muli %scan3A_32, %mul3A_34 : i32
      %swap3A = arith.index_cast %mul3A_35 : i32 to index
      %swap3A_36 = tpu.vector_load %arg7[%swap3A] {strides = array<i32>} : memref<640xf32, #tpu.memory_space<vmem>>, vector<16xf32>,
      %swap3A_37 = vector.shape_cast %swap3A_36 : vector<16xf32> to vector<16xf32>
      %swap3A_38 = vector.shape_cast %broadcast_in_dim3A_33 : vector<16xf32> to vector<16xf32>
      tpu.vector_store %arg7[%swap3A], %swap3A_38 {strides = array<i32>} : memref<640xf32, #tpu.memory_space<vmem>>, vector<16xf32>,
    }
    %scan3A_4 = arith.constant 40 : i32
    %mul3A = arith.constant 640 : i32
    %mul3A_5 = arith.muli %arg1, %mul3A : i32
    "tpu.region"() ({
      %run_scoped3A = tpu.sem_alloc : memref<!tpu.dma_semaphore, #tpu.memory_space<semaphore_mem>>
      %dma_start3A = tpu.memref_slice %arg5[%mul3A_5] : memref<10240xf32, #tpu.memory_space<vmem_shared>> -> memref<640xf32, #tpu.memory_space<vmem_shared>>
      %dma_start3A_32 = tpu.memref_slice %arg5[%mul3A_5] : memref<10240xf32, #tpu.memory_space<vmem_shared>> -> memref<640xf32, #tpu.memory_space<vmem_shared>>
      tpu.enqueue_dma source(%arg7 : memref<640xf32, #tpu.memory_space<vmem>>) target(%dma_start3A_32 : memref<640xf32, #tpu.memory_space<vmem_shared>>) target_semaphore(%run_scoped3A : memref<!tpu.dma_semaphore, #tpu.memory_space<semaphore_mem>>)
      %dma_wait3A = tpu.memref_slice %arg5[%mul3A_5] : memref<10240xf32, #tpu.memory_space<vmem_shared>> -> memref<640xf32, #tpu.memory_space<vmem_shared>>
      %dma_wait3A_33 = tpu.memref_slice %arg5[%mul3A_5] : memref<10240xf32, #tpu.memory_space<vmem_shared>> -> memref<640xf32, #tpu.memory_space<vmem_shared>>
      tpu.wait_dma2 semaphore(%run_scoped3A : memref<!tpu.dma_semaphore, #tpu.memory_space<semaphore_mem>>) src(%arg7 : memref<640xf32, #tpu.memory_space<vmem>>) dst(%dma_wait3A_33 : memref<640xf32, #tpu.memory_space<vmem_shared>>)
      tpu.yield
    }) : () -> ()
    %mul3A_6 = arith.constant 16 : i32
    %mul3A_7 = arith.muli %arg0, %mul3A_6 : i32
    %add3A = arith.addi %mul3A_7, %arg1 : i32
    %mul3A_8 = arith.constant 160 : i32
    %mul3A_9 = arith.muli %add3A, %mul3A_8 : i32
    %min3A = arith.constant 4840 : i32
    %min3A_10 = arith.minsi %mul3A_9, %min3A : i32
    %multiple_of3A = tpu.assume_multiple %min3A_10, 8 : i32
    %sub3A = arith.subi %mul3A_9, %multiple_of3A : i32
    %sub3A_11 = arith.constant 5000 : i32
    %sub3A_12 = arith.subi %sub3A_11, %mul3A_9 : i32
    %jit3A = arith.constant 0 : i32
    %jit3A_13 = arith.constant 160 : i32
    %max3A = arith.maxsi %jit3A, %sub3A_12 : i32
    %min3A_14 = arith.minsi %jit3A_13, %max3A : i32
    "tpu.region"() ({
      %run_scoped3A = tpu.sem_alloc : memref<!tpu.dma_semaphore, #tpu.memory_space<semaphore_mem>>
      %dma_start3A = arith.constant 0 : i32
      %dma_start3A_32 = tpu.memref_slice %arg2[%multiple_of3A, %dma_start3A] : memref<5000x64xi32, #tpu.memory_space<hbm>> -> memref<160x64xi32, #tpu.memory_space<hbm>>
      %dma_start3A_33 = arith.constant 0 : i32
      %dma_start3A_34 = tpu.memref_slice %arg2[%multiple_of3A, %dma_start3A_33] : memref<5000x64xi32, #tpu.memory_space<hbm>> -> memref<160x64xi32, #tpu.memory_space<hbm>>
      tpu.enqueue_dma source(%dma_start3A_34 : memref<160x64xi32, #tpu.memory_space<hbm>>) target(%arg6 : memref<160x64xi32, #tpu.memory_space<vmem>>) target_semaphore(%run_scoped3A : memref<!tpu.dma_semaphore, #tpu.memory_space<semaphore_mem>>)
      %dma_wait3A = arith.constant 0 : i32
      %dma_wait3A_35 = tpu.memref_slice %arg2[%multiple_of3A, %dma_wait3A] : memref<5000x64xi32, #tpu.memory_space<hbm>> -> memref<160x64xi32, #tpu.memory_space<hbm>>
      %dma_wait3A_36 = arith.constant 0 : i32
      %dma_wait3A_37 = tpu.memref_slice %arg2[%multiple_of3A, %dma_wait3A_36] : memref<5000x64xi32, #tpu.memory_space<hbm>> -> memref<160x64xi32, #tpu.memory_space<hbm>>
      tpu.wait_dma2 semaphore(%run_scoped3A : memref<!tpu.dma_semaphore, #tpu.memory_space<semaphore_mem>>) src(%dma_wait3A_37 : memref<160x64xi32, #tpu.memory_space<hbm>>) dst(%arg6 : memref<160x64xi32, #tpu.memory_space<vmem>>)
      tpu.yield
    }) : () -> ()
    %barrier3A = arith.constant 0 : index
    tpu.barrier barrier_id(%barrier3A)
    %while3A = arith.constant 0 : i32
    %while3A_15 = arith.constant 0 : i32
    %while3A_16 = arith.subi %min3A_14, %while3A_15 : i32
    %while3A_17 = arith.addi %while3A_15, %while3A_16 : i32
    %while3A_18 = arith.constant 1 : i32
    %while3A_19 = arith.divsi %while3A_16, %while3A_18 : i32
    %while3A_20 = arith.muli %while3A_19, %while3A_18 : i32
    %while3A_21 = arith.addi %while3A_15, %while3A_20 : i32
    %while3A_22 = arith.constant 1 : i32
    scf.for %while3A_32 = %while3A_15 to %while3A_21 step %while3A_22  : i32 {
      %add3A_33 = arith.addi %sub3A, %while3A_32 : i32
      "tpu.region"() ({
        %run_scoped3A = tpu.sem_alloc : memref<!tpu.dma_semaphore, #tpu.memory_space<semaphore_mem>>
        %dma_start3A = arith.constant 0 : i32
        %dma_start3A_34 = tpu.memref_slice %arg7[%dma_start3A] : memref<640xf32, #tpu.memory_space<vmem>> -> memref<64xf32, #tpu.memory_space<vmem>>
        %dma_start3A_35 = arith.constant 0 : i32
        %dma_start3A_36 = tpu.memref_slice %arg6[%add3A_33, %dma_start3A_35] : memref<160x64xi32, #tpu.memory_space<vmem>> -> memref<1x64xi32, #tpu.memory_space<vmem>>
        %dma_start3A_37 = tpu.memref_squeeze %dma_start3A_36 : memref<1x64xi32, #tpu.memory_space<vmem>> -> memref<64xi32, #tpu.memory_space<vmem>>
        %dma_start3A_38 = arith.constant 0 : i32
        %dma_start3A_39 = tpu.memref_slice %arg5[%dma_start3A_38] : memref<10240xf32, #tpu.memory_space<vmem_shared>> -> memref<10240xf32, #tpu.memory_space<vmem_shared>>
        tpu.enqueue_indirect_dma source(%dma_start3A_34 : memref<64xf32, #tpu.memory_space<vmem>>) target(%dma_start3A_39 : memref<10240xf32, #tpu.memory_space<vmem_shared>>) offsets(%dma_start3A_37 : memref<64xi32, #tpu.memory_space<vmem>>) semaphore(%run_scoped3A : memref<!tpu.dma_semaphore, #tpu.memory_space<semaphore_mem>>) {add = true}
        %dma_wait3A = arith.constant 0 : i32
        %dma_wait3A_40 = tpu.memref_slice %arg7[%dma_wait3A] : memref<640xf32, #tpu.memory_space<vmem>> -> memref<64xf32, #tpu.memory_space<vmem>>
        %dma_wait3A_41 = arith.constant 0 : i32
        %dma_wait3A_42 = tpu.memref_slice %arg6[%add3A_33, %dma_wait3A_41] : memref<160x64xi32, #tpu.memory_space<vmem>> -> memref<1x64xi32, #tpu.memory_space<vmem>>
        %dma_wait3A_43 = tpu.memref_squeeze %dma_wait3A_42 : memref<1x64xi32, #tpu.memory_space<vmem>> -> memref<64xi32, #tpu.memory_space<vmem>>
        %dma_wait3A_44 = arith.constant 0 : i32
        %dma_wait3A_45 = tpu.memref_slice %arg5[%dma_wait3A_44] : memref<10240xf32, #tpu.memory_space<vmem_shared>> -> memref<10240xf32, #tpu.memory_space<vmem_shared>>
        tpu.wait_indirect_dma semaphore(%run_scoped3A : memref<!tpu.dma_semaphore, #tpu.memory_space<semaphore_mem>>) src(%dma_wait3A_40 : memref<64xf32, #tpu.memory_space<vmem>>) dst(%dma_wait3A_45 : memref<10240xf32, #tpu.memory_space<vmem_shared>>)
        tpu.yield
      }) : () -> ()
    }
    %while3A_23 = arith.constant 1 : i32
    scf.for %while3A_32 = %while3A_21 to %while3A_17 step %while3A_23  : i32 {
      %add3A_33 = arith.addi %sub3A, %while3A_32 : i32
      "tpu.region"() ({
        %run_scoped3A = tpu.sem_alloc : memref<!tpu.dma_semaphore, #tpu.memory_space<semaphore_mem>>
        %dma_start3A = arith.constant 0 : i32
        %dma_start3A_34 = tpu.memref_slice %arg7[%dma_start3A] : memref<640xf32, #tpu.memory_space<vmem>> -> memref<64xf32, #tpu.memory_space<vmem>>
        %dma_start3A_35 = arith.constant 0 : i32
        %dma_start3A_36 = tpu.memref_slice %arg6[%add3A_33, %dma_start3A_35] : memref<160x64xi32, #tpu.memory_space<vmem>> -> memref<1x64xi32, #tpu.memory_space<vmem>>
        %dma_start3A_37 = tpu.memref_squeeze %dma_start3A_36 : memref<1x64xi32, #tpu.memory_space<vmem>> -> memref<64xi32, #tpu.memory_space<vmem>>
        %dma_start3A_38 = arith.constant 0 : i32
        %dma_start3A_39 = tpu.memref_slice %arg5[%dma_start3A_38] : memref<10240xf32, #tpu.memory_space<vmem_shared>> -> memref<10240xf32, #tpu.memory_space<vmem_shared>>
        tpu.enqueue_indirect_dma source(%dma_start3A_34 : memref<64xf32, #tpu.memory_space<vmem>>) target(%dma_start3A_39 : memref<10240xf32, #tpu.memory_space<vmem_shared>>) offsets(%dma_start3A_37 : memref<64xi32, #tpu.memory_space<vmem>>) semaphore(%run_scoped3A : memref<!tpu.dma_semaphore, #tpu.memory_space<semaphore_mem>>) {add = true}
        %dma_wait3A = arith.constant 0 : i32
        %dma_wait3A_40 = tpu.memref_slice %arg7[%dma_wait3A] : memref<640xf32, #tpu.memory_space<vmem>> -> memref<64xf32, #tpu.memory_space<vmem>>
        %dma_wait3A_41 = arith.constant 0 : i32
        %dma_wait3A_42 = tpu.memref_slice %arg6[%add3A_33, %dma_wait3A_41] : memref<160x64xi32, #tpu.memory_space<vmem>> -> memref<1x64xi32, #tpu.memory_space<vmem>>
        %dma_wait3A_43 = tpu.memref_squeeze %dma_wait3A_42 : memref<1x64xi32, #tpu.memory_space<vmem>> -> memref<64xi32, #tpu.memory_space<vmem>>
        %dma_wait3A_44 = arith.constant 0 : i32
        %dma_wait3A_45 = tpu.memref_slice %arg5[%dma_wait3A_44] : memref<10240xf32, #tpu.memory_space<vmem_shared>> -> memref<10240xf32, #tpu.memory_space<vmem_shared>>
        tpu.wait_indirect_dma semaphore(%run_scoped3A : memref<!tpu.dma_semaphore, #tpu.memory_space<semaphore_mem>>) src(%dma_wait3A_40 : memref<64xf32, #tpu.memory_space<vmem>>) dst(%dma_wait3A_45 : memref<10240xf32, #tpu.memory_space<vmem_shared>>)
        tpu.yield
      }) : () -> ()
    }
    %barrier3A_24 = arith.constant 0 : index
    tpu.barrier barrier_id(%barrier3A_24)
    %eq3A = arith.constant 0 : i32
    %eq3A_25 = arith.cmpi eq, %arg0, %eq3A : i32
    %convert_element_type3A = arith.extui %eq3A_25 : i1 to i32
    %cond3A = arith.constant 0 : i32
    %cond3A_26 = arith.cmpi ne, %convert_element_type3A, %cond3A : i32
    scf.if %cond3A_26 {
      %mul3A_32 = arith.constant 640 : i32
      %mul3A_33 = arith.muli %arg1, %mul3A_32 : i32
      %mul3A_34 = arith.constant 640 : i32
      %mul3A_35 = arith.muli %arg1, %mul3A_34 : i32
      "tpu.region"() ({
        %run_scoped3A = tpu.sem_alloc : memref<!tpu.dma_semaphore, #tpu.memory_space<semaphore_mem>>
        %dma_start3A = tpu.memref_slice %arg3[%mul3A_35] : memref<10240xf32, #tpu.memory_space<hbm>> -> memref<640xf32, #tpu.memory_space<hbm>>
        %dma_start3A_36 = tpu.memref_slice %arg5[%mul3A_33] : memref<10240xf32, #tpu.memory_space<vmem_shared>> -> memref<640xf32, #tpu.memory_space<vmem_shared>>
        tpu.enqueue_dma source(%dma_start3A_36 : memref<640xf32, #tpu.memory_space<vmem_shared>>) target(%dma_start3A : memref<640xf32, #tpu.memory_space<hbm>>) target_semaphore(%run_scoped3A : memref<!tpu.dma_semaphore, #tpu.memory_space<semaphore_mem>>)
        %dma_wait3A = tpu.memref_slice %arg3[%mul3A_35] : memref<10240xf32, #tpu.memory_space<hbm>> -> memref<640xf32, #tpu.memory_space<hbm>>
        %dma_wait3A_37 = tpu.memref_slice %arg5[%mul3A_33] : memref<10240xf32, #tpu.memory_space<vmem_shared>> -> memref<640xf32, #tpu.memory_space<vmem_shared>>
        tpu.wait_dma2 semaphore(%run_scoped3A : memref<!tpu.dma_semaphore, #tpu.memory_space<semaphore_mem>>) src(%dma_wait3A_37 : memref<640xf32, #tpu.memory_space<vmem_shared>>) dst(%dma_wait3A : memref<640xf32, #tpu.memory_space<hbm>>)
        tpu.yield
      }) : () -> ()
    } else {
    }
    %eq3A_27 = arith.constant 1 : i32
    %eq3A_28 = arith.cmpi eq, %arg0, %eq3A_27 : i32
    %convert_element_type3A_29 = arith.extui %eq3A_28 : i1 to i32
    %cond3A_30 = arith.constant 0 : i32
    %cond3A_31 = arith.cmpi ne, %convert_element_type3A_29, %cond3A_30 : i32
    scf.if %cond3A_31 {
      %mul3A_32 = arith.constant 640 : i32
      %mul3A_33 = arith.muli %arg1, %mul3A_32 : i32
      %mul3A_34 = arith.constant 640 : i32
      %mul3A_35 = arith.muli %arg1, %mul3A_34 : i32
      "tpu.region"() ({
        %run_scoped3A = tpu.sem_alloc : memref<!tpu.dma_semaphore, #tpu.memory_space<semaphore_mem>>
        %dma_start3A = tpu.memref_slice %arg4[%mul3A_35] : memref<10240xf32, #tpu.memory_space<hbm>> -> memref<640xf32, #tpu.memory_space<hbm>>
        %dma_start3A_36 = tpu.memref_slice %arg5[%mul3A_33] : memref<10240xf32, #tpu.memory_space<vmem_shared>> -> memref<640xf32, #tpu.memory_space<vmem_shared>>
        tpu.enqueue_dma source(%dma_start3A_36 : memref<640xf32, #tpu.memory_space<vmem_shared>>) target(%dma_start3A : memref<640xf32, #tpu.memory_space<hbm>>) target_semaphore(%run_scoped3A : memref<!tpu.dma_semaphore, #tpu.memory_space<semaphore_mem>>)
        %dma_wait3A = tpu.memref_slice %arg4[%mul3A_35] : memref<10240xf32, #tpu.memory_space<hbm>> -> memref<640xf32, #tpu.memory_space<hbm>>
        %dma_wait3A_37 = tpu.memref_slice %arg5[%mul3A_33] : memref<10240xf32, #tpu.memory_space<vmem_shared>> -> memref<640xf32, #tpu.memory_space<vmem_shared>>
        tpu.wait_dma2 semaphore(%run_scoped3A : memref<!tpu.dma_semaphore, #tpu.memory_space<semaphore_mem>>) src(%dma_wait3A_37 : memref<640xf32, #tpu.memory_space<vmem_shared>>) dst(%dma_wait3A : memref<640xf32, #tpu.memory_space<hbm>>)
        tpu.yield
      }) : () -> ()
    } else {
    }
    return
  }
}

#map = affine_map<(d0, d1) -> (0, 0)>
module attributes {stable_mosaic.version = 14 : i64} {
  func.func @k(%arg0: i32, %arg1: i32, %arg2: memref<10240x128xf32, #tpu.memory_space<hbm>>, %arg3: memref<10240x128xf32, #tpu.memory_space<hbm>>, %arg4: memref<5000x64xi32, #tpu.memory_space<hbm>>, %arg5: memref<5000x64xi32, #tpu.memory_space<hbm>>, %arg6: memref<320x64xi32, #tpu.memory_space<hbm>>, %arg7: memref<320x64xi32, #tpu.memory_space<hbm>>, %arg8: memref<10240x128xf32, #tpu.memory_space<hbm>>, %arg9: memref<10240x128xf32, #tpu.memory_space<hbm>>, %arg10: memref<10240x128xf32, #tpu.memory_space<vmem_shared>>, %arg11: memref<32x64xi32, #tpu.memory_space<vmem>>, %arg12: memref<32x64xi32, #tpu.memory_space<vmem>>, %arg13: memref<64x128xf32, #tpu.memory_space<vmem>>, %arg14: memref<64x128xf32, #tpu.memory_space<vmem>>, %arg15: memref<64x128xf32, #tpu.memory_space<vmem>>, %arg16: memref<64x128xf32, #tpu.memory_space<vmem>>, %arg17: memref<!tpu.dma_semaphore, #tpu.memory_space<semaphore_mem>>, %arg18: memref<!tpu.dma_semaphore, #tpu.memory_space<semaphore_mem>>, %arg19: memref<!tpu.dma_semaphore, #tpu.memory_space<semaphore_mem>>, %arg20: memref<!tpu.dma_semaphore, #tpu.memory_space<semaphore_mem>>, %arg21: memref<!tpu.dma_semaphore, #tpu.memory_space<semaphore_mem>>, %arg22: memref<!tpu.dma_semaphore, #tpu.memory_space<semaphore_mem>>, %arg23: memref<!tpu.dma_semaphore, #tpu.memory_space<semaphore_mem>>, %arg24: memref<!tpu.dma_semaphore, #tpu.memory_space<semaphore_mem>>) attributes {dimension_semantics = [#tpu.dimension_semantics<core_parallel>, #tpu.dimension_semantics<subcore_parallel>], iteration_bounds = array<i64: 2, 16>, scalar_prefetch = 0 : i64, scratch_operands = 15 : i64, tpu.core_type = #tpu.core_type<sc_vector_subcore>, window_params = [{transform_indices = #map}, {transform_indices = #map}, {transform_indices = #map}, {transform_indices = #map}, {transform_indices = #map}, {transform_indices = #map}, {transform_indices = #map}, {transform_indices = #map}]} {
    %eq3A = arith.constant 0 : i32
    %eq3A_0 = arith.cmpi eq, %arg0, %eq3A : i32
    %convert_element_type3A = arith.extui %eq3A_0 : i1 to i32
    %cond3A = arith.constant 0 : i32
    %cond3A_1 = arith.cmpi ne, %convert_element_type3A, %cond3A : i32
    scf.if %cond3A_1 {
      %mul3A = arith.constant 640 : i32
      %mul3A_27 = arith.muli %arg1, %mul3A : i32
      %mul3A_28 = arith.constant 640 : i32
      %mul3A_29 = arith.muli %arg1, %mul3A_28 : i32
      "tpu.region"() ({
        %run_scoped3A = tpu.sem_alloc : memref<!tpu.dma_semaphore, #tpu.memory_space<semaphore_mem>>
        %dma_start3A = arith.constant 0 : i32
        %dma_start3A_30 = tpu.memref_slice %arg10[%mul3A_29, %dma_start3A] : memref<10240x128xf32, #tpu.memory_space<vmem_shared>> -> memref<640x128xf32, #tpu.memory_space<vmem_shared>>
        %dma_start3A_31 = arith.constant 0 : i32
        %dma_start3A_32 = tpu.memref_slice %arg2[%mul3A_27, %dma_start3A_31] : memref<10240x128xf32, #tpu.memory_space<hbm>> -> memref<640x128xf32, #tpu.memory_space<hbm>>
        tpu.enqueue_dma source(%dma_start3A_32 : memref<640x128xf32, #tpu.memory_space<hbm>>) target(%dma_start3A_30 : memref<640x128xf32, #tpu.memory_space<vmem_shared>>) target_semaphore(%run_scoped3A : memref<!tpu.dma_semaphore, #tpu.memory_space<semaphore_mem>>)
        %dma_wait3A = arith.constant 0 : i32
        %dma_wait3A_33 = tpu.memref_slice %arg10[%mul3A_29, %dma_wait3A] : memref<10240x128xf32, #tpu.memory_space<vmem_shared>> -> memref<640x128xf32, #tpu.memory_space<vmem_shared>>
        %dma_wait3A_34 = arith.constant 0 : i32
        %dma_wait3A_35 = tpu.memref_slice %arg2[%mul3A_27, %dma_wait3A_34] : memref<10240x128xf32, #tpu.memory_space<hbm>> -> memref<640x128xf32, #tpu.memory_space<hbm>>
        tpu.wait_dma2 semaphore(%run_scoped3A : memref<!tpu.dma_semaphore, #tpu.memory_space<semaphore_mem>>) src(%dma_wait3A_35 : memref<640x128xf32, #tpu.memory_space<hbm>>) dst(%dma_wait3A_33 : memref<640x128xf32, #tpu.memory_space<vmem_shared>>)
        tpu.yield
      }) : () -> ()
    } else {
    }
    %eq3A_2 = arith.constant 1 : i32
    %eq3A_3 = arith.cmpi eq, %arg0, %eq3A_2 : i32
    %convert_element_type3A_4 = arith.extui %eq3A_3 : i1 to i32
    %cond3A_5 = arith.constant 0 : i32
    %cond3A_6 = arith.cmpi ne, %convert_element_type3A_4, %cond3A_5 : i32
    scf.if %cond3A_6 {
      %mul3A = arith.constant 640 : i32
      %mul3A_27 = arith.muli %arg1, %mul3A : i32
      %mul3A_28 = arith.constant 640 : i32
      %mul3A_29 = arith.muli %arg1, %mul3A_28 : i32
      "tpu.region"() ({
        %run_scoped3A = tpu.sem_alloc : memref<!tpu.dma_semaphore, #tpu.memory_space<semaphore_mem>>
        %dma_start3A = arith.constant 0 : i32
        %dma_start3A_30 = tpu.memref_slice %arg10[%mul3A_29, %dma_start3A] : memref<10240x128xf32, #tpu.memory_space<vmem_shared>> -> memref<640x128xf32, #tpu.memory_space<vmem_shared>>
        %dma_start3A_31 = arith.constant 0 : i32
        %dma_start3A_32 = tpu.memref_slice %arg3[%mul3A_27, %dma_start3A_31] : memref<10240x128xf32, #tpu.memory_space<hbm>> -> memref<640x128xf32, #tpu.memory_space<hbm>>
        tpu.enqueue_dma source(%dma_start3A_32 : memref<640x128xf32, #tpu.memory_space<hbm>>) target(%dma_start3A_30 : memref<640x128xf32, #tpu.memory_space<vmem_shared>>) target_semaphore(%run_scoped3A : memref<!tpu.dma_semaphore, #tpu.memory_space<semaphore_mem>>)
        %dma_wait3A = arith.constant 0 : i32
        %dma_wait3A_33 = tpu.memref_slice %arg10[%mul3A_29, %dma_wait3A] : memref<10240x128xf32, #tpu.memory_space<vmem_shared>> -> memref<640x128xf32, #tpu.memory_space<vmem_shared>>
        %dma_wait3A_34 = arith.constant 0 : i32
        %dma_wait3A_35 = tpu.memref_slice %arg3[%mul3A_27, %dma_wait3A_34] : memref<10240x128xf32, #tpu.memory_space<hbm>> -> memref<640x128xf32, #tpu.memory_space<hbm>>
        tpu.wait_dma2 semaphore(%run_scoped3A : memref<!tpu.dma_semaphore, #tpu.memory_space<semaphore_mem>>) src(%dma_wait3A_35 : memref<640x128xf32, #tpu.memory_space<hbm>>) dst(%dma_wait3A_33 : memref<640x128xf32, #tpu.memory_space<vmem_shared>>)
        tpu.yield
      }) : () -> ()
    } else {
    }
    %barrier3A = arith.constant 0 : index
    tpu.barrier barrier_id(%barrier3A)
    %lt3A = arith.constant 15 : i32
    %lt3A_7 = arith.cmpi slt, %arg1, %lt3A : i32
    %convert_element_type3A_8 = arith.extui %lt3A_7 : i1 to i32
    %cond3A_9 = arith.constant 0 : i32
    %cond3A_10 = arith.cmpi ne, %convert_element_type3A_8, %cond3A_9 : i32
    scf.if %cond3A_10 {
      %mul3A = arith.constant 320 : i32
      %mul3A_27 = arith.muli %arg1, %mul3A : i32
      %scan3A = arith.constant 0 : i32
      %scan3A_28 = arith.constant 0 : i32
      %scan3A_29 = arith.constant 10 : i32
      %scan3A_30 = arith.addi %scan3A_28, %scan3A_29 : i32
      %scan3A_31 = arith.constant 1 : i32
      scf.for %scan3A_60 = %scan3A_28 to %scan3A_30 step %scan3A_31  : i32 {
        %mul3A_61 = arith.constant 32 : i32
        %mul3A_62 = arith.muli %scan3A_60, %mul3A_61 : i32
        %add3A = arith.addi %mul3A_27, %mul3A_62 : i32
        "tpu.region"() ({
          %run_scoped3A = tpu.sem_alloc : memref<!tpu.dma_semaphore, #tpu.memory_space<semaphore_mem>>
          %dma_start3A = arith.constant 0 : i32
          %dma_start3A_101 = tpu.memref_slice %arg4[%add3A, %dma_start3A] : memref<5000x64xi32, #tpu.memory_space<hbm>> -> memref<32x64xi32, #tpu.memory_space<hbm>>
          %dma_start3A_102 = arith.constant 0 : i32
          %dma_start3A_103 = tpu.memref_slice %arg4[%add3A, %dma_start3A_102] : memref<5000x64xi32, #tpu.memory_space<hbm>> -> memref<32x64xi32, #tpu.memory_space<hbm>>
          tpu.enqueue_dma source(%dma_start3A_103 : memref<32x64xi32, #tpu.memory_space<hbm>>) target(%arg11 : memref<32x64xi32, #tpu.memory_space<vmem>>) target_semaphore(%run_scoped3A : memref<!tpu.dma_semaphore, #tpu.memory_space<semaphore_mem>>)
          %dma_wait3A_104 = arith.constant 0 : i32
          %dma_wait3A_105 = tpu.memref_slice %arg4[%add3A, %dma_wait3A_104] : memref<5000x64xi32, #tpu.memory_space<hbm>> -> memref<32x64xi32, #tpu.memory_space<hbm>>
          %dma_wait3A_106 = arith.constant 0 : i32
          %dma_wait3A_107 = tpu.memref_slice %arg4[%add3A, %dma_wait3A_106] : memref<5000x64xi32, #tpu.memory_space<hbm>> -> memref<32x64xi32, #tpu.memory_space<hbm>>
          tpu.wait_dma2 semaphore(%run_scoped3A : memref<!tpu.dma_semaphore, #tpu.memory_space<semaphore_mem>>) src(%dma_wait3A_107 : memref<32x64xi32, #tpu.memory_space<hbm>>) dst(%arg11 : memref<32x64xi32, #tpu.memory_space<vmem>>)
          tpu.yield
        }) : () -> ()
        "tpu.region"() ({
          %run_scoped3A = tpu.sem_alloc : memref<!tpu.dma_semaphore, #tpu.memory_space<semaphore_mem>>
          %dma_start3A = arith.constant 0 : i32
          %dma_start3A_101 = tpu.memref_slice %arg5[%add3A, %dma_start3A] : memref<5000x64xi32, #tpu.memory_space<hbm>> -> memref<32x64xi32, #tpu.memory_space<hbm>>
          %dma_start3A_102 = arith.constant 0 : i32
          %dma_start3A_103 = tpu.memref_slice %arg5[%add3A, %dma_start3A_102] : memref<5000x64xi32, #tpu.memory_space<hbm>> -> memref<32x64xi32, #tpu.memory_space<hbm>>
          tpu.enqueue_dma source(%dma_start3A_103 : memref<32x64xi32, #tpu.memory_space<hbm>>) target(%arg12 : memref<32x64xi32, #tpu.memory_space<vmem>>) target_semaphore(%run_scoped3A : memref<!tpu.dma_semaphore, #tpu.memory_space<semaphore_mem>>)
          %dma_wait3A_104 = arith.constant 0 : i32
          %dma_wait3A_105 = tpu.memref_slice %arg5[%add3A, %dma_wait3A_104] : memref<5000x64xi32, #tpu.memory_space<hbm>> -> memref<32x64xi32, #tpu.memory_space<hbm>>
          %dma_wait3A_106 = arith.constant 0 : i32
          %dma_wait3A_107 = tpu.memref_slice %arg5[%add3A, %dma_wait3A_106] : memref<5000x64xi32, #tpu.memory_space<hbm>> -> memref<32x64xi32, #tpu.memory_space<hbm>>
          tpu.wait_dma2 semaphore(%run_scoped3A : memref<!tpu.dma_semaphore, #tpu.memory_space<semaphore_mem>>) src(%dma_wait3A_107 : memref<32x64xi32, #tpu.memory_space<hbm>>) dst(%arg12 : memref<32x64xi32, #tpu.memory_space<vmem>>)
          tpu.yield
        }) : () -> ()
        %gt3A = arith.constant 0 : i32
        %gt3A_63 = arith.cmpi sgt, %scan3A_60, %gt3A : i32
        %convert_element_type3A_64 = arith.extui %gt3A_63 : i1 to i32
        %cond3A_65 = arith.constant 0 : i32
        %cond3A_66 = arith.cmpi ne, %convert_element_type3A_64, %cond3A_65 : i32
        scf.if %cond3A_66 {
          %dma_wait3A_101 = arith.constant 0 : i32
          %dma_wait3A_102 = arith.constant 0 : i32
          %dma_wait3A_103 = tpu.memref_slice %arg12[%dma_wait3A_101, %dma_wait3A_102] : memref<32x64xi32, #tpu.memory_space<vmem>> -> memref<1x64xi32, #tpu.memory_space<vmem>>
          %dma_wait3A_104 = tpu.memref_squeeze %dma_wait3A_103 : memref<1x64xi32, #tpu.memory_space<vmem>> -> memref<64xi32, #tpu.memory_space<vmem>>
          %dma_wait3A_105 = arith.constant 0 : i32
          %dma_wait3A_106 = arith.constant 0 : i32
          %dma_wait3A_107 = tpu.memref_slice %arg10[%dma_wait3A_105, %dma_wait3A_106] : memref<10240x128xf32, #tpu.memory_space<vmem_shared>> -> memref<10240x128xf32, #tpu.memory_space<vmem_shared>>
          tpu.wait_indirect_dma semaphore(%arg21 : memref<!tpu.dma_semaphore, #tpu.memory_space<semaphore_mem>>) src(%arg13 : memref<64x128xf32, #tpu.memory_space<vmem>>) dst(%dma_wait3A_107 : memref<10240x128xf32, #tpu.memory_space<vmem_shared>>)
        } else {
        }
        %eq3A_67 = arith.constant 0 : i32
        %eq3A_68 = arith.cmpi eq, %arg0, %eq3A_67 : i32
        %convert_element_type3A_69 = arith.extui %eq3A_68 : i1 to i32
        %cond3A_70 = arith.constant 0 : i32
        %cond3A_71 = arith.constant 0 : i32
        %cond3A_72 = arith.cmpi ne, %convert_element_type3A_69, %cond3A_71 : i32
        scf.if %cond3A_72 {
          %dma_start3A = arith.constant 0 : i32
          %dma_start3A_101 = tpu.memref_slice %arg11[%cond3A_70, %dma_start3A] : memref<32x64xi32, #tpu.memory_space<vmem>> -> memref<1x64xi32, #tpu.memory_space<vmem>>
          %dma_start3A_102 = tpu.memref_squeeze %dma_start3A_101 : memref<1x64xi32, #tpu.memory_space<vmem>> -> memref<64xi32, #tpu.memory_space<vmem>>
          %dma_start3A_103 = arith.constant 0 : i32
          %dma_start3A_104 = arith.constant 0 : i32
          %dma_start3A_105 = tpu.memref_slice %arg2[%dma_start3A_103, %dma_start3A_104] : memref<10240x128xf32, #tpu.memory_space<hbm>> -> memref<10240x128xf32, #tpu.memory_space<hbm>>
          tpu.enqueue_indirect_dma source(%dma_start3A_105 : memref<10240x128xf32, #tpu.memory_space<hbm>>) target(%arg13 : memref<64x128xf32, #tpu.memory_space<vmem>>) offsets(%dma_start3A_102 : memref<64xi32, #tpu.memory_space<vmem>>) semaphore(%arg17 : memref<!tpu.dma_semaphore, #tpu.memory_space<semaphore_mem>>)
        } else {
        }
        %eq3A_73 = arith.constant 1 : i32
        %eq3A_74 = arith.cmpi eq, %arg0, %eq3A_73 : i32
        %convert_element_type3A_75 = arith.extui %eq3A_74 : i1 to i32
        %cond3A_76 = arith.constant 0 : i32
        %cond3A_77 = arith.constant 0 : i32
        %cond3A_78 = arith.cmpi ne, %convert_element_type3A_75, %cond3A_77 : i32
        scf.if %cond3A_78 {
          %dma_start3A = arith.constant 0 : i32
          %dma_start3A_101 = tpu.memref_slice %arg11[%cond3A_76, %dma_start3A] : memref<32x64xi32, #tpu.memory_space<vmem>> -> memref<1x64xi32, #tpu.memory_space<vmem>>
          %dma_start3A_102 = tpu.memref_squeeze %dma_start3A_101 : memref<1x64xi32, #tpu.memory_space<vmem>> -> memref<64xi32, #tpu.memory_space<vmem>>
          %dma_start3A_103 = arith.constant 0 : i32
          %dma_start3A_104 = arith.constant 0 : i32
          %dma_start3A_105 = tpu.memref_slice %arg3[%dma_start3A_103, %dma_start3A_104] : memref<10240x128xf32, #tpu.memory_space<hbm>> -> memref<10240x128xf32, #tpu.memory_space<hbm>>
          tpu.enqueue_indirect_dma source(%dma_start3A_105 : memref<10240x128xf32, #tpu.memory_space<hbm>>) target(%arg13 : memref<64x128xf32, #tpu.memory_space<vmem>>) offsets(%dma_start3A_102 : memref<64xi32, #tpu.memory_space<vmem>>) semaphore(%arg17 : memref<!tpu.dma_semaphore, #tpu.memory_space<semaphore_mem>>)
        } else {
        }
        %gt3A_79 = arith.constant 0 : i32
        %gt3A_80 = arith.cmpi sgt, %scan3A_60, %gt3A_79 : i32
        %convert_element_type3A_81 = arith.extui %gt3A_80 : i1 to i32
        %cond3A_82 = arith.constant 0 : i32
        %cond3A_83 = arith.cmpi ne, %convert_element_type3A_81, %cond3A_82 : i32
        scf.if %cond3A_83 {
          %dma_wait3A_101 = arith.constant 1 : i32
          %dma_wait3A_102 = arith.constant 0 : i32
          %dma_wait3A_103 = tpu.memref_slice %arg12[%dma_wait3A_101, %dma_wait3A_102] : memref<32x64xi32, #tpu.memory_space<vmem>> -> memref<1x64xi32, #tpu.memory_space<vmem>>
          %dma_wait3A_104 = tpu.memref_squeeze %dma_wait3A_103 : memref<1x64xi32, #tpu.memory_space<vmem>> -> memref<64xi32, #tpu.memory_space<vmem>>
          %dma_wait3A_105 = arith.constant 0 : i32
          %dma_wait3A_106 = arith.constant 0 : i32
          %dma_wait3A_107 = tpu.memref_slice %arg10[%dma_wait3A_105, %dma_wait3A_106] : memref<10240x128xf32, #tpu.memory_space<vmem_shared>> -> memref<10240x128xf32, #tpu.memory_space<vmem_shared>>
          tpu.wait_indirect_dma semaphore(%arg22 : memref<!tpu.dma_semaphore, #tpu.memory_space<semaphore_mem>>) src(%arg14 : memref<64x128xf32, #tpu.memory_space<vmem>>) dst(%dma_wait3A_107 : memref<10240x128xf32, #tpu.memory_space<vmem_shared>>)
        } else {
        }
        %eq3A_84 = arith.constant 0 : i32
        %eq3A_85 = arith.cmpi eq, %arg0, %eq3A_84 : i32
        %convert_element_type3A_86 = arith.extui %eq3A_85 : i1 to i32
        %cond3A_87 = arith.constant 1 : i32
        %cond3A_88 = arith.constant 0 : i32
        %cond3A_89 = arith.cmpi ne, %convert_element_type3A_86, %cond3A_88 : i32
        scf.if %cond3A_89 {
          %dma_start3A = arith.constant 0 : i32
          %dma_start3A_101 = tpu.memref_slice %arg11[%cond3A_87, %dma_start3A] : memref<32x64xi32, #tpu.memory_space<vmem>> -> memref<1x64xi32, #tpu.memory_space<vmem>>
          %dma_start3A_102 = tpu.memref_squeeze %dma_start3A_101 : memref<1x64xi32, #tpu.memory_space<vmem>> -> memref<64xi32, #tpu.memory_space<vmem>>
          %dma_start3A_103 = arith.constant 0 : i32
          %dma_start3A_104 = arith.constant 0 : i32
          %dma_start3A_105 = tpu.memref_slice %arg2[%dma_start3A_103, %dma_start3A_104] : memref<10240x128xf32, #tpu.memory_space<hbm>> -> memref<10240x128xf32, #tpu.memory_space<hbm>>
          tpu.enqueue_indirect_dma source(%dma_start3A_105 : memref<10240x128xf32, #tpu.memory_space<hbm>>) target(%arg14 : memref<64x128xf32, #tpu.memory_space<vmem>>) offsets(%dma_start3A_102 : memref<64xi32, #tpu.memory_space<vmem>>) semaphore(%arg18 : memref<!tpu.dma_semaphore, #tpu.memory_space<semaphore_mem>>)
        } else {
        }
        %eq3A_90 = arith.constant 1 : i32
        %eq3A_91 = arith.cmpi eq, %arg0, %eq3A_90 : i32
        %convert_element_type3A_92 = arith.extui %eq3A_91 : i1 to i32
        %cond3A_93 = arith.constant 1 : i32
        %cond3A_94 = arith.constant 0 : i32
        %cond3A_95 = arith.cmpi ne, %convert_element_type3A_92, %cond3A_94 : i32
        scf.if %cond3A_95 {
          %dma_start3A = arith.constant 0 : i32
          %dma_start3A_101 = tpu.memref_slice %arg11[%cond3A_93, %dma_start3A] : memref<32x64xi32, #tpu.memory_space<vmem>> -> memref<1x64xi32, #tpu.memory_space<vmem>>
          %dma_start3A_102 = tpu.memref_squeeze %dma_start3A_101 : memref<1x64xi32, #tpu.memory_space<vmem>> -> memref<64xi32, #tpu.memory_space<vmem>>
          %dma_start3A_103 = arith.constant 0 : i32
          %dma_start3A_104 = arith.constant 0 : i32
          %dma_start3A_105 = tpu.memref_slice %arg3[%dma_start3A_103, %dma_start3A_104] : memref<10240x128xf32, #tpu.memory_space<hbm>> -> memref<10240x128xf32, #tpu.memory_space<hbm>>
          tpu.enqueue_indirect_dma source(%dma_start3A_105 : memref<10240x128xf32, #tpu.memory_space<hbm>>) target(%arg14 : memref<64x128xf32, #tpu.memory_space<vmem>>) offsets(%dma_start3A_102 : memref<64xi32, #tpu.memory_space<vmem>>) semaphore(%arg18 : memref<!tpu.dma_semaphore, #tpu.memory_space<semaphore_mem>>)
        } else {
        }
        %scan3A_96 = arith.constant 0 : i32
        %scan3A_97 = arith.constant 8 : i32
        %scan3A_98 = arith.addi %scan3A_96, %scan3A_97 : i32
        %scan3A_99 = arith.constant 1 : i32
        scf.for %scan3A_101 = %scan3A_96 to %scan3A_98 step %scan3A_99  : i32 {
          %mul3A_102 = arith.constant 4 : i32
          %mul3A_103 = arith.muli %scan3A_101, %mul3A_102 : i32
          %add3A_104 = arith.constant 0 : i32
          %add3A_105 = arith.addi %mul3A_103, %add3A_104 : i32
          %dma_wait3A_106 = arith.constant 0 : i32
          %dma_wait3A_107 = tpu.memref_slice %arg11[%add3A_105, %dma_wait3A_106] : memref<32x64xi32, #tpu.memory_space<vmem>> -> memref<1x64xi32, #tpu.memory_space<vmem>>
          %dma_wait3A_108 = tpu.memref_squeeze %dma_wait3A_107 : memref<1x64xi32, #tpu.memory_space<vmem>> -> memref<64xi32, #tpu.memory_space<vmem>>
          %dma_wait3A_109 = arith.constant 0 : i32
          %dma_wait3A_110 = arith.constant 0 : i32
          %dma_wait3A_111 = tpu.memref_slice %arg2[%dma_wait3A_109, %dma_wait3A_110] : memref<10240x128xf32, #tpu.memory_space<hbm>> -> memref<10240x128xf32, #tpu.memory_space<hbm>>
          tpu.wait_indirect_dma semaphore(%arg17 : memref<!tpu.dma_semaphore, #tpu.memory_space<semaphore_mem>>) src(%dma_wait3A_111 : memref<10240x128xf32, #tpu.memory_space<hbm>>) dst(%arg13 : memref<64x128xf32, #tpu.memory_space<vmem>>)
          %dma_start3A = arith.constant 0 : i32
          %dma_start3A_112 = tpu.memref_slice %arg12[%add3A_105, %dma_start3A] : memref<32x64xi32, #tpu.memory_space<vmem>> -> memref<1x64xi32, #tpu.memory_space<vmem>>
          %dma_start3A_113 = tpu.memref_squeeze %dma_start3A_112 : memref<1x64xi32, #tpu.memory_space<vmem>> -> memref<64xi32, #tpu.memory_space<vmem>>
          %dma_start3A_114 = arith.constant 0 : i32
          %dma_start3A_115 = arith.constant 0 : i32
          %dma_start3A_116 = tpu.memref_slice %arg10[%dma_start3A_114, %dma_start3A_115] : memref<10240x128xf32, #tpu.memory_space<vmem_shared>> -> memref<10240x128xf32, #tpu.memory_space<vmem_shared>>
          tpu.enqueue_indirect_dma source(%arg13 : memref<64x128xf32, #tpu.memory_space<vmem>>) target(%dma_start3A_116 : memref<10240x128xf32, #tpu.memory_space<vmem_shared>>) offsets(%dma_start3A_113 : memref<64xi32, #tpu.memory_space<vmem>>) semaphore(%arg21 : memref<!tpu.dma_semaphore, #tpu.memory_space<semaphore_mem>>) {add = true}
          %add3A_117 = arith.constant 2 : i32
          %add3A_118 = arith.addi %add3A_105, %add3A_117 : i32
          %gt3A_119 = arith.constant 0 : i32
          %gt3A_120 = arith.cmpi sgt, %scan3A_60, %gt3A_119 : i32
          %gt3A_121 = arith.constant 0 : i32
          %gt3A_122 = arith.cmpi sgt, %scan3A_101, %gt3A_121 : i32
          %or3A = arith.ori %gt3A_120, %gt3A_122 : i1
          %convert_element_type3A_123 = arith.extui %or3A : i1 to i32
          %cond3A_124 = arith.constant 0 : i32
          %cond3A_125 = arith.cmpi ne, %convert_element_type3A_123, %cond3A_124 : i32
          scf.if %cond3A_125 {
            %dma_wait3A_218 = arith.constant 0 : i32
            %dma_wait3A_219 = tpu.memref_slice %arg12[%add3A_118, %dma_wait3A_218] : memref<32x64xi32, #tpu.memory_space<vmem>> -> memref<1x64xi32, #tpu.memory_space<vmem>>
            %dma_wait3A_220 = tpu.memref_squeeze %dma_wait3A_219 : memref<1x64xi32, #tpu.memory_space<vmem>> -> memref<64xi32, #tpu.memory_space<vmem>>
            %dma_wait3A_221 = arith.constant 0 : i32
            %dma_wait3A_222 = arith.constant 0 : i32
            %dma_wait3A_223 = tpu.memref_slice %arg10[%dma_wait3A_221, %dma_wait3A_222] : memref<10240x128xf32, #tpu.memory_space<vmem_shared>> -> memref<10240x128xf32, #tpu.memory_space<vmem_shared>>
            tpu.wait_indirect_dma semaphore(%arg23 : memref<!tpu.dma_semaphore, #tpu.memory_space<semaphore_mem>>) src(%arg15 : memref<64x128xf32, #tpu.memory_space<vmem>>) dst(%dma_wait3A_223 : memref<10240x128xf32, #tpu.memory_space<vmem_shared>>)
          } else {
          }
          %eq3A_126 = arith.constant 0 : i32
          %eq3A_127 = arith.cmpi eq, %arg0, %eq3A_126 : i32
          %convert_element_type3A_128 = arith.extui %eq3A_127 : i1 to i32
          %cond3A_129 = arith.constant 0 : i32
          %cond3A_130 = arith.cmpi ne, %convert_element_type3A_128, %cond3A_129 : i32
          scf.if %cond3A_130 {
            %dma_start3A_218 = arith.constant 0 : i32
            %dma_start3A_219 = tpu.memref_slice %arg11[%add3A_118, %dma_start3A_218] : memref<32x64xi32, #tpu.memory_space<vmem>> -> memref<1x64xi32, #tpu.memory_space<vmem>>
            %dma_start3A_220 = tpu.memref_squeeze %dma_start3A_219 : memref<1x64xi32, #tpu.memory_space<vmem>> -> memref<64xi32, #tpu.memory_space<vmem>>
            %dma_start3A_221 = arith.constant 0 : i32
            %dma_start3A_222 = arith.constant 0 : i32
            %dma_start3A_223 = tpu.memref_slice %arg2[%dma_start3A_221, %dma_start3A_222] : memref<10240x128xf32, #tpu.memory_space<hbm>> -> memref<10240x128xf32, #tpu.memory_space<hbm>>
            tpu.enqueue_indirect_dma source(%dma_start3A_223 : memref<10240x128xf32, #tpu.memory_space<hbm>>) target(%arg15 : memref<64x128xf32, #tpu.memory_space<vmem>>) offsets(%dma_start3A_220 : memref<64xi32, #tpu.memory_space<vmem>>) semaphore(%arg19 : memref<!tpu.dma_semaphore, #tpu.memory_space<semaphore_mem>>)
          } else {
          }
          %eq3A_131 = arith.constant 1 : i32
          %eq3A_132 = arith.cmpi eq, %arg0, %eq3A_131 : i32
          %convert_element_type3A_133 = arith.extui %eq3A_132 : i1 to i32
          %cond3A_134 = arith.constant 0 : i32
          %cond3A_135 = arith.cmpi ne, %convert_element_type3A_133, %cond3A_134 : i32
          scf.if %cond3A_135 {
            %dma_start3A_218 = arith.constant 0 : i32
            %dma_start3A_219 = tpu.memref_slice %arg11[%add3A_118, %dma_start3A_218] : memref<32x64xi32, #tpu.memory_space<vmem>> -> memref<1x64xi32, #tpu.memory_space<vmem>>
            %dma_start3A_220 = tpu.memref_squeeze %dma_start3A_219 : memref<1x64xi32, #tpu.memory_space<vmem>> -> memref<64xi32, #tpu.memory_space<vmem>>
            %dma_start3A_221 = arith.constant 0 : i32
            %dma_start3A_222 = arith.constant 0 : i32
            %dma_start3A_223 = tpu.memref_slice %arg3[%dma_start3A_221, %dma_start3A_222] : memref<10240x128xf32, #tpu.memory_space<hbm>> -> memref<10240x128xf32, #tpu.memory_space<hbm>>
            tpu.enqueue_indirect_dma source(%dma_start3A_223 : memref<10240x128xf32, #tpu.memory_space<hbm>>) target(%arg15 : memref<64x128xf32, #tpu.memory_space<vmem>>) offsets(%dma_start3A_220 : memref<64xi32, #tpu.memory_space<vmem>>) semaphore(%arg19 : memref<!tpu.dma_semaphore, #tpu.memory_space<semaphore_mem>>)
          } else {
          }
          %mul3A_136 = arith.constant 4 : i32
          %mul3A_137 = arith.muli %scan3A_101, %mul3A_136 : i32
          %add3A_138 = arith.constant 1 : i32
          %add3A_139 = arith.addi %mul3A_137, %add3A_138 : i32
          %dma_wait3A_140 = arith.constant 0 : i32
          %dma_wait3A_141 = tpu.memref_slice %arg11[%add3A_139, %dma_wait3A_140] : memref<32x64xi32, #tpu.memory_space<vmem>> -> memref<1x64xi32, #tpu.memory_space<vmem>>
          %dma_wait3A_142 = tpu.memref_squeeze %dma_wait3A_141 : memref<1x64xi32, #tpu.memory_space<vmem>> -> memref<64xi32, #tpu.memory_space<vmem>>
          %dma_wait3A_143 = arith.constant 0 : i32
          %dma_wait3A_144 = arith.constant 0 : i32
          %dma_wait3A_145 = tpu.memref_slice %arg2[%dma_wait3A_143, %dma_wait3A_144] : memref<10240x128xf32, #tpu.memory_space<hbm>> -> memref<10240x128xf32, #tpu.memory_space<hbm>>
          tpu.wait_indirect_dma semaphore(%arg18 : memref<!tpu.dma_semaphore, #tpu.memory_space<semaphore_mem>>) src(%dma_wait3A_145 : memref<10240x128xf32, #tpu.memory_space<hbm>>) dst(%arg14 : memref<64x128xf32, #tpu.memory_space<vmem>>)
          %dma_start3A_146 = arith.constant 0 : i32
          %dma_start3A_147 = tpu.memref_slice %arg12[%add3A_139, %dma_start3A_146] : memref<32x64xi32, #tpu.memory_space<vmem>> -> memref<1x64xi32, #tpu.memory_space<vmem>>
          %dma_start3A_148 = tpu.memref_squeeze %dma_start3A_147 : memref<1x64xi32, #tpu.memory_space<vmem>> -> memref<64xi32, #tpu.memory_space<vmem>>
          %dma_start3A_149 = arith.constant 0 : i32
          %dma_start3A_150 = arith.constant 0 : i32
          %dma_start3A_151 = tpu.memref_slice %arg10[%dma_start3A_149, %dma_start3A_150] : memref<10240x128xf32, #tpu.memory_space<vmem_shared>> -> memref<10240x128xf32, #tpu.memory_space<vmem_shared>>
          tpu.enqueue_indirect_dma source(%arg14 : memref<64x128xf32, #tpu.memory_space<vmem>>) target(%dma_start3A_151 : memref<10240x128xf32, #tpu.memory_space<vmem_shared>>) offsets(%dma_start3A_148 : memref<64xi32, #tpu.memory_space<vmem>>) semaphore(%arg22 : memref<!tpu.dma_semaphore, #tpu.memory_space<semaphore_mem>>) {add = true}
          %add3A_152 = arith.constant 2 : i32
          %add3A_153 = arith.addi %add3A_139, %add3A_152 : i32
          %gt3A_154 = arith.constant 0 : i32
          %gt3A_155 = arith.cmpi sgt, %scan3A_60, %gt3A_154 : i32
          %gt3A_156 = arith.constant 0 : i32
          %gt3A_157 = arith.cmpi sgt, %scan3A_101, %gt3A_156 : i32
          %or3A_158 = arith.ori %gt3A_155, %gt3A_157 : i1
          %convert_element_type3A_159 = arith.extui %or3A_158 : i1 to i32
          %cond3A_160 = arith.constant 0 : i32
          %cond3A_161 = arith.cmpi ne, %convert_element_type3A_159, %cond3A_160 : i32
          scf.if %cond3A_161 {
            %dma_wait3A_218 = arith.constant 0 : i32
            %dma_wait3A_219 = tpu.memref_slice %arg12[%add3A_153, %dma_wait3A_218] : memref<32x64xi32, #tpu.memory_space<vmem>> -> memref<1x64xi32, #tpu.memory_space<vmem>>
            %dma_wait3A_220 = tpu.memref_squeeze %dma_wait3A_219 : memref<1x64xi32, #tpu.memory_space<vmem>> -> memref<64xi32, #tpu.memory_space<vmem>>
            %dma_wait3A_221 = arith.constant 0 : i32
            %dma_wait3A_222 = arith.constant 0 : i32
            %dma_wait3A_223 = tpu.memref_slice %arg10[%dma_wait3A_221, %dma_wait3A_222] : memref<10240x128xf32, #tpu.memory_space<vmem_shared>> -> memref<10240x128xf32, #tpu.memory_space<vmem_shared>>
            tpu.wait_indirect_dma semaphore(%arg24 : memref<!tpu.dma_semaphore, #tpu.memory_space<semaphore_mem>>) src(%arg16 : memref<64x128xf32, #tpu.memory_space<vmem>>) dst(%dma_wait3A_223 : memref<10240x128xf32, #tpu.memory_space<vmem_shared>>)
          } else {
          }
          %eq3A_162 = arith.constant 0 : i32
          %eq3A_163 = arith.cmpi eq, %arg0, %eq3A_162 : i32
          %convert_element_type3A_164 = arith.extui %eq3A_163 : i1 to i32
          %cond3A_165 = arith.constant 0 : i32
          %cond3A_166 = arith.cmpi ne, %convert_element_type3A_164, %cond3A_165 : i32
          scf.if %cond3A_166 {
            %dma_start3A_218 = arith.constant 0 : i32
            %dma_start3A_219 = tpu.memref_slice %arg11[%add3A_153, %dma_start3A_218] : memref<32x64xi32, #tpu.memory_space<vmem>> -> memref<1x64xi32, #tpu.memory_space<vmem>>
            %dma_start3A_220 = tpu.memref_squeeze %dma_start3A_219 : memref<1x64xi32, #tpu.memory_space<vmem>> -> memref<64xi32, #tpu.memory_space<vmem>>
            %dma_start3A_221 = arith.constant 0 : i32
            %dma_start3A_222 = arith.constant 0 : i32
            %dma_start3A_223 = tpu.memref_slice %arg2[%dma_start3A_221, %dma_start3A_222] : memref<10240x128xf32, #tpu.memory_space<hbm>> -> memref<10240x128xf32, #tpu.memory_space<hbm>>
            tpu.enqueue_indirect_dma source(%dma_start3A_223 : memref<10240x128xf32, #tpu.memory_space<hbm>>) target(%arg16 : memref<64x128xf32, #tpu.memory_space<vmem>>) offsets(%dma_start3A_220 : memref<64xi32, #tpu.memory_space<vmem>>) semaphore(%arg20 : memref<!tpu.dma_semaphore, #tpu.memory_space<semaphore_mem>>)
          } else {
          }
          %eq3A_167 = arith.constant 1 : i32
          %eq3A_168 = arith.cmpi eq, %arg0, %eq3A_167 : i32
          %convert_element_type3A_169 = arith.extui %eq3A_168 : i1 to i32
          %cond3A_170 = arith.constant 0 : i32
          %cond3A_171 = arith.cmpi ne, %convert_element_type3A_169, %cond3A_170 : i32
          scf.if %cond3A_171 {
            %dma_start3A_218 = arith.constant 0 : i32
            %dma_start3A_219 = tpu.memref_slice %arg11[%add3A_153, %dma_start3A_218] : memref<32x64xi32, #tpu.memory_space<vmem>> -> memref<1x64xi32, #tpu.memory_space<vmem>>
            %dma_start3A_220 = tpu.memref_squeeze %dma_start3A_219 : memref<1x64xi32, #tpu.memory_space<vmem>> -> memref<64xi32, #tpu.memory_space<vmem>>
            %dma_start3A_221 = arith.constant 0 : i32
            %dma_start3A_222 = arith.constant 0 : i32
            %dma_start3A_223 = tpu.memref_slice %arg3[%dma_start3A_221, %dma_start3A_222] : memref<10240x128xf32, #tpu.memory_space<hbm>> -> memref<10240x128xf32, #tpu.memory_space<hbm>>
            tpu.enqueue_indirect_dma source(%dma_start3A_223 : memref<10240x128xf32, #tpu.memory_space<hbm>>) target(%arg16 : memref<64x128xf32, #tpu.memory_space<vmem>>) offsets(%dma_start3A_220 : memref<64xi32, #tpu.memory_space<vmem>>) semaphore(%arg20 : memref<!tpu.dma_semaphore, #tpu.memory_space<semaphore_mem>>)
          } else {
          }
          %mul3A_172 = arith.constant 4 : i32
          %mul3A_173 = arith.muli %scan3A_101, %mul3A_172 : i32
          %add3A_174 = arith.constant 2 : i32
          %add3A_175 = arith.addi %mul3A_173, %add3A_174 : i32
          %dma_wait3A_176 = arith.constant 0 : i32
          %dma_wait3A_177 = tpu.memref_slice %arg11[%add3A_175, %dma_wait3A_176] : memref<32x64xi32, #tpu.memory_space<vmem>> -> memref<1x64xi32, #tpu.memory_space<vmem>>
          %dma_wait3A_178 = tpu.memref_squeeze %dma_wait3A_177 : memref<1x64xi32, #tpu.memory_space<vmem>> -> memref<64xi32, #tpu.memory_space<vmem>>
          %dma_wait3A_179 = arith.constant 0 : i32
          %dma_wait3A_180 = arith.constant 0 : i32
          %dma_wait3A_181 = tpu.memref_slice %arg2[%dma_wait3A_179, %dma_wait3A_180] : memref<10240x128xf32, #tpu.memory_space<hbm>> -> memref<10240x128xf32, #tpu.memory_space<hbm>>
          tpu.wait_indirect_dma semaphore(%arg19 : memref<!tpu.dma_semaphore, #tpu.memory_space<semaphore_mem>>) src(%dma_wait3A_181 : memref<10240x128xf32, #tpu.memory_space<hbm>>) dst(%arg15 : memref<64x128xf32, #tpu.memory_space<vmem>>)
          %dma_start3A_182 = arith.constant 0 : i32
          %dma_start3A_183 = tpu.memref_slice %arg12[%add3A_175, %dma_start3A_182] : memref<32x64xi32, #tpu.memory_space<vmem>> -> memref<1x64xi32, #tpu.memory_space<vmem>>
          %dma_start3A_184 = tpu.memref_squeeze %dma_start3A_183 : memref<1x64xi32, #tpu.memory_space<vmem>> -> memref<64xi32, #tpu.memory_space<vmem>>
          %dma_start3A_185 = arith.constant 0 : i32
          %dma_start3A_186 = arith.constant 0 : i32
          %dma_start3A_187 = tpu.memref_slice %arg10[%dma_start3A_185, %dma_start3A_186] : memref<10240x128xf32, #tpu.memory_space<vmem_shared>> -> memref<10240x128xf32, #tpu.memory_space<vmem_shared>>
          tpu.enqueue_indirect_dma source(%arg15 : memref<64x128xf32, #tpu.memory_space<vmem>>) target(%dma_start3A_187 : memref<10240x128xf32, #tpu.memory_space<vmem_shared>>) offsets(%dma_start3A_184 : memref<64xi32, #tpu.memory_space<vmem>>) semaphore(%arg23 : memref<!tpu.dma_semaphore, #tpu.memory_space<semaphore_mem>>) {add = true}
          %add3A_188 = arith.constant 2 : i32
          %add3A_189 = arith.addi %add3A_175, %add3A_188 : i32
          %lt3A_190 = arith.constant 7 : i32
          %lt3A_191 = arith.cmpi slt, %scan3A_101, %lt3A_190 : i32
          %convert_element_type3A_192 = arith.extui %lt3A_191 : i1 to i32
          %cond3A_193 = arith.constant 0 : i32
          %cond3A_194 = arith.cmpi ne, %convert_element_type3A_192, %cond3A_193 : i32
          scf.if %cond3A_194 {
            %dma_wait3A_218 = arith.constant 0 : i32
            %dma_wait3A_219 = tpu.memref_slice %arg12[%add3A_189, %dma_wait3A_218] : memref<32x64xi32, #tpu.memory_space<vmem>> -> memref<1x64xi32, #tpu.memory_space<vmem>>
            %dma_wait3A_220 = tpu.memref_squeeze %dma_wait3A_219 : memref<1x64xi32, #tpu.memory_space<vmem>> -> memref<64xi32, #tpu.memory_space<vmem>>
            %dma_wait3A_221 = arith.constant 0 : i32
            %dma_wait3A_222 = arith.constant 0 : i32
            %dma_wait3A_223 = tpu.memref_slice %arg10[%dma_wait3A_221, %dma_wait3A_222] : memref<10240x128xf32, #tpu.memory_space<vmem_shared>> -> memref<10240x128xf32, #tpu.memory_space<vmem_shared>>
            tpu.wait_indirect_dma semaphore(%arg21 : memref<!tpu.dma_semaphore, #tpu.memory_space<semaphore_mem>>) src(%arg13 : memref<64x128xf32, #tpu.memory_space<vmem>>) dst(%dma_wait3A_223 : memref<10240x128xf32, #tpu.memory_space<vmem_shared>>)
            %eq3A_224 = arith.constant 0 : i32
            %eq3A_225 = arith.cmpi eq, %arg0, %eq3A_224 : i32
            %convert_element_type3A_226 = arith.extui %eq3A_225 : i1 to i32
            %cond3A_227 = arith.constant 0 : i32
            %cond3A_228 = arith.cmpi ne, %convert_element_type3A_226, %cond3A_227 : i32
            scf.if %cond3A_228 {
              %dma_start3A_234 = arith.constant 0 : i32
              %dma_start3A_235 = tpu.memref_slice %arg11[%add3A_189, %dma_start3A_234] : memref<32x64xi32, #tpu.memory_space<vmem>> -> memref<1x64xi32, #tpu.memory_space<vmem>>
              %dma_start3A_236 = tpu.memref_squeeze %dma_start3A_235 : memref<1x64xi32, #tpu.memory_space<vmem>> -> memref<64xi32, #tpu.memory_space<vmem>>
              %dma_start3A_237 = arith.constant 0 : i32
              %dma_start3A_238 = arith.constant 0 : i32
              %dma_start3A_239 = tpu.memref_slice %arg2[%dma_start3A_237, %dma_start3A_238] : memref<10240x128xf32, #tpu.memory_space<hbm>> -> memref<10240x128xf32, #tpu.memory_space<hbm>>
              tpu.enqueue_indirect_dma source(%dma_start3A_239 : memref<10240x128xf32, #tpu.memory_space<hbm>>) target(%arg13 : memref<64x128xf32, #tpu.memory_space<vmem>>) offsets(%dma_start3A_236 : memref<64xi32, #tpu.memory_space<vmem>>) semaphore(%arg17 : memref<!tpu.dma_semaphore, #tpu.memory_space<semaphore_mem>>)
            } else {
            }
            %eq3A_229 = arith.constant 1 : i32
            %eq3A_230 = arith.cmpi eq, %arg0, %eq3A_229 : i32
            %convert_element_type3A_231 = arith.extui %eq3A_230 : i1 to i32
            %cond3A_232 = arith.constant 0 : i32
            %cond3A_233 = arith.cmpi ne, %convert_element_type3A_231, %cond3A_232 : i32
            scf.if %cond3A_233 {
              %dma_start3A_234 = arith.constant 0 : i32
              %dma_start3A_235 = tpu.memref_slice %arg11[%add3A_189, %dma_start3A_234] : memref<32x64xi32, #tpu.memory_space<vmem>> -> memref<1x64xi32, #tpu.memory_space<vmem>>
              %dma_start3A_236 = tpu.memref_squeeze %dma_start3A_235 : memref<1x64xi32, #tpu.memory_space<vmem>> -> memref<64xi32, #tpu.memory_space<vmem>>
              %dma_start3A_237 = arith.constant 0 : i32
              %dma_start3A_238 = arith.constant 0 : i32
              %dma_start3A_239 = tpu.memref_slice %arg3[%dma_start3A_237, %dma_start3A_238] : memref<10240x128xf32, #tpu.memory_space<hbm>> -> memref<10240x128xf32, #tpu.memory_space<hbm>>
              tpu.enqueue_indirect_dma source(%dma_start3A_239 : memref<10240x128xf32, #tpu.memory_space<hbm>>) target(%arg13 : memref<64x128xf32, #tpu.memory_space<vmem>>) offsets(%dma_start3A_236 : memref<64xi32, #tpu.memory_space<vmem>>) semaphore(%arg17 : memref<!tpu.dma_semaphore, #tpu.memory_space<semaphore_mem>>)
            } else {
            }
          } else {
          }
          %mul3A_195 = arith.constant 4 : i32
          %mul3A_196 = arith.muli %scan3A_101, %mul3A_195 : i32
          %add3A_197 = arith.constant 3 : i32
          %add3A_198 = arith.addi %mul3A_196, %add3A_197 : i32
          %dma_wait3A_199 = arith.constant 0 : i32
          %dma_wait3A_200 = tpu.memref_slice %arg11[%add3A_198, %dma_wait3A_199] : memref<32x64xi32, #tpu.memory_space<vmem>> -> memref<1x64xi32, #tpu.memory_space<vmem>>
          %dma_wait3A_201 = tpu.memref_squeeze %dma_wait3A_200 : memref<1x64xi32, #tpu.memory_space<vmem>> -> memref<64xi32, #tpu.memory_space<vmem>>
          %dma_wait3A_202 = arith.constant 0 : i32
          %dma_wait3A_203 = arith.constant 0 : i32
          %dma_wait3A_204 = tpu.memref_slice %arg2[%dma_wait3A_202, %dma_wait3A_203] : memref<10240x128xf32, #tpu.memory_space<hbm>> -> memref<10240x128xf32, #tpu.memory_space<hbm>>
          tpu.wait_indirect_dma semaphore(%arg20 : memref<!tpu.dma_semaphore, #tpu.memory_space<semaphore_mem>>) src(%dma_wait3A_204 : memref<10240x128xf32, #tpu.memory_space<hbm>>) dst(%arg16 : memref<64x128xf32, #tpu.memory_space<vmem>>)
          %dma_start3A_205 = arith.constant 0 : i32
          %dma_start3A_206 = tpu.memref_slice %arg12[%add3A_198, %dma_start3A_205] : memref<32x64xi32, #tpu.memory_space<vmem>> -> memref<1x64xi32, #tpu.memory_space<vmem>>
          %dma_start3A_207 = tpu.memref_squeeze %dma_start3A_206 : memref<1x64xi32, #tpu.memory_space<vmem>> -> memref<64xi32, #tpu.memory_space<vmem>>
          %dma_start3A_208 = arith.constant 0 : i32
          %dma_start3A_209 = arith.constant 0 : i32
          %dma_start3A_210 = tpu.memref_slice %arg10[%dma_start3A_208, %dma_start3A_209] : memref<10240x128xf32, #tpu.memory_space<vmem_shared>> -> memref<10240x128xf32, #tpu.memory_space<vmem_shared>>
          tpu.enqueue_indirect_dma source(%arg16 : memref<64x128xf32, #tpu.memory_space<vmem>>) target(%dma_start3A_210 : memref<10240x128xf32, #tpu.memory_space<vmem_shared>>) offsets(%dma_start3A_207 : memref<64xi32, #tpu.memory_space<vmem>>) semaphore(%arg24 : memref<!tpu.dma_semaphore, #tpu.memory_space<semaphore_mem>>) {add = true}
          %add3A_211 = arith.constant 2 : i32
          %add3A_212 = arith.addi %add3A_198, %add3A_211 : i32
          %lt3A_213 = arith.constant 7 : i32
          %lt3A_214 = arith.cmpi slt, %scan3A_101, %lt3A_213 : i32
          %convert_element_type3A_215 = arith.extui %lt3A_214 : i1 to i32
          %cond3A_216 = arith.constant 0 : i32
          %cond3A_217 = arith.cmpi ne, %convert_element_type3A_215, %cond3A_216 : i32
          scf.if %cond3A_217 {
            %dma_wait3A_218 = arith.constant 0 : i32
            %dma_wait3A_219 = tpu.memref_slice %arg12[%add3A_212, %dma_wait3A_218] : memref<32x64xi32, #tpu.memory_space<vmem>> -> memref<1x64xi32, #tpu.memory_space<vmem>>
            %dma_wait3A_220 = tpu.memref_squeeze %dma_wait3A_219 : memref<1x64xi32, #tpu.memory_space<vmem>> -> memref<64xi32, #tpu.memory_space<vmem>>
            %dma_wait3A_221 = arith.constant 0 : i32
            %dma_wait3A_222 = arith.constant 0 : i32
            %dma_wait3A_223 = tpu.memref_slice %arg10[%dma_wait3A_221, %dma_wait3A_222] : memref<10240x128xf32, #tpu.memory_space<vmem_shared>> -> memref<10240x128xf32, #tpu.memory_space<vmem_shared>>
            tpu.wait_indirect_dma semaphore(%arg22 : memref<!tpu.dma_semaphore, #tpu.memory_space<semaphore_mem>>) src(%arg14 : memref<64x128xf32, #tpu.memory_space<vmem>>) dst(%dma_wait3A_223 : memref<10240x128xf32, #tpu.memory_space<vmem_shared>>)
            %eq3A_224 = arith.constant 0 : i32
            %eq3A_225 = arith.cmpi eq, %arg0, %eq3A_224 : i32
            %convert_element_type3A_226 = arith.extui %eq3A_225 : i1 to i32
            %cond3A_227 = arith.constant 0 : i32
            %cond3A_228 = arith.cmpi ne, %convert_element_type3A_226, %cond3A_227 : i32
            scf.if %cond3A_228 {
              %dma_start3A_234 = arith.constant 0 : i32
              %dma_start3A_235 = tpu.memref_slice %arg11[%add3A_212, %dma_start3A_234] : memref<32x64xi32, #tpu.memory_space<vmem>> -> memref<1x64xi32, #tpu.memory_space<vmem>>
              %dma_start3A_236 = tpu.memref_squeeze %dma_start3A_235 : memref<1x64xi32, #tpu.memory_space<vmem>> -> memref<64xi32, #tpu.memory_space<vmem>>
              %dma_start3A_237 = arith.constant 0 : i32
              %dma_start3A_238 = arith.constant 0 : i32
              %dma_start3A_239 = tpu.memref_slice %arg2[%dma_start3A_237, %dma_start3A_238] : memref<10240x128xf32, #tpu.memory_space<hbm>> -> memref<10240x128xf32, #tpu.memory_space<hbm>>
              tpu.enqueue_indirect_dma source(%dma_start3A_239 : memref<10240x128xf32, #tpu.memory_space<hbm>>) target(%arg14 : memref<64x128xf32, #tpu.memory_space<vmem>>) offsets(%dma_start3A_236 : memref<64xi32, #tpu.memory_space<vmem>>) semaphore(%arg18 : memref<!tpu.dma_semaphore, #tpu.memory_space<semaphore_mem>>)
            } else {
            }
            %eq3A_229 = arith.constant 1 : i32
            %eq3A_230 = arith.cmpi eq, %arg0, %eq3A_229 : i32
            %convert_element_type3A_231 = arith.extui %eq3A_230 : i1 to i32
            %cond3A_232 = arith.constant 0 : i32
            %cond3A_233 = arith.cmpi ne, %convert_element_type3A_231, %cond3A_232 : i32
            scf.if %cond3A_233 {
              %dma_start3A_234 = arith.constant 0 : i32
              %dma_start3A_235 = tpu.memref_slice %arg11[%add3A_212, %dma_start3A_234] : memref<32x64xi32, #tpu.memory_space<vmem>> -> memref<1x64xi32, #tpu.memory_space<vmem>>
              %dma_start3A_236 = tpu.memref_squeeze %dma_start3A_235 : memref<1x64xi32, #tpu.memory_space<vmem>> -> memref<64xi32, #tpu.memory_space<vmem>>
              %dma_start3A_237 = arith.constant 0 : i32
              %dma_start3A_238 = arith.constant 0 : i32
              %dma_start3A_239 = tpu.memref_slice %arg3[%dma_start3A_237, %dma_start3A_238] : memref<10240x128xf32, #tpu.memory_space<hbm>> -> memref<10240x128xf32, #tpu.memory_space<hbm>>
              tpu.enqueue_indirect_dma source(%dma_start3A_239 : memref<10240x128xf32, #tpu.memory_space<hbm>>) target(%arg14 : memref<64x128xf32, #tpu.memory_space<vmem>>) offsets(%dma_start3A_236 : memref<64xi32, #tpu.memory_space<vmem>>) semaphore(%arg18 : memref<!tpu.dma_semaphore, #tpu.memory_space<semaphore_mem>>)
            } else {
            }
          } else {
          }
        }
        %scan3A_100 = arith.constant 8 : i32
      }
      %scan3A_32 = arith.constant 10 : i32
      %dma_wait3A = arith.constant 0 : i32
      %dma_wait3A_33 = arith.constant 0 : i32
      %dma_wait3A_34 = tpu.memref_slice %arg12[%dma_wait3A, %dma_wait3A_33] : memref<32x64xi32, #tpu.memory_space<vmem>> -> memref<1x64xi32, #tpu.memory_space<vmem>>
      %dma_wait3A_35 = tpu.memref_squeeze %dma_wait3A_34 : memref<1x64xi32, #tpu.memory_space<vmem>> -> memref<64xi32, #tpu.memory_space<vmem>>
      %dma_wait3A_36 = arith.constant 0 : i32
      %dma_wait3A_37 = arith.constant 0 : i32
      %dma_wait3A_38 = tpu.memref_slice %arg10[%dma_wait3A_36, %dma_wait3A_37] : memref<10240x128xf32, #tpu.memory_space<vmem_shared>> -> memref<10240x128xf32, #tpu.memory_space<vmem_shared>>
      tpu.wait_indirect_dma semaphore(%arg21 : memref<!tpu.dma_semaphore, #tpu.memory_space<semaphore_mem>>) src(%arg13 : memref<64x128xf32, #tpu.memory_space<vmem>>) dst(%dma_wait3A_38 : memref<10240x128xf32, #tpu.memory_space<vmem_shared>>)
      %dma_wait3A_39 = arith.constant 1 : i32
      %dma_wait3A_40 = arith.constant 0 : i32
      %dma_wait3A_41 = tpu.memref_slice %arg12[%dma_wait3A_39, %dma_wait3A_40] : memref<32x64xi32, #tpu.memory_space<vmem>> -> memref<1x64xi32, #tpu.memory_space<vmem>>
      %dma_wait3A_42 = tpu.memref_squeeze %dma_wait3A_41 : memref<1x64xi32, #tpu.memory_space<vmem>> -> memref<64xi32, #tpu.memory_space<vmem>>
      %dma_wait3A_43 = arith.constant 0 : i32
      %dma_wait3A_44 = arith.constant 0 : i32
      %dma_wait3A_45 = tpu.memref_slice %arg10[%dma_wait3A_43, %dma_wait3A_44] : memref<10240x128xf32, #tpu.memory_space<vmem_shared>> -> memref<10240x128xf32, #tpu.memory_space<vmem_shared>>
      tpu.wait_indirect_dma semaphore(%arg22 : memref<!tpu.dma_semaphore, #tpu.memory_space<semaphore_mem>>) src(%arg14 : memref<64x128xf32, #tpu.memory_space<vmem>>) dst(%dma_wait3A_45 : memref<10240x128xf32, #tpu.memory_space<vmem_shared>>)
      %dma_wait3A_46 = arith.constant 2 : i32
      %dma_wait3A_47 = arith.constant 0 : i32
      %dma_wait3A_48 = tpu.memref_slice %arg12[%dma_wait3A_46, %dma_wait3A_47] : memref<32x64xi32, #tpu.memory_space<vmem>> -> memref<1x64xi32, #tpu.memory_space<vmem>>
      %dma_wait3A_49 = tpu.memref_squeeze %dma_wait3A_48 : memref<1x64xi32, #tpu.memory_space<vmem>> -> memref<64xi32, #tpu.memory_space<vmem>>
      %dma_wait3A_50 = arith.constant 0 : i32
      %dma_wait3A_51 = arith.constant 0 : i32
      %dma_wait3A_52 = tpu.memref_slice %arg10[%dma_wait3A_50, %dma_wait3A_51] : memref<10240x128xf32, #tpu.memory_space<vmem_shared>> -> memref<10240x128xf32, #tpu.memory_space<vmem_shared>>
      tpu.wait_indirect_dma semaphore(%arg23 : memref<!tpu.dma_semaphore, #tpu.memory_space<semaphore_mem>>) src(%arg15 : memref<64x128xf32, #tpu.memory_space<vmem>>) dst(%dma_wait3A_52 : memref<10240x128xf32, #tpu.memory_space<vmem_shared>>)
      %dma_wait3A_53 = arith.constant 3 : i32
      %dma_wait3A_54 = arith.constant 0 : i32
      %dma_wait3A_55 = tpu.memref_slice %arg12[%dma_wait3A_53, %dma_wait3A_54] : memref<32x64xi32, #tpu.memory_space<vmem>> -> memref<1x64xi32, #tpu.memory_space<vmem>>
      %dma_wait3A_56 = tpu.memref_squeeze %dma_wait3A_55 : memref<1x64xi32, #tpu.memory_space<vmem>> -> memref<64xi32, #tpu.memory_space<vmem>>
      %dma_wait3A_57 = arith.constant 0 : i32
      %dma_wait3A_58 = arith.constant 0 : i32
      %dma_wait3A_59 = tpu.memref_slice %arg10[%dma_wait3A_57, %dma_wait3A_58] : memref<10240x128xf32, #tpu.memory_space<vmem_shared>> -> memref<10240x128xf32, #tpu.memory_space<vmem_shared>>
      tpu.wait_indirect_dma semaphore(%arg24 : memref<!tpu.dma_semaphore, #tpu.memory_space<semaphore_mem>>) src(%arg16 : memref<64x128xf32, #tpu.memory_space<vmem>>) dst(%dma_wait3A_59 : memref<10240x128xf32, #tpu.memory_space<vmem_shared>>)
    } else {
    }
    %eq3A_11 = arith.constant 15 : i32
    %eq3A_12 = arith.cmpi eq, %arg1, %eq3A_11 : i32
    %convert_element_type3A_13 = arith.extui %eq3A_12 : i1 to i32
    %cond3A_14 = arith.constant 0 : i32
    %cond3A_15 = arith.cmpi ne, %convert_element_type3A_13, %cond3A_14 : i32
    scf.if %cond3A_15 {
      %scan3A = arith.constant 0 : i32
      %scan3A_27 = arith.constant 0 : i32
      %scan3A_28 = arith.constant 10 : i32
      %scan3A_29 = arith.addi %scan3A_27, %scan3A_28 : i32
      %scan3A_30 = arith.constant 1 : i32
      scf.for %scan3A_59 = %scan3A_27 to %scan3A_29 step %scan3A_30  : i32 {
        %mul3A = arith.constant 32 : i32
        %mul3A_60 = arith.muli %scan3A_59, %mul3A : i32
        %add3A = arith.constant 0 : i32
        %add3A_61 = arith.addi %add3A, %mul3A_60 : i32
        "tpu.region"() ({
          %run_scoped3A = tpu.sem_alloc : memref<!tpu.dma_semaphore, #tpu.memory_space<semaphore_mem>>
          %dma_start3A = arith.constant 0 : i32
          %dma_start3A_100 = tpu.memref_slice %arg6[%add3A_61, %dma_start3A] : memref<320x64xi32, #tpu.memory_space<hbm>> -> memref<32x64xi32, #tpu.memory_space<hbm>>
          %dma_start3A_101 = arith.constant 0 : i32
          %dma_start3A_102 = tpu.memref_slice %arg6[%add3A_61, %dma_start3A_101] : memref<320x64xi32, #tpu.memory_space<hbm>> -> memref<32x64xi32, #tpu.memory_space<hbm>>
          tpu.enqueue_dma source(%dma_start3A_102 : memref<32x64xi32, #tpu.memory_space<hbm>>) target(%arg11 : memref<32x64xi32, #tpu.memory_space<vmem>>) target_semaphore(%run_scoped3A : memref<!tpu.dma_semaphore, #tpu.memory_space<semaphore_mem>>)
          %dma_wait3A_103 = arith.constant 0 : i32
          %dma_wait3A_104 = tpu.memref_slice %arg6[%add3A_61, %dma_wait3A_103] : memref<320x64xi32, #tpu.memory_space<hbm>> -> memref<32x64xi32, #tpu.memory_space<hbm>>
          %dma_wait3A_105 = arith.constant 0 : i32
          %dma_wait3A_106 = tpu.memref_slice %arg6[%add3A_61, %dma_wait3A_105] : memref<320x64xi32, #tpu.memory_space<hbm>> -> memref<32x64xi32, #tpu.memory_space<hbm>>
          tpu.wait_dma2 semaphore(%run_scoped3A : memref<!tpu.dma_semaphore, #tpu.memory_space<semaphore_mem>>) src(%dma_wait3A_106 : memref<32x64xi32, #tpu.memory_space<hbm>>) dst(%arg11 : memref<32x64xi32, #tpu.memory_space<vmem>>)
          tpu.yield
        }) : () -> ()
        "tpu.region"() ({
          %run_scoped3A = tpu.sem_alloc : memref<!tpu.dma_semaphore, #tpu.memory_space<semaphore_mem>>
          %dma_start3A = arith.constant 0 : i32
          %dma_start3A_100 = tpu.memref_slice %arg7[%add3A_61, %dma_start3A] : memref<320x64xi32, #tpu.memory_space<hbm>> -> memref<32x64xi32, #tpu.memory_space<hbm>>
          %dma_start3A_101 = arith.constant 0 : i32
          %dma_start3A_102 = tpu.memref_slice %arg7[%add3A_61, %dma_start3A_101] : memref<320x64xi32, #tpu.memory_space<hbm>> -> memref<32x64xi32, #tpu.memory_space<hbm>>
          tpu.enqueue_dma source(%dma_start3A_102 : memref<32x64xi32, #tpu.memory_space<hbm>>) target(%arg12 : memref<32x64xi32, #tpu.memory_space<vmem>>) target_semaphore(%run_scoped3A : memref<!tpu.dma_semaphore, #tpu.memory_space<semaphore_mem>>)
          %dma_wait3A_103 = arith.constant 0 : i32
          %dma_wait3A_104 = tpu.memref_slice %arg7[%add3A_61, %dma_wait3A_103] : memref<320x64xi32, #tpu.memory_space<hbm>> -> memref<32x64xi32, #tpu.memory_space<hbm>>
          %dma_wait3A_105 = arith.constant 0 : i32
          %dma_wait3A_106 = tpu.memref_slice %arg7[%add3A_61, %dma_wait3A_105] : memref<320x64xi32, #tpu.memory_space<hbm>> -> memref<32x64xi32, #tpu.memory_space<hbm>>
          tpu.wait_dma2 semaphore(%run_scoped3A : memref<!tpu.dma_semaphore, #tpu.memory_space<semaphore_mem>>) src(%dma_wait3A_106 : memref<32x64xi32, #tpu.memory_space<hbm>>) dst(%arg12 : memref<32x64xi32, #tpu.memory_space<vmem>>)
          tpu.yield
        }) : () -> ()
        %gt3A = arith.constant 0 : i32
        %gt3A_62 = arith.cmpi sgt, %scan3A_59, %gt3A : i32
        %convert_element_type3A_63 = arith.extui %gt3A_62 : i1 to i32
        %cond3A_64 = arith.constant 0 : i32
        %cond3A_65 = arith.cmpi ne, %convert_element_type3A_63, %cond3A_64 : i32
        scf.if %cond3A_65 {
          %dma_wait3A_100 = arith.constant 0 : i32
          %dma_wait3A_101 = arith.constant 0 : i32
          %dma_wait3A_102 = tpu.memref_slice %arg12[%dma_wait3A_100, %dma_wait3A_101] : memref<32x64xi32, #tpu.memory_space<vmem>> -> memref<1x64xi32, #tpu.memory_space<vmem>>
          %dma_wait3A_103 = tpu.memref_squeeze %dma_wait3A_102 : memref<1x64xi32, #tpu.memory_space<vmem>> -> memref<64xi32, #tpu.memory_space<vmem>>
          %dma_wait3A_104 = arith.constant 0 : i32
          %dma_wait3A_105 = arith.constant 0 : i32
          %dma_wait3A_106 = tpu.memref_slice %arg10[%dma_wait3A_104, %dma_wait3A_105] : memref<10240x128xf32, #tpu.memory_space<vmem_shared>> -> memref<10240x128xf32, #tpu.memory_space<vmem_shared>>
          tpu.wait_indirect_dma semaphore(%arg21 : memref<!tpu.dma_semaphore, #tpu.memory_space<semaphore_mem>>) src(%arg13 : memref<64x128xf32, #tpu.memory_space<vmem>>) dst(%dma_wait3A_106 : memref<10240x128xf32, #tpu.memory_space<vmem_shared>>)
        } else {
        }
        %eq3A_66 = arith.constant 0 : i32
        %eq3A_67 = arith.cmpi eq, %arg0, %eq3A_66 : i32
        %convert_element_type3A_68 = arith.extui %eq3A_67 : i1 to i32
        %cond3A_69 = arith.constant 0 : i32
        %cond3A_70 = arith.constant 0 : i32
        %cond3A_71 = arith.cmpi ne, %convert_element_type3A_68, %cond3A_70 : i32
        scf.if %cond3A_71 {
          %dma_start3A = arith.constant 0 : i32
          %dma_start3A_100 = tpu.memref_slice %arg11[%cond3A_69, %dma_start3A] : memref<32x64xi32, #tpu.memory_space<vmem>> -> memref<1x64xi32, #tpu.memory_space<vmem>>
          %dma_start3A_101 = tpu.memref_squeeze %dma_start3A_100 : memref<1x64xi32, #tpu.memory_space<vmem>> -> memref<64xi32, #tpu.memory_space<vmem>>
          %dma_start3A_102 = arith.constant 0 : i32
          %dma_start3A_103 = arith.constant 0 : i32
          %dma_start3A_104 = tpu.memref_slice %arg2[%dma_start3A_102, %dma_start3A_103] : memref<10240x128xf32, #tpu.memory_space<hbm>> -> memref<10240x128xf32, #tpu.memory_space<hbm>>
          tpu.enqueue_indirect_dma source(%dma_start3A_104 : memref<10240x128xf32, #tpu.memory_space<hbm>>) target(%arg13 : memref<64x128xf32, #tpu.memory_space<vmem>>) offsets(%dma_start3A_101 : memref<64xi32, #tpu.memory_space<vmem>>) semaphore(%arg17 : memref<!tpu.dma_semaphore, #tpu.memory_space<semaphore_mem>>)
        } else {
        }
        %eq3A_72 = arith.constant 1 : i32
        %eq3A_73 = arith.cmpi eq, %arg0, %eq3A_72 : i32
        %convert_element_type3A_74 = arith.extui %eq3A_73 : i1 to i32
        %cond3A_75 = arith.constant 0 : i32
        %cond3A_76 = arith.constant 0 : i32
        %cond3A_77 = arith.cmpi ne, %convert_element_type3A_74, %cond3A_76 : i32
        scf.if %cond3A_77 {
          %dma_start3A = arith.constant 0 : i32
          %dma_start3A_100 = tpu.memref_slice %arg11[%cond3A_75, %dma_start3A] : memref<32x64xi32, #tpu.memory_space<vmem>> -> memref<1x64xi32, #tpu.memory_space<vmem>>
          %dma_start3A_101 = tpu.memref_squeeze %dma_start3A_100 : memref<1x64xi32, #tpu.memory_space<vmem>> -> memref<64xi32, #tpu.memory_space<vmem>>
          %dma_start3A_102 = arith.constant 0 : i32
          %dma_start3A_103 = arith.constant 0 : i32
          %dma_start3A_104 = tpu.memref_slice %arg3[%dma_start3A_102, %dma_start3A_103] : memref<10240x128xf32, #tpu.memory_space<hbm>> -> memref<10240x128xf32, #tpu.memory_space<hbm>>
          tpu.enqueue_indirect_dma source(%dma_start3A_104 : memref<10240x128xf32, #tpu.memory_space<hbm>>) target(%arg13 : memref<64x128xf32, #tpu.memory_space<vmem>>) offsets(%dma_start3A_101 : memref<64xi32, #tpu.memory_space<vmem>>) semaphore(%arg17 : memref<!tpu.dma_semaphore, #tpu.memory_space<semaphore_mem>>)
        } else {
        }
        %gt3A_78 = arith.constant 0 : i32
        %gt3A_79 = arith.cmpi sgt, %scan3A_59, %gt3A_78 : i32
        %convert_element_type3A_80 = arith.extui %gt3A_79 : i1 to i32
        %cond3A_81 = arith.constant 0 : i32
        %cond3A_82 = arith.cmpi ne, %convert_element_type3A_80, %cond3A_81 : i32
        scf.if %cond3A_82 {
          %dma_wait3A_100 = arith.constant 1 : i32
          %dma_wait3A_101 = arith.constant 0 : i32
          %dma_wait3A_102 = tpu.memref_slice %arg12[%dma_wait3A_100, %dma_wait3A_101] : memref<32x64xi32, #tpu.memory_space<vmem>> -> memref<1x64xi32, #tpu.memory_space<vmem>>
          %dma_wait3A_103 = tpu.memref_squeeze %dma_wait3A_102 : memref<1x64xi32, #tpu.memory_space<vmem>> -> memref<64xi32, #tpu.memory_space<vmem>>
          %dma_wait3A_104 = arith.constant 0 : i32
          %dma_wait3A_105 = arith.constant 0 : i32
          %dma_wait3A_106 = tpu.memref_slice %arg10[%dma_wait3A_104, %dma_wait3A_105] : memref<10240x128xf32, #tpu.memory_space<vmem_shared>> -> memref<10240x128xf32, #tpu.memory_space<vmem_shared>>
          tpu.wait_indirect_dma semaphore(%arg22 : memref<!tpu.dma_semaphore, #tpu.memory_space<semaphore_mem>>) src(%arg14 : memref<64x128xf32, #tpu.memory_space<vmem>>) dst(%dma_wait3A_106 : memref<10240x128xf32, #tpu.memory_space<vmem_shared>>)
        } else {
        }
        %eq3A_83 = arith.constant 0 : i32
        %eq3A_84 = arith.cmpi eq, %arg0, %eq3A_83 : i32
        %convert_element_type3A_85 = arith.extui %eq3A_84 : i1 to i32
        %cond3A_86 = arith.constant 1 : i32
        %cond3A_87 = arith.constant 0 : i32
        %cond3A_88 = arith.cmpi ne, %convert_element_type3A_85, %cond3A_87 : i32
        scf.if %cond3A_88 {
          %dma_start3A = arith.constant 0 : i32
          %dma_start3A_100 = tpu.memref_slice %arg11[%cond3A_86, %dma_start3A] : memref<32x64xi32, #tpu.memory_space<vmem>> -> memref<1x64xi32, #tpu.memory_space<vmem>>
          %dma_start3A_101 = tpu.memref_squeeze %dma_start3A_100 : memref<1x64xi32, #tpu.memory_space<vmem>> -> memref<64xi32, #tpu.memory_space<vmem>>
          %dma_start3A_102 = arith.constant 0 : i32
          %dma_start3A_103 = arith.constant 0 : i32
          %dma_start3A_104 = tpu.memref_slice %arg2[%dma_start3A_102, %dma_start3A_103] : memref<10240x128xf32, #tpu.memory_space<hbm>> -> memref<10240x128xf32, #tpu.memory_space<hbm>>
          tpu.enqueue_indirect_dma source(%dma_start3A_104 : memref<10240x128xf32, #tpu.memory_space<hbm>>) target(%arg14 : memref<64x128xf32, #tpu.memory_space<vmem>>) offsets(%dma_start3A_101 : memref<64xi32, #tpu.memory_space<vmem>>) semaphore(%arg18 : memref<!tpu.dma_semaphore, #tpu.memory_space<semaphore_mem>>)
        } else {
        }
        %eq3A_89 = arith.constant 1 : i32
        %eq3A_90 = arith.cmpi eq, %arg0, %eq3A_89 : i32
        %convert_element_type3A_91 = arith.extui %eq3A_90 : i1 to i32
        %cond3A_92 = arith.constant 1 : i32
        %cond3A_93 = arith.constant 0 : i32
        %cond3A_94 = arith.cmpi ne, %convert_element_type3A_91, %cond3A_93 : i32
        scf.if %cond3A_94 {
          %dma_start3A = arith.constant 0 : i32
          %dma_start3A_100 = tpu.memref_slice %arg11[%cond3A_92, %dma_start3A] : memref<32x64xi32, #tpu.memory_space<vmem>> -> memref<1x64xi32, #tpu.memory_space<vmem>>
          %dma_start3A_101 = tpu.memref_squeeze %dma_start3A_100 : memref<1x64xi32, #tpu.memory_space<vmem>> -> memref<64xi32, #tpu.memory_space<vmem>>
          %dma_start3A_102 = arith.constant 0 : i32
          %dma_start3A_103 = arith.constant 0 : i32
          %dma_start3A_104 = tpu.memref_slice %arg3[%dma_start3A_102, %dma_start3A_103] : memref<10240x128xf32, #tpu.memory_space<hbm>> -> memref<10240x128xf32, #tpu.memory_space<hbm>>
          tpu.enqueue_indirect_dma source(%dma_start3A_104 : memref<10240x128xf32, #tpu.memory_space<hbm>>) target(%arg14 : memref<64x128xf32, #tpu.memory_space<vmem>>) offsets(%dma_start3A_101 : memref<64xi32, #tpu.memory_space<vmem>>) semaphore(%arg18 : memref<!tpu.dma_semaphore, #tpu.memory_space<semaphore_mem>>)
        } else {
        }
        %scan3A_95 = arith.constant 0 : i32
        %scan3A_96 = arith.constant 8 : i32
        %scan3A_97 = arith.addi %scan3A_95, %scan3A_96 : i32
        %scan3A_98 = arith.constant 1 : i32
        scf.for %scan3A_100 = %scan3A_95 to %scan3A_97 step %scan3A_98  : i32 {
          %mul3A_101 = arith.constant 4 : i32
          %mul3A_102 = arith.muli %scan3A_100, %mul3A_101 : i32
          %add3A_103 = arith.constant 0 : i32
          %add3A_104 = arith.addi %mul3A_102, %add3A_103 : i32
          %dma_wait3A_105 = arith.constant 0 : i32
          %dma_wait3A_106 = tpu.memref_slice %arg11[%add3A_104, %dma_wait3A_105] : memref<32x64xi32, #tpu.memory_space<vmem>> -> memref<1x64xi32, #tpu.memory_space<vmem>>
          %dma_wait3A_107 = tpu.memref_squeeze %dma_wait3A_106 : memref<1x64xi32, #tpu.memory_space<vmem>> -> memref<64xi32, #tpu.memory_space<vmem>>
          %dma_wait3A_108 = arith.constant 0 : i32
          %dma_wait3A_109 = arith.constant 0 : i32
          %dma_wait3A_110 = tpu.memref_slice %arg2[%dma_wait3A_108, %dma_wait3A_109] : memref<10240x128xf32, #tpu.memory_space<hbm>> -> memref<10240x128xf32, #tpu.memory_space<hbm>>
          tpu.wait_indirect_dma semaphore(%arg17 : memref<!tpu.dma_semaphore, #tpu.memory_space<semaphore_mem>>) src(%dma_wait3A_110 : memref<10240x128xf32, #tpu.memory_space<hbm>>) dst(%arg13 : memref<64x128xf32, #tpu.memory_space<vmem>>)
          %dma_start3A = arith.constant 0 : i32
          %dma_start3A_111 = tpu.memref_slice %arg12[%add3A_104, %dma_start3A] : memref<32x64xi32, #tpu.memory_space<vmem>> -> memref<1x64xi32, #tpu.memory_space<vmem>>
          %dma_start3A_112 = tpu.memref_squeeze %dma_start3A_111 : memref<1x64xi32, #tpu.memory_space<vmem>> -> memref<64xi32, #tpu.memory_space<vmem>>
          %dma_start3A_113 = arith.constant 0 : i32
          %dma_start3A_114 = arith.constant 0 : i32
          %dma_start3A_115 = tpu.memref_slice %arg10[%dma_start3A_113, %dma_start3A_114] : memref<10240x128xf32, #tpu.memory_space<vmem_shared>> -> memref<10240x128xf32, #tpu.memory_space<vmem_shared>>
          tpu.enqueue_indirect_dma source(%arg13 : memref<64x128xf32, #tpu.memory_space<vmem>>) target(%dma_start3A_115 : memref<10240x128xf32, #tpu.memory_space<vmem_shared>>) offsets(%dma_start3A_112 : memref<64xi32, #tpu.memory_space<vmem>>) semaphore(%arg21 : memref<!tpu.dma_semaphore, #tpu.memory_space<semaphore_mem>>) {add = true}
          %add3A_116 = arith.constant 2 : i32
          %add3A_117 = arith.addi %add3A_104, %add3A_116 : i32
          %gt3A_118 = arith.constant 0 : i32
          %gt3A_119 = arith.cmpi sgt, %scan3A_59, %gt3A_118 : i32
          %gt3A_120 = arith.constant 0 : i32
          %gt3A_121 = arith.cmpi sgt, %scan3A_100, %gt3A_120 : i32
          %or3A = arith.ori %gt3A_119, %gt3A_121 : i1
          %convert_element_type3A_122 = arith.extui %or3A : i1 to i32
          %cond3A_123 = arith.constant 0 : i32
          %cond3A_124 = arith.cmpi ne, %convert_element_type3A_122, %cond3A_123 : i32
          scf.if %cond3A_124 {
            %dma_wait3A_217 = arith.constant 0 : i32
            %dma_wait3A_218 = tpu.memref_slice %arg12[%add3A_117, %dma_wait3A_217] : memref<32x64xi32, #tpu.memory_space<vmem>> -> memref<1x64xi32, #tpu.memory_space<vmem>>
            %dma_wait3A_219 = tpu.memref_squeeze %dma_wait3A_218 : memref<1x64xi32, #tpu.memory_space<vmem>> -> memref<64xi32, #tpu.memory_space<vmem>>
            %dma_wait3A_220 = arith.constant 0 : i32
            %dma_wait3A_221 = arith.constant 0 : i32
            %dma_wait3A_222 = tpu.memref_slice %arg10[%dma_wait3A_220, %dma_wait3A_221] : memref<10240x128xf32, #tpu.memory_space<vmem_shared>> -> memref<10240x128xf32, #tpu.memory_space<vmem_shared>>
            tpu.wait_indirect_dma semaphore(%arg23 : memref<!tpu.dma_semaphore, #tpu.memory_space<semaphore_mem>>) src(%arg15 : memref<64x128xf32, #tpu.memory_space<vmem>>) dst(%dma_wait3A_222 : memref<10240x128xf32, #tpu.memory_space<vmem_shared>>)
          } else {
          }
          %eq3A_125 = arith.constant 0 : i32
          %eq3A_126 = arith.cmpi eq, %arg0, %eq3A_125 : i32
          %convert_element_type3A_127 = arith.extui %eq3A_126 : i1 to i32
          %cond3A_128 = arith.constant 0 : i32
          %cond3A_129 = arith.cmpi ne, %convert_element_type3A_127, %cond3A_128 : i32
          scf.if %cond3A_129 {
            %dma_start3A_217 = arith.constant 0 : i32
            %dma_start3A_218 = tpu.memref_slice %arg11[%add3A_117, %dma_start3A_217] : memref<32x64xi32, #tpu.memory_space<vmem>> -> memref<1x64xi32, #tpu.memory_space<vmem>>
            %dma_start3A_219 = tpu.memref_squeeze %dma_start3A_218 : memref<1x64xi32, #tpu.memory_space<vmem>> -> memref<64xi32, #tpu.memory_space<vmem>>
            %dma_start3A_220 = arith.constant 0 : i32
            %dma_start3A_221 = arith.constant 0 : i32
            %dma_start3A_222 = tpu.memref_slice %arg2[%dma_start3A_220, %dma_start3A_221] : memref<10240x128xf32, #tpu.memory_space<hbm>> -> memref<10240x128xf32, #tpu.memory_space<hbm>>
            tpu.enqueue_indirect_dma source(%dma_start3A_222 : memref<10240x128xf32, #tpu.memory_space<hbm>>) target(%arg15 : memref<64x128xf32, #tpu.memory_space<vmem>>) offsets(%dma_start3A_219 : memref<64xi32, #tpu.memory_space<vmem>>) semaphore(%arg19 : memref<!tpu.dma_semaphore, #tpu.memory_space<semaphore_mem>>)
          } else {
          }
          %eq3A_130 = arith.constant 1 : i32
          %eq3A_131 = arith.cmpi eq, %arg0, %eq3A_130 : i32
          %convert_element_type3A_132 = arith.extui %eq3A_131 : i1 to i32
          %cond3A_133 = arith.constant 0 : i32
          %cond3A_134 = arith.cmpi ne, %convert_element_type3A_132, %cond3A_133 : i32
          scf.if %cond3A_134 {
            %dma_start3A_217 = arith.constant 0 : i32
            %dma_start3A_218 = tpu.memref_slice %arg11[%add3A_117, %dma_start3A_217] : memref<32x64xi32, #tpu.memory_space<vmem>> -> memref<1x64xi32, #tpu.memory_space<vmem>>
            %dma_start3A_219 = tpu.memref_squeeze %dma_start3A_218 : memref<1x64xi32, #tpu.memory_space<vmem>> -> memref<64xi32, #tpu.memory_space<vmem>>
            %dma_start3A_220 = arith.constant 0 : i32
            %dma_start3A_221 = arith.constant 0 : i32
            %dma_start3A_222 = tpu.memref_slice %arg3[%dma_start3A_220, %dma_start3A_221] : memref<10240x128xf32, #tpu.memory_space<hbm>> -> memref<10240x128xf32, #tpu.memory_space<hbm>>
            tpu.enqueue_indirect_dma source(%dma_start3A_222 : memref<10240x128xf32, #tpu.memory_space<hbm>>) target(%arg15 : memref<64x128xf32, #tpu.memory_space<vmem>>) offsets(%dma_start3A_219 : memref<64xi32, #tpu.memory_space<vmem>>) semaphore(%arg19 : memref<!tpu.dma_semaphore, #tpu.memory_space<semaphore_mem>>)
          } else {
          }
          %mul3A_135 = arith.constant 4 : i32
          %mul3A_136 = arith.muli %scan3A_100, %mul3A_135 : i32
          %add3A_137 = arith.constant 1 : i32
          %add3A_138 = arith.addi %mul3A_136, %add3A_137 : i32
          %dma_wait3A_139 = arith.constant 0 : i32
          %dma_wait3A_140 = tpu.memref_slice %arg11[%add3A_138, %dma_wait3A_139] : memref<32x64xi32, #tpu.memory_space<vmem>> -> memref<1x64xi32, #tpu.memory_space<vmem>>
          %dma_wait3A_141 = tpu.memref_squeeze %dma_wait3A_140 : memref<1x64xi32, #tpu.memory_space<vmem>> -> memref<64xi32, #tpu.memory_space<vmem>>
          %dma_wait3A_142 = arith.constant 0 : i32
          %dma_wait3A_143 = arith.constant 0 : i32
          %dma_wait3A_144 = tpu.memref_slice %arg2[%dma_wait3A_142, %dma_wait3A_143] : memref<10240x128xf32, #tpu.memory_space<hbm>> -> memref<10240x128xf32, #tpu.memory_space<hbm>>
          tpu.wait_indirect_dma semaphore(%arg18 : memref<!tpu.dma_semaphore, #tpu.memory_space<semaphore_mem>>) src(%dma_wait3A_144 : memref<10240x128xf32, #tpu.memory_space<hbm>>) dst(%arg14 : memref<64x128xf32, #tpu.memory_space<vmem>>)
          %dma_start3A_145 = arith.constant 0 : i32
          %dma_start3A_146 = tpu.memref_slice %arg12[%add3A_138, %dma_start3A_145] : memref<32x64xi32, #tpu.memory_space<vmem>> -> memref<1x64xi32, #tpu.memory_space<vmem>>
          %dma_start3A_147 = tpu.memref_squeeze %dma_start3A_146 : memref<1x64xi32, #tpu.memory_space<vmem>> -> memref<64xi32, #tpu.memory_space<vmem>>
          %dma_start3A_148 = arith.constant 0 : i32
          %dma_start3A_149 = arith.constant 0 : i32
          %dma_start3A_150 = tpu.memref_slice %arg10[%dma_start3A_148, %dma_start3A_149] : memref<10240x128xf32, #tpu.memory_space<vmem_shared>> -> memref<10240x128xf32, #tpu.memory_space<vmem_shared>>
          tpu.enqueue_indirect_dma source(%arg14 : memref<64x128xf32, #tpu.memory_space<vmem>>) target(%dma_start3A_150 : memref<10240x128xf32, #tpu.memory_space<vmem_shared>>) offsets(%dma_start3A_147 : memref<64xi32, #tpu.memory_space<vmem>>) semaphore(%arg22 : memref<!tpu.dma_semaphore, #tpu.memory_space<semaphore_mem>>) {add = true}
          %add3A_151 = arith.constant 2 : i32
          %add3A_152 = arith.addi %add3A_138, %add3A_151 : i32
          %gt3A_153 = arith.constant 0 : i32
          %gt3A_154 = arith.cmpi sgt, %scan3A_59, %gt3A_153 : i32
          %gt3A_155 = arith.constant 0 : i32
          %gt3A_156 = arith.cmpi sgt, %scan3A_100, %gt3A_155 : i32
          %or3A_157 = arith.ori %gt3A_154, %gt3A_156 : i1
          %convert_element_type3A_158 = arith.extui %or3A_157 : i1 to i32
          %cond3A_159 = arith.constant 0 : i32
          %cond3A_160 = arith.cmpi ne, %convert_element_type3A_158, %cond3A_159 : i32
          scf.if %cond3A_160 {
            %dma_wait3A_217 = arith.constant 0 : i32
            %dma_wait3A_218 = tpu.memref_slice %arg12[%add3A_152, %dma_wait3A_217] : memref<32x64xi32, #tpu.memory_space<vmem>> -> memref<1x64xi32, #tpu.memory_space<vmem>>
            %dma_wait3A_219 = tpu.memref_squeeze %dma_wait3A_218 : memref<1x64xi32, #tpu.memory_space<vmem>> -> memref<64xi32, #tpu.memory_space<vmem>>
            %dma_wait3A_220 = arith.constant 0 : i32
            %dma_wait3A_221 = arith.constant 0 : i32
            %dma_wait3A_222 = tpu.memref_slice %arg10[%dma_wait3A_220, %dma_wait3A_221] : memref<10240x128xf32, #tpu.memory_space<vmem_shared>> -> memref<10240x128xf32, #tpu.memory_space<vmem_shared>>
            tpu.wait_indirect_dma semaphore(%arg24 : memref<!tpu.dma_semaphore, #tpu.memory_space<semaphore_mem>>) src(%arg16 : memref<64x128xf32, #tpu.memory_space<vmem>>) dst(%dma_wait3A_222 : memref<10240x128xf32, #tpu.memory_space<vmem_shared>>)
          } else {
          }
          %eq3A_161 = arith.constant 0 : i32
          %eq3A_162 = arith.cmpi eq, %arg0, %eq3A_161 : i32
          %convert_element_type3A_163 = arith.extui %eq3A_162 : i1 to i32
          %cond3A_164 = arith.constant 0 : i32
          %cond3A_165 = arith.cmpi ne, %convert_element_type3A_163, %cond3A_164 : i32
          scf.if %cond3A_165 {
            %dma_start3A_217 = arith.constant 0 : i32
            %dma_start3A_218 = tpu.memref_slice %arg11[%add3A_152, %dma_start3A_217] : memref<32x64xi32, #tpu.memory_space<vmem>> -> memref<1x64xi32, #tpu.memory_space<vmem>>
            %dma_start3A_219 = tpu.memref_squeeze %dma_start3A_218 : memref<1x64xi32, #tpu.memory_space<vmem>> -> memref<64xi32, #tpu.memory_space<vmem>>
            %dma_start3A_220 = arith.constant 0 : i32
            %dma_start3A_221 = arith.constant 0 : i32
            %dma_start3A_222 = tpu.memref_slice %arg2[%dma_start3A_220, %dma_start3A_221] : memref<10240x128xf32, #tpu.memory_space<hbm>> -> memref<10240x128xf32, #tpu.memory_space<hbm>>
            tpu.enqueue_indirect_dma source(%dma_start3A_222 : memref<10240x128xf32, #tpu.memory_space<hbm>>) target(%arg16 : memref<64x128xf32, #tpu.memory_space<vmem>>) offsets(%dma_start3A_219 : memref<64xi32, #tpu.memory_space<vmem>>) semaphore(%arg20 : memref<!tpu.dma_semaphore, #tpu.memory_space<semaphore_mem>>)
          } else {
          }
          %eq3A_166 = arith.constant 1 : i32
          %eq3A_167 = arith.cmpi eq, %arg0, %eq3A_166 : i32
          %convert_element_type3A_168 = arith.extui %eq3A_167 : i1 to i32
          %cond3A_169 = arith.constant 0 : i32
          %cond3A_170 = arith.cmpi ne, %convert_element_type3A_168, %cond3A_169 : i32
          scf.if %cond3A_170 {
            %dma_start3A_217 = arith.constant 0 : i32
            %dma_start3A_218 = tpu.memref_slice %arg11[%add3A_152, %dma_start3A_217] : memref<32x64xi32, #tpu.memory_space<vmem>> -> memref<1x64xi32, #tpu.memory_space<vmem>>
            %dma_start3A_219 = tpu.memref_squeeze %dma_start3A_218 : memref<1x64xi32, #tpu.memory_space<vmem>> -> memref<64xi32, #tpu.memory_space<vmem>>
            %dma_start3A_220 = arith.constant 0 : i32
            %dma_start3A_221 = arith.constant 0 : i32
            %dma_start3A_222 = tpu.memref_slice %arg3[%dma_start3A_220, %dma_start3A_221] : memref<10240x128xf32, #tpu.memory_space<hbm>> -> memref<10240x128xf32, #tpu.memory_space<hbm>>
            tpu.enqueue_indirect_dma source(%dma_start3A_222 : memref<10240x128xf32, #tpu.memory_space<hbm>>) target(%arg16 : memref<64x128xf32, #tpu.memory_space<vmem>>) offsets(%dma_start3A_219 : memref<64xi32, #tpu.memory_space<vmem>>) semaphore(%arg20 : memref<!tpu.dma_semaphore, #tpu.memory_space<semaphore_mem>>)
          } else {
          }
          %mul3A_171 = arith.constant 4 : i32
          %mul3A_172 = arith.muli %scan3A_100, %mul3A_171 : i32
          %add3A_173 = arith.constant 2 : i32
          %add3A_174 = arith.addi %mul3A_172, %add3A_173 : i32
          %dma_wait3A_175 = arith.constant 0 : i32
          %dma_wait3A_176 = tpu.memref_slice %arg11[%add3A_174, %dma_wait3A_175] : memref<32x64xi32, #tpu.memory_space<vmem>> -> memref<1x64xi32, #tpu.memory_space<vmem>>
          %dma_wait3A_177 = tpu.memref_squeeze %dma_wait3A_176 : memref<1x64xi32, #tpu.memory_space<vmem>> -> memref<64xi32, #tpu.memory_space<vmem>>
          %dma_wait3A_178 = arith.constant 0 : i32
          %dma_wait3A_179 = arith.constant 0 : i32
          %dma_wait3A_180 = tpu.memref_slice %arg2[%dma_wait3A_178, %dma_wait3A_179] : memref<10240x128xf32, #tpu.memory_space<hbm>> -> memref<10240x128xf32, #tpu.memory_space<hbm>>
          tpu.wait_indirect_dma semaphore(%arg19 : memref<!tpu.dma_semaphore, #tpu.memory_space<semaphore_mem>>) src(%dma_wait3A_180 : memref<10240x128xf32, #tpu.memory_space<hbm>>) dst(%arg15 : memref<64x128xf32, #tpu.memory_space<vmem>>)
          %dma_start3A_181 = arith.constant 0 : i32
          %dma_start3A_182 = tpu.memref_slice %arg12[%add3A_174, %dma_start3A_181] : memref<32x64xi32, #tpu.memory_space<vmem>> -> memref<1x64xi32, #tpu.memory_space<vmem>>
          %dma_start3A_183 = tpu.memref_squeeze %dma_start3A_182 : memref<1x64xi32, #tpu.memory_space<vmem>> -> memref<64xi32, #tpu.memory_space<vmem>>
          %dma_start3A_184 = arith.constant 0 : i32
          %dma_start3A_185 = arith.constant 0 : i32
          %dma_start3A_186 = tpu.memref_slice %arg10[%dma_start3A_184, %dma_start3A_185] : memref<10240x128xf32, #tpu.memory_space<vmem_shared>> -> memref<10240x128xf32, #tpu.memory_space<vmem_shared>>
          tpu.enqueue_indirect_dma source(%arg15 : memref<64x128xf32, #tpu.memory_space<vmem>>) target(%dma_start3A_186 : memref<10240x128xf32, #tpu.memory_space<vmem_shared>>) offsets(%dma_start3A_183 : memref<64xi32, #tpu.memory_space<vmem>>) semaphore(%arg23 : memref<!tpu.dma_semaphore, #tpu.memory_space<semaphore_mem>>) {add = true}
          %add3A_187 = arith.constant 2 : i32
          %add3A_188 = arith.addi %add3A_174, %add3A_187 : i32
          %lt3A_189 = arith.constant 7 : i32
          %lt3A_190 = arith.cmpi slt, %scan3A_100, %lt3A_189 : i32
          %convert_element_type3A_191 = arith.extui %lt3A_190 : i1 to i32
          %cond3A_192 = arith.constant 0 : i32
          %cond3A_193 = arith.cmpi ne, %convert_element_type3A_191, %cond3A_192 : i32
          scf.if %cond3A_193 {
            %dma_wait3A_217 = arith.constant 0 : i32
            %dma_wait3A_218 = tpu.memref_slice %arg12[%add3A_188, %dma_wait3A_217] : memref<32x64xi32, #tpu.memory_space<vmem>> -> memref<1x64xi32, #tpu.memory_space<vmem>>
            %dma_wait3A_219 = tpu.memref_squeeze %dma_wait3A_218 : memref<1x64xi32, #tpu.memory_space<vmem>> -> memref<64xi32, #tpu.memory_space<vmem>>
            %dma_wait3A_220 = arith.constant 0 : i32
            %dma_wait3A_221 = arith.constant 0 : i32
            %dma_wait3A_222 = tpu.memref_slice %arg10[%dma_wait3A_220, %dma_wait3A_221] : memref<10240x128xf32, #tpu.memory_space<vmem_shared>> -> memref<10240x128xf32, #tpu.memory_space<vmem_shared>>
            tpu.wait_indirect_dma semaphore(%arg21 : memref<!tpu.dma_semaphore, #tpu.memory_space<semaphore_mem>>) src(%arg13 : memref<64x128xf32, #tpu.memory_space<vmem>>) dst(%dma_wait3A_222 : memref<10240x128xf32, #tpu.memory_space<vmem_shared>>)
            %eq3A_223 = arith.constant 0 : i32
            %eq3A_224 = arith.cmpi eq, %arg0, %eq3A_223 : i32
            %convert_element_type3A_225 = arith.extui %eq3A_224 : i1 to i32
            %cond3A_226 = arith.constant 0 : i32
            %cond3A_227 = arith.cmpi ne, %convert_element_type3A_225, %cond3A_226 : i32
            scf.if %cond3A_227 {
              %dma_start3A_233 = arith.constant 0 : i32
              %dma_start3A_234 = tpu.memref_slice %arg11[%add3A_188, %dma_start3A_233] : memref<32x64xi32, #tpu.memory_space<vmem>> -> memref<1x64xi32, #tpu.memory_space<vmem>>
              %dma_start3A_235 = tpu.memref_squeeze %dma_start3A_234 : memref<1x64xi32, #tpu.memory_space<vmem>> -> memref<64xi32, #tpu.memory_space<vmem>>
              %dma_start3A_236 = arith.constant 0 : i32
              %dma_start3A_237 = arith.constant 0 : i32
              %dma_start3A_238 = tpu.memref_slice %arg2[%dma_start3A_236, %dma_start3A_237] : memref<10240x128xf32, #tpu.memory_space<hbm>> -> memref<10240x128xf32, #tpu.memory_space<hbm>>
              tpu.enqueue_indirect_dma source(%dma_start3A_238 : memref<10240x128xf32, #tpu.memory_space<hbm>>) target(%arg13 : memref<64x128xf32, #tpu.memory_space<vmem>>) offsets(%dma_start3A_235 : memref<64xi32, #tpu.memory_space<vmem>>) semaphore(%arg17 : memref<!tpu.dma_semaphore, #tpu.memory_space<semaphore_mem>>)
            } else {
            }
            %eq3A_228 = arith.constant 1 : i32
            %eq3A_229 = arith.cmpi eq, %arg0, %eq3A_228 : i32
            %convert_element_type3A_230 = arith.extui %eq3A_229 : i1 to i32
            %cond3A_231 = arith.constant 0 : i32
            %cond3A_232 = arith.cmpi ne, %convert_element_type3A_230, %cond3A_231 : i32
            scf.if %cond3A_232 {
              %dma_start3A_233 = arith.constant 0 : i32
              %dma_start3A_234 = tpu.memref_slice %arg11[%add3A_188, %dma_start3A_233] : memref<32x64xi32, #tpu.memory_space<vmem>> -> memref<1x64xi32, #tpu.memory_space<vmem>>
              %dma_start3A_235 = tpu.memref_squeeze %dma_start3A_234 : memref<1x64xi32, #tpu.memory_space<vmem>> -> memref<64xi32, #tpu.memory_space<vmem>>
              %dma_start3A_236 = arith.constant 0 : i32
              %dma_start3A_237 = arith.constant 0 : i32
              %dma_start3A_238 = tpu.memref_slice %arg3[%dma_start3A_236, %dma_start3A_237] : memref<10240x128xf32, #tpu.memory_space<hbm>> -> memref<10240x128xf32, #tpu.memory_space<hbm>>
              tpu.enqueue_indirect_dma source(%dma_start3A_238 : memref<10240x128xf32, #tpu.memory_space<hbm>>) target(%arg13 : memref<64x128xf32, #tpu.memory_space<vmem>>) offsets(%dma_start3A_235 : memref<64xi32, #tpu.memory_space<vmem>>) semaphore(%arg17 : memref<!tpu.dma_semaphore, #tpu.memory_space<semaphore_mem>>)
            } else {
            }
          } else {
          }
          %mul3A_194 = arith.constant 4 : i32
          %mul3A_195 = arith.muli %scan3A_100, %mul3A_194 : i32
          %add3A_196 = arith.constant 3 : i32
          %add3A_197 = arith.addi %mul3A_195, %add3A_196 : i32
          %dma_wait3A_198 = arith.constant 0 : i32
          %dma_wait3A_199 = tpu.memref_slice %arg11[%add3A_197, %dma_wait3A_198] : memref<32x64xi32, #tpu.memory_space<vmem>> -> memref<1x64xi32, #tpu.memory_space<vmem>>
          %dma_wait3A_200 = tpu.memref_squeeze %dma_wait3A_199 : memref<1x64xi32, #tpu.memory_space<vmem>> -> memref<64xi32, #tpu.memory_space<vmem>>
          %dma_wait3A_201 = arith.constant 0 : i32
          %dma_wait3A_202 = arith.constant 0 : i32
          %dma_wait3A_203 = tpu.memref_slice %arg2[%dma_wait3A_201, %dma_wait3A_202] : memref<10240x128xf32, #tpu.memory_space<hbm>> -> memref<10240x128xf32, #tpu.memory_space<hbm>>
          tpu.wait_indirect_dma semaphore(%arg20 : memref<!tpu.dma_semaphore, #tpu.memory_space<semaphore_mem>>) src(%dma_wait3A_203 : memref<10240x128xf32, #tpu.memory_space<hbm>>) dst(%arg16 : memref<64x128xf32, #tpu.memory_space<vmem>>)
          %dma_start3A_204 = arith.constant 0 : i32
          %dma_start3A_205 = tpu.memref_slice %arg12[%add3A_197, %dma_start3A_204] : memref<32x64xi32, #tpu.memory_space<vmem>> -> memref<1x64xi32, #tpu.memory_space<vmem>>
          %dma_start3A_206 = tpu.memref_squeeze %dma_start3A_205 : memref<1x64xi32, #tpu.memory_space<vmem>> -> memref<64xi32, #tpu.memory_space<vmem>>
          %dma_start3A_207 = arith.constant 0 : i32
          %dma_start3A_208 = arith.constant 0 : i32
          %dma_start3A_209 = tpu.memref_slice %arg10[%dma_start3A_207, %dma_start3A_208] : memref<10240x128xf32, #tpu.memory_space<vmem_shared>> -> memref<10240x128xf32, #tpu.memory_space<vmem_shared>>
          tpu.enqueue_indirect_dma source(%arg16 : memref<64x128xf32, #tpu.memory_space<vmem>>) target(%dma_start3A_209 : memref<10240x128xf32, #tpu.memory_space<vmem_shared>>) offsets(%dma_start3A_206 : memref<64xi32, #tpu.memory_space<vmem>>) semaphore(%arg24 : memref<!tpu.dma_semaphore, #tpu.memory_space<semaphore_mem>>) {add = true}
          %add3A_210 = arith.constant 2 : i32
          %add3A_211 = arith.addi %add3A_197, %add3A_210 : i32
          %lt3A_212 = arith.constant 7 : i32
          %lt3A_213 = arith.cmpi slt, %scan3A_100, %lt3A_212 : i32
          %convert_element_type3A_214 = arith.extui %lt3A_213 : i1 to i32
          %cond3A_215 = arith.constant 0 : i32
          %cond3A_216 = arith.cmpi ne, %convert_element_type3A_214, %cond3A_215 : i32
          scf.if %cond3A_216 {
            %dma_wait3A_217 = arith.constant 0 : i32
            %dma_wait3A_218 = tpu.memref_slice %arg12[%add3A_211, %dma_wait3A_217] : memref<32x64xi32, #tpu.memory_space<vmem>> -> memref<1x64xi32, #tpu.memory_space<vmem>>
            %dma_wait3A_219 = tpu.memref_squeeze %dma_wait3A_218 : memref<1x64xi32, #tpu.memory_space<vmem>> -> memref<64xi32, #tpu.memory_space<vmem>>
            %dma_wait3A_220 = arith.constant 0 : i32
            %dma_wait3A_221 = arith.constant 0 : i32
            %dma_wait3A_222 = tpu.memref_slice %arg10[%dma_wait3A_220, %dma_wait3A_221] : memref<10240x128xf32, #tpu.memory_space<vmem_shared>> -> memref<10240x128xf32, #tpu.memory_space<vmem_shared>>
            tpu.wait_indirect_dma semaphore(%arg22 : memref<!tpu.dma_semaphore, #tpu.memory_space<semaphore_mem>>) src(%arg14 : memref<64x128xf32, #tpu.memory_space<vmem>>) dst(%dma_wait3A_222 : memref<10240x128xf32, #tpu.memory_space<vmem_shared>>)
            %eq3A_223 = arith.constant 0 : i32
            %eq3A_224 = arith.cmpi eq, %arg0, %eq3A_223 : i32
            %convert_element_type3A_225 = arith.extui %eq3A_224 : i1 to i32
            %cond3A_226 = arith.constant 0 : i32
            %cond3A_227 = arith.cmpi ne, %convert_element_type3A_225, %cond3A_226 : i32
            scf.if %cond3A_227 {
              %dma_start3A_233 = arith.constant 0 : i32
              %dma_start3A_234 = tpu.memref_slice %arg11[%add3A_211, %dma_start3A_233] : memref<32x64xi32, #tpu.memory_space<vmem>> -> memref<1x64xi32, #tpu.memory_space<vmem>>
              %dma_start3A_235 = tpu.memref_squeeze %dma_start3A_234 : memref<1x64xi32, #tpu.memory_space<vmem>> -> memref<64xi32, #tpu.memory_space<vmem>>
              %dma_start3A_236 = arith.constant 0 : i32
              %dma_start3A_237 = arith.constant 0 : i32
              %dma_start3A_238 = tpu.memref_slice %arg2[%dma_start3A_236, %dma_start3A_237] : memref<10240x128xf32, #tpu.memory_space<hbm>> -> memref<10240x128xf32, #tpu.memory_space<hbm>>
              tpu.enqueue_indirect_dma source(%dma_start3A_238 : memref<10240x128xf32, #tpu.memory_space<hbm>>) target(%arg14 : memref<64x128xf32, #tpu.memory_space<vmem>>) offsets(%dma_start3A_235 : memref<64xi32, #tpu.memory_space<vmem>>) semaphore(%arg18 : memref<!tpu.dma_semaphore, #tpu.memory_space<semaphore_mem>>)
            } else {
            }
            %eq3A_228 = arith.constant 1 : i32
            %eq3A_229 = arith.cmpi eq, %arg0, %eq3A_228 : i32
            %convert_element_type3A_230 = arith.extui %eq3A_229 : i1 to i32
            %cond3A_231 = arith.constant 0 : i32
            %cond3A_232 = arith.cmpi ne, %convert_element_type3A_230, %cond3A_231 : i32
            scf.if %cond3A_232 {
              %dma_start3A_233 = arith.constant 0 : i32
              %dma_start3A_234 = tpu.memref_slice %arg11[%add3A_211, %dma_start3A_233] : memref<32x64xi32, #tpu.memory_space<vmem>> -> memref<1x64xi32, #tpu.memory_space<vmem>>
              %dma_start3A_235 = tpu.memref_squeeze %dma_start3A_234 : memref<1x64xi32, #tpu.memory_space<vmem>> -> memref<64xi32, #tpu.memory_space<vmem>>
              %dma_start3A_236 = arith.constant 0 : i32
              %dma_start3A_237 = arith.constant 0 : i32
              %dma_start3A_238 = tpu.memref_slice %arg3[%dma_start3A_236, %dma_start3A_237] : memref<10240x128xf32, #tpu.memory_space<hbm>> -> memref<10240x128xf32, #tpu.memory_space<hbm>>
              tpu.enqueue_indirect_dma source(%dma_start3A_238 : memref<10240x128xf32, #tpu.memory_space<hbm>>) target(%arg14 : memref<64x128xf32, #tpu.memory_space<vmem>>) offsets(%dma_start3A_235 : memref<64xi32, #tpu.memory_space<vmem>>) semaphore(%arg18 : memref<!tpu.dma_semaphore, #tpu.memory_space<semaphore_mem>>)
            } else {
            }
          } else {
          }
        }
        %scan3A_99 = arith.constant 8 : i32
      }
      %scan3A_31 = arith.constant 10 : i32
      %dma_wait3A = arith.constant 0 : i32
      %dma_wait3A_32 = arith.constant 0 : i32
      %dma_wait3A_33 = tpu.memref_slice %arg12[%dma_wait3A, %dma_wait3A_32] : memref<32x64xi32, #tpu.memory_space<vmem>> -> memref<1x64xi32, #tpu.memory_space<vmem>>
      %dma_wait3A_34 = tpu.memref_squeeze %dma_wait3A_33 : memref<1x64xi32, #tpu.memory_space<vmem>> -> memref<64xi32, #tpu.memory_space<vmem>>
      %dma_wait3A_35 = arith.constant 0 : i32
      %dma_wait3A_36 = arith.constant 0 : i32
      %dma_wait3A_37 = tpu.memref_slice %arg10[%dma_wait3A_35, %dma_wait3A_36] : memref<10240x128xf32, #tpu.memory_space<vmem_shared>> -> memref<10240x128xf32, #tpu.memory_space<vmem_shared>>
      tpu.wait_indirect_dma semaphore(%arg21 : memref<!tpu.dma_semaphore, #tpu.memory_space<semaphore_mem>>) src(%arg13 : memref<64x128xf32, #tpu.memory_space<vmem>>) dst(%dma_wait3A_37 : memref<10240x128xf32, #tpu.memory_space<vmem_shared>>)
      %dma_wait3A_38 = arith.constant 1 : i32
      %dma_wait3A_39 = arith.constant 0 : i32
      %dma_wait3A_40 = tpu.memref_slice %arg12[%dma_wait3A_38, %dma_wait3A_39] : memref<32x64xi32, #tpu.memory_space<vmem>> -> memref<1x64xi32, #tpu.memory_space<vmem>>
      %dma_wait3A_41 = tpu.memref_squeeze %dma_wait3A_40 : memref<1x64xi32, #tpu.memory_space<vmem>> -> memref<64xi32, #tpu.memory_space<vmem>>
      %dma_wait3A_42 = arith.constant 0 : i32
      %dma_wait3A_43 = arith.constant 0 : i32
      %dma_wait3A_44 = tpu.memref_slice %arg10[%dma_wait3A_42, %dma_wait3A_43] : memref<10240x128xf32, #tpu.memory_space<vmem_shared>> -> memref<10240x128xf32, #tpu.memory_space<vmem_shared>>
      tpu.wait_indirect_dma semaphore(%arg22 : memref<!tpu.dma_semaphore, #tpu.memory_space<semaphore_mem>>) src(%arg14 : memref<64x128xf32, #tpu.memory_space<vmem>>) dst(%dma_wait3A_44 : memref<10240x128xf32, #tpu.memory_space<vmem_shared>>)
      %dma_wait3A_45 = arith.constant 2 : i32
      %dma_wait3A_46 = arith.constant 0 : i32
      %dma_wait3A_47 = tpu.memref_slice %arg12[%dma_wait3A_45, %dma_wait3A_46] : memref<32x64xi32, #tpu.memory_space<vmem>> -> memref<1x64xi32, #tpu.memory_space<vmem>>
      %dma_wait3A_48 = tpu.memref_squeeze %dma_wait3A_47 : memref<1x64xi32, #tpu.memory_space<vmem>> -> memref<64xi32, #tpu.memory_space<vmem>>
      %dma_wait3A_49 = arith.constant 0 : i32
      %dma_wait3A_50 = arith.constant 0 : i32
      %dma_wait3A_51 = tpu.memref_slice %arg10[%dma_wait3A_49, %dma_wait3A_50] : memref<10240x128xf32, #tpu.memory_space<vmem_shared>> -> memref<10240x128xf32, #tpu.memory_space<vmem_shared>>
      tpu.wait_indirect_dma semaphore(%arg23 : memref<!tpu.dma_semaphore, #tpu.memory_space<semaphore_mem>>) src(%arg15 : memref<64x128xf32, #tpu.memory_space<vmem>>) dst(%dma_wait3A_51 : memref<10240x128xf32, #tpu.memory_space<vmem_shared>>)
      %dma_wait3A_52 = arith.constant 3 : i32
      %dma_wait3A_53 = arith.constant 0 : i32
      %dma_wait3A_54 = tpu.memref_slice %arg12[%dma_wait3A_52, %dma_wait3A_53] : memref<32x64xi32, #tpu.memory_space<vmem>> -> memref<1x64xi32, #tpu.memory_space<vmem>>
      %dma_wait3A_55 = tpu.memref_squeeze %dma_wait3A_54 : memref<1x64xi32, #tpu.memory_space<vmem>> -> memref<64xi32, #tpu.memory_space<vmem>>
      %dma_wait3A_56 = arith.constant 0 : i32
      %dma_wait3A_57 = arith.constant 0 : i32
      %dma_wait3A_58 = tpu.memref_slice %arg10[%dma_wait3A_56, %dma_wait3A_57] : memref<10240x128xf32, #tpu.memory_space<vmem_shared>> -> memref<10240x128xf32, #tpu.memory_space<vmem_shared>>
      tpu.wait_indirect_dma semaphore(%arg24 : memref<!tpu.dma_semaphore, #tpu.memory_space<semaphore_mem>>) src(%arg16 : memref<64x128xf32, #tpu.memory_space<vmem>>) dst(%dma_wait3A_58 : memref<10240x128xf32, #tpu.memory_space<vmem_shared>>)
    } else {
    }
    %barrier3A_16 = arith.constant 0 : index
    tpu.barrier barrier_id(%barrier3A_16)
    %eq3A_17 = arith.constant 0 : i32
    %eq3A_18 = arith.cmpi eq, %arg0, %eq3A_17 : i32
    %convert_element_type3A_19 = arith.extui %eq3A_18 : i1 to i32
    %cond3A_20 = arith.constant 0 : i32
    %cond3A_21 = arith.cmpi ne, %convert_element_type3A_19, %cond3A_20 : i32
    scf.if %cond3A_21 {
      %mul3A = arith.constant 640 : i32
      %mul3A_27 = arith.muli %arg1, %mul3A : i32
      %mul3A_28 = arith.constant 640 : i32
      %mul3A_29 = arith.muli %arg1, %mul3A_28 : i32
      "tpu.region"() ({
        %run_scoped3A = tpu.sem_alloc : memref<!tpu.dma_semaphore, #tpu.memory_space<semaphore_mem>>
        %dma_start3A = arith.constant 0 : i32
        %dma_start3A_30 = tpu.memref_slice %arg8[%mul3A_29, %dma_start3A] : memref<10240x128xf32, #tpu.memory_space<hbm>> -> memref<640x128xf32, #tpu.memory_space<hbm>>
        %dma_start3A_31 = arith.constant 0 : i32
        %dma_start3A_32 = tpu.memref_slice %arg10[%mul3A_27, %dma_start3A_31] : memref<10240x128xf32, #tpu.memory_space<vmem_shared>> -> memref<640x128xf32, #tpu.memory_space<vmem_shared>>
        tpu.enqueue_dma source(%dma_start3A_32 : memref<640x128xf32, #tpu.memory_space<vmem_shared>>) target(%dma_start3A_30 : memref<640x128xf32, #tpu.memory_space<hbm>>) target_semaphore(%run_scoped3A : memref<!tpu.dma_semaphore, #tpu.memory_space<semaphore_mem>>)
        %dma_wait3A = arith.constant 0 : i32
        %dma_wait3A_33 = tpu.memref_slice %arg8[%mul3A_29, %dma_wait3A] : memref<10240x128xf32, #tpu.memory_space<hbm>> -> memref<640x128xf32, #tpu.memory_space<hbm>>
        %dma_wait3A_34 = arith.constant 0 : i32
        %dma_wait3A_35 = tpu.memref_slice %arg10[%mul3A_27, %dma_wait3A_34] : memref<10240x128xf32, #tpu.memory_space<vmem_shared>> -> memref<640x128xf32, #tpu.memory_space<vmem_shared>>
        tpu.wait_dma2 semaphore(%run_scoped3A : memref<!tpu.dma_semaphore, #tpu.memory_space<semaphore_mem>>) src(%dma_wait3A_35 : memref<640x128xf32, #tpu.memory_space<vmem_shared>>) dst(%dma_wait3A_33 : memref<640x128xf32, #tpu.memory_space<hbm>>)
        tpu.yield
      }) : () -> ()
    } else {
    }
    %eq3A_22 = arith.constant 1 : i32
    %eq3A_23 = arith.cmpi eq, %arg0, %eq3A_22 : i32
    %convert_element_type3A_24 = arith.extui %eq3A_23 : i1 to i32
    %cond3A_25 = arith.constant 0 : i32
    %cond3A_26 = arith.cmpi ne, %convert_element_type3A_24, %cond3A_25 : i32
    scf.if %cond3A_26 {
      %mul3A = arith.constant 640 : i32
      %mul3A_27 = arith.muli %arg1, %mul3A : i32
      %mul3A_28 = arith.constant 640 : i32
      %mul3A_29 = arith.muli %arg1, %mul3A_28 : i32
      "tpu.region"() ({
        %run_scoped3A = tpu.sem_alloc : memref<!tpu.dma_semaphore, #tpu.memory_space<semaphore_mem>>
        %dma_start3A = arith.constant 0 : i32
        %dma_start3A_30 = tpu.memref_slice %arg9[%mul3A_29, %dma_start3A] : memref<10240x128xf32, #tpu.memory_space<hbm>> -> memref<640x128xf32, #tpu.memory_space<hbm>>
        %dma_start3A_31 = arith.constant 0 : i32
        %dma_start3A_32 = tpu.memref_slice %arg10[%mul3A_27, %dma_start3A_31] : memref<10240x128xf32, #tpu.memory_space<vmem_shared>> -> memref<640x128xf32, #tpu.memory_space<vmem_shared>>
        tpu.enqueue_dma source(%dma_start3A_32 : memref<640x128xf32, #tpu.memory_space<vmem_shared>>) target(%dma_start3A_30 : memref<640x128xf32, #tpu.memory_space<hbm>>) target_semaphore(%run_scoped3A : memref<!tpu.dma_semaphore, #tpu.memory_space<semaphore_mem>>)
        %dma_wait3A = arith.constant 0 : i32
        %dma_wait3A_33 = tpu.memref_slice %arg9[%mul3A_29, %dma_wait3A] : memref<10240x128xf32, #tpu.memory_space<hbm>> -> memref<640x128xf32, #tpu.memory_space<hbm>>
        %dma_wait3A_34 = arith.constant 0 : i32
        %dma_wait3A_35 = tpu.memref_slice %arg10[%mul3A_27, %dma_wait3A_34] : memref<10240x128xf32, #tpu.memory_space<vmem_shared>> -> memref<640x128xf32, #tpu.memory_space<vmem_shared>>
        tpu.wait_dma2 semaphore(%run_scoped3A : memref<!tpu.dma_semaphore, #tpu.memory_space<semaphore_mem>>) src(%dma_wait3A_35 : memref<640x128xf32, #tpu.memory_space<vmem_shared>>) dst(%dma_wait3A_33 : memref<640x128xf32, #tpu.memory_space<hbm>>)
        tpu.yield
      }) : () -> ()
    } else {
    }
    return
  }
}

module attributes {stable_mosaic.version = 14 : i64} {
  func.func @body(%arg0: i32, %arg1: memref<1024x128xf32, #tpu.memory_space<vmem>>, %arg2: memref<128x256xf32, #tpu.memory_space<vmem>>, %arg3: memref<1024x1xf32, #tpu.memory_space<vmem>>, %arg4: memref<1024x1xf32, #tpu.memory_space<vmem>>, %arg5: memref<1024x128xf32, #tpu.memory_space<vmem>>, %arg6: memref<1024x128xf32, #tpu.memory_space<vmem>>) attributes {dimension_semantics = [#tpu.dimension_semantics<arbitrary>], iteration_bounds = array<i64: 10>, scalar_prefetch = 0 : i64, scratch_operands = 0 : i64, tpu.core_type = #tpu.core_type<tc>, window_params = [{transform_indices = @transform_0, window_bounds = array<i64: 1024, 128>}, {pipeline_mode = #tpu.pipeline_mode<synchronous>, transform_indices = @transform_1, window_bounds = array<i64: 128, 256>}, {transform_indices = @transform_2, window_bounds = array<i64: 1024, 1>}, {transform_indices = @transform_3, window_bounds = array<i64: 1024, 1>}, {transform_indices = @transform_4, window_bounds = array<i64: 1024, 128>}, {transform_indices = @transform_5, window_bounds = array<i64: 1024, 128>}]} {
    %get3A = arith.constant 0 : index
    %get3A_0 = arith.constant 0 : index
    %get3A_1 = vector.load %arg3[%get3A, %get3A_0] : memref<1024x1xf32, #tpu.memory_space<vmem>>, vector<1024x1xf32>
    %get3A_2 = arith.constant 0 : index
    %get3A_3 = arith.constant 0 : index
    %get3A_4 = vector.load %arg4[%get3A_2, %get3A_3] : memref<1024x1xf32, #tpu.memory_space<vmem>>, vector<1024x1xf32>
    %add3A = arith.addf %get3A_1, %get3A_4 : vector<1024x1xf32>
    %sub3A = arith.constant 1.000000e+00 : f32
    %sub3A_5 = vector.broadcast %sub3A : f32 to vector<1024x1xf32>
    %sub3A_6 = arith.subf %add3A, %sub3A_5 : vector<1024x1xf32>
    %rsqrt3A = math.rsqrt %sub3A_6 : vector<1024x1xf32>
    %get3A_7 = arith.constant 0 : index
    %get3A_8 = arith.constant 0 : index
    %get3A_9 = vector.load %arg1[%get3A_7, %get3A_8] : memref<1024x128xf32, #tpu.memory_space<vmem>>, vector<1024x128xf32>
    %get3A_10 = arith.constant 0 : index
    %get3A_11 = arith.constant 0 : index
    %get3A_12 = vector.load %arg2[%get3A_10, %get3A_11] : memref<128x256xf32, #tpu.memory_space<vmem>>, vector<128x256xf32>
    %dot_general3A = arith.constant dense<0.000000e+00> : vector<1024x256xf32>
    %dot_general3A_13 = tpu.matmul %get3A_9, %get3A_12, %dot_general3A {dimension_numbers = #tpu.dot_dimension_numbers<[1], [0], [0], [1], [0, 0, 1, 1], [], []>, transpose_lhs_hint = false} : vector<1024x128xf32>, vector<128x256xf32>, vector<1024x256xf32> -> vector<1024x256xf32>
    %mul3A = vector.broadcast %rsqrt3A : vector<1024x1xf32> to vector<1024x256xf32>
    %mul3A_14 = arith.mulf %dot_general3A_13, %mul3A : vector<1024x256xf32>
    %slice3A = vector.extract_strided_slice %mul3A_14 {offsets = [0, 0], sizes = [1024, 128], strides = [1, 1]} : vector<1024x256xf32> to vector<1024x128xf32>
    %swap3A = arith.constant 0 : index
    %swap3A_15 = arith.constant 0 : index
    %swap3A_16 = vector.load %arg5[%swap3A, %swap3A_15] : memref<1024x128xf32, #tpu.memory_space<vmem>>, vector<1024x128xf32>
    tpu.vector_store %arg5[%swap3A, %swap3A_15], %slice3A {strides = array<i32>} : memref<1024x128xf32, #tpu.memory_space<vmem>>, vector<1024x128xf32>,
    %slice3A_17 = vector.extract_strided_slice %mul3A_14 {offsets = [0, 128], sizes = [1024, 128], strides = [1, 1]} : vector<1024x256xf32> to vector<1024x128xf32>
    %swap3A_18 = arith.constant 0 : index
    %swap3A_19 = arith.constant 0 : index
    %swap3A_20 = vector.load %arg6[%swap3A_18, %swap3A_19] : memref<1024x128xf32, #tpu.memory_space<vmem>>, vector<1024x128xf32>
    tpu.vector_store %arg6[%swap3A_18, %swap3A_19], %slice3A_17 {strides = array<i32>} : memref<1024x128xf32, #tpu.memory_space<vmem>>, vector<1024x128xf32>,
    return
  }
  func.func @transform_0(%arg0: i32) -> (i32, i32) {
    %c0_i32 = arith.constant 0 : i32
    %c0_i32_0 = arith.constant 0 : i32
    return %arg0, %c0_i32 : i32, i32
  }
  func.func @transform_1(%arg0: i32) -> (i32, i32) {
    %c0_i32 = arith.constant 0 : i32
    %c0_i32_0 = arith.constant 0 : i32
    %c0_i32_1 = arith.constant 0 : i32
    return %c0_i32, %c0_i32_0 : i32, i32
  }
  func.func @transform_2(%arg0: i32) -> (i32, i32) {
    %c0_i32 = arith.constant 0 : i32
    %c0_i32_0 = arith.constant 0 : i32
    return %arg0, %c0_i32 : i32, i32
  }
  func.func @transform_3(%arg0: i32) -> (i32, i32) {
    %c0_i32 = arith.constant 0 : i32
    %c0_i32_0 = arith.constant 0 : i32
    return %arg0, %c0_i32 : i32, i32
  }
  func.func @transform_4(%arg0: i32) -> (i32, i32) {
    %c0_i32 = arith.constant 0 : i32
    %c0_i32_0 = arith.constant 0 : i32
    return %arg0, %c0_i32 : i32, i32
  }
  func.func @transform_5(%arg0: i32) -> (i32, i32) {
    %c0_i32 = arith.constant 0 : i32
    %c0_i32_0 = arith.constant 0 : i32
    return %arg0, %c0_i32 : i32, i32
  }
}

module attributes {stable_mosaic.version = 14 : i64} {
  func.func @body(%arg0: i32, %arg1: memref<1024x128xf32, #tpu.memory_space<vmem>>, %arg2: memref<1024x128xf32, #tpu.memory_space<vmem>>, %arg3: memref<1024x1xf32, #tpu.memory_space<vmem>>, %arg4: memref<1024x1xf32, #tpu.memory_space<vmem>>, %arg5: memref<1x256xf32, #tpu.memory_space<vmem>>, %arg6: memref<256x128xf32, #tpu.memory_space<vmem>>, %arg7: memref<1024x128xf32, #tpu.memory_space<vmem>>) attributes {dimension_semantics = [#tpu.dimension_semantics<arbitrary>], iteration_bounds = array<i64: 10>, scalar_prefetch = 0 : i64, scratch_operands = 0 : i64, tpu.core_type = #tpu.core_type<tc>, window_params = [{transform_indices = @transform_0, window_bounds = array<i64: 1024, 128>}, {transform_indices = @transform_1, window_bounds = array<i64: 1024, 128>}, {transform_indices = @transform_2, window_bounds = array<i64: 1024, 1>}, {transform_indices = @transform_3, window_bounds = array<i64: 1024, 1>}, {pipeline_mode = #tpu.pipeline_mode<synchronous>, transform_indices = @transform_4, window_bounds = array<i64: 1, 256>}, {pipeline_mode = #tpu.pipeline_mode<synchronous>, transform_indices = @transform_5, window_bounds = array<i64: 256, 128>}, {transform_indices = @transform_6, window_bounds = array<i64: 1024, 128>}]} {
    %get3A = arith.constant 0 : index
    %get3A_0 = arith.constant 0 : index
    %get3A_1 = vector.load %arg3[%get3A, %get3A_0] : memref<1024x1xf32, #tpu.memory_space<vmem>>, vector<1024x1xf32>
    %get3A_2 = arith.constant 0 : index
    %get3A_3 = arith.constant 0 : index
    %get3A_4 = vector.load %arg4[%get3A_2, %get3A_3] : memref<1024x1xf32, #tpu.memory_space<vmem>>, vector<1024x1xf32>
    %add3A = arith.addf %get3A_1, %get3A_4 : vector<1024x1xf32>
    %sub3A = arith.constant 1.000000e+00 : f32
    %sub3A_5 = vector.broadcast %sub3A : f32 to vector<1024x1xf32>
    %sub3A_6 = arith.subf %add3A, %sub3A_5 : vector<1024x1xf32>
    %rsqrt3A = math.rsqrt %sub3A_6 : vector<1024x1xf32>
    %get3A_7 = arith.constant 0 : index
    %get3A_8 = arith.constant 0 : index
    %get3A_9 = vector.load %arg1[%get3A_7, %get3A_8] : memref<1024x128xf32, #tpu.memory_space<vmem>>, vector<1024x128xf32>
    %get3A_10 = arith.constant 0 : index
    %get3A_11 = arith.constant 0 : index
    %get3A_12 = vector.load %arg2[%get3A_10, %get3A_11] : memref<1024x128xf32, #tpu.memory_space<vmem>>, vector<1024x128xf32>
    %concatenate3A = tpu.concatenate %get3A_9, %get3A_12 in 1 : vector<1024x128xf32>, vector<1024x128xf32> -> vector<1024x256xf32>
    %mul3A = vector.broadcast %rsqrt3A : vector<1024x1xf32> to vector<1024x256xf32>
    %mul3A_13 = arith.mulf %concatenate3A, %mul3A : vector<1024x256xf32>
    %get3A_14 = arith.constant 0 : index
    %get3A_15 = arith.constant 0 : index
    %get3A_16 = vector.load %arg5[%get3A_14, %get3A_15] : memref<1x256xf32, #tpu.memory_space<vmem>>, vector<1x256xf32>
    %add3A_17 = vector.broadcast %get3A_16 : vector<1x256xf32> to vector<1024x256xf32>
    %add3A_18 = arith.addf %mul3A_13, %add3A_17 : vector<1024x256xf32>
    %max3A = arith.constant 0.000000e+00 : f32
    %max3A_19 = vector.broadcast %max3A : f32 to vector<1024x256xf32>
    %max3A_20 = arith.maximumf %add3A_18, %max3A_19 : vector<1024x256xf32>
    %get3A_21 = arith.constant 0 : index
    %get3A_22 = arith.constant 0 : index
    %get3A_23 = vector.load %arg6[%get3A_21, %get3A_22] : memref<256x128xf32, #tpu.memory_space<vmem>>, vector<256x128xf32>
    %dot_general3A = arith.constant dense<0.000000e+00> : vector<1024x128xf32>
    %dot_general3A_24 = tpu.matmul %max3A_20, %get3A_23, %dot_general3A {dimension_numbers = #tpu.dot_dimension_numbers<[1], [0], [0], [1], [0, 0, 1, 1], [], []>, transpose_lhs_hint = false} : vector<1024x256xf32>, vector<256x128xf32>, vector<1024x128xf32> -> vector<1024x128xf32>
    %mul3A_25 = vector.broadcast %rsqrt3A : vector<1024x1xf32> to vector<1024x128xf32>
    %mul3A_26 = arith.mulf %dot_general3A_24, %mul3A_25 : vector<1024x128xf32>
    %swap3A = arith.constant 0 : index
    %swap3A_27 = arith.constant 0 : index
    %swap3A_28 = vector.load %arg7[%swap3A, %swap3A_27] : memref<1024x128xf32, #tpu.memory_space<vmem>>, vector<1024x128xf32>
    tpu.vector_store %arg7[%swap3A, %swap3A_27], %mul3A_26 {strides = array<i32>} : memref<1024x128xf32, #tpu.memory_space<vmem>>, vector<1024x128xf32>,
    return
  }
  func.func @transform_0(%arg0: i32) -> (i32, i32) {
    %c0_i32 = arith.constant 0 : i32
    %c0_i32_0 = arith.constant 0 : i32
    return %arg0, %c0_i32 : i32, i32
  }
  func.func @transform_1(%arg0: i32) -> (i32, i32) {
    %c0_i32 = arith.constant 0 : i32
    %c0_i32_0 = arith.constant 0 : i32
    return %arg0, %c0_i32 : i32, i32
  }
  func.func @transform_2(%arg0: i32) -> (i32, i32) {
    %c0_i32 = arith.constant 0 : i32
    %c0_i32_0 = arith.constant 0 : i32
    return %arg0, %c0_i32 : i32, i32
  }
  func.func @transform_3(%arg0: i32) -> (i32, i32) {
    %c0_i32 = arith.constant 0 : i32
    %c0_i32_0 = arith.constant 0 : i32
    return %arg0, %c0_i32 : i32, i32
  }
  func.func @transform_4(%arg0: i32) -> (i32, i32) {
    %c0_i32 = arith.constant 0 : i32
    %c0_i32_0 = arith.constant 0 : i32
    %c0_i32_1 = arith.constant 0 : i32
    return %c0_i32, %c0_i32_0 : i32, i32
  }
  func.func @transform_5(%arg0: i32) -> (i32, i32) {
    %c0_i32 = arith.constant 0 : i32
    %c0_i32_0 = arith.constant 0 : i32
    %c0_i32_1 = arith.constant 0 : i32
    return %c0_i32, %c0_i32_0 : i32, i32
  }
  func.func @transform_6(%arg0: i32) -> (i32, i32) {
    %c0_i32 = arith.constant 0 : i32
    %c0_i32_0 = arith.constant 0 : i32
    return %arg0, %c0_i32 : i32, i32
  }
}

module attributes {stable_mosaic.version = 14 : i64} {
  func.func @body(%arg0: i32, %arg1: memref<1024x128xf32, #tpu.memory_space<vmem>>, %arg2: memref<1024x128xf32, #tpu.memory_space<vmem>>, %arg3: memref<1024x128xf32, #tpu.memory_space<vmem>>, %arg4: memref<1024x1xf32, #tpu.memory_space<vmem>>, %arg5: memref<1024x1xf32, #tpu.memory_space<vmem>>, %arg6: memref<1x128xf32, #tpu.memory_space<vmem>>, %arg7: memref<1024x128xf32, #tpu.memory_space<vmem>>) attributes {dimension_semantics = [#tpu.dimension_semantics<arbitrary>], iteration_bounds = array<i64: 10>, scalar_prefetch = 0 : i64, scratch_operands = 0 : i64, tpu.core_type = #tpu.core_type<tc>, window_params = [{transform_indices = @transform_0, window_bounds = array<i64: 1024, 128>}, {transform_indices = @transform_1, window_bounds = array<i64: 1024, 128>}, {transform_indices = @transform_2, window_bounds = array<i64: 1024, 128>}, {transform_indices = @transform_3, window_bounds = array<i64: 1024, 1>}, {transform_indices = @transform_4, window_bounds = array<i64: 1024, 1>}, {pipeline_mode = #tpu.pipeline_mode<synchronous>, transform_indices = @transform_5, window_bounds = array<i64: 1, 128>}, {transform_indices = @transform_6, window_bounds = array<i64: 1024, 128>}]} {
    %get3A = arith.constant 0 : index
    %get3A_0 = arith.constant 0 : index
    %get3A_1 = vector.load %arg4[%get3A, %get3A_0] : memref<1024x1xf32, #tpu.memory_space<vmem>>, vector<1024x1xf32>
    %get3A_2 = arith.constant 0 : index
    %get3A_3 = arith.constant 0 : index
    %get3A_4 = vector.load %arg5[%get3A_2, %get3A_3] : memref<1024x1xf32, #tpu.memory_space<vmem>>, vector<1024x1xf32>
    %add3A = arith.addf %get3A_1, %get3A_4 : vector<1024x1xf32>
    %sub3A = arith.constant 1.000000e+00 : f32
    %sub3A_5 = vector.broadcast %sub3A : f32 to vector<1024x1xf32>
    %sub3A_6 = arith.subf %add3A, %sub3A_5 : vector<1024x1xf32>
    %rsqrt3A = math.rsqrt %sub3A_6 : vector<1024x1xf32>
    %get3A_7 = arith.constant 0 : index
    %get3A_8 = arith.constant 0 : index
    %get3A_9 = vector.load %arg1[%get3A_7, %get3A_8] : memref<1024x128xf32, #tpu.memory_space<vmem>>, vector<1024x128xf32>
    %get3A_10 = arith.constant 0 : index
    %get3A_11 = arith.constant 0 : index
    %get3A_12 = vector.load %arg2[%get3A_10, %get3A_11] : memref<1024x128xf32, #tpu.memory_space<vmem>>, vector<1024x128xf32>
    %add3A_13 = arith.addf %get3A_9, %get3A_12 : vector<1024x128xf32>
    %get3A_14 = arith.constant 0 : index
    %get3A_15 = arith.constant 0 : index
    %get3A_16 = vector.load %arg3[%get3A_14, %get3A_15] : memref<1024x128xf32, #tpu.memory_space<vmem>>, vector<1024x128xf32>
    %sub3A_17 = arith.subf %add3A_13, %get3A_16 : vector<1024x128xf32>
    %mul3A = vector.broadcast %rsqrt3A : vector<1024x1xf32> to vector<1024x128xf32>
    %mul3A_18 = arith.mulf %sub3A_17, %mul3A : vector<1024x128xf32>
    %get3A_19 = arith.constant 0 : index
    %get3A_20 = arith.constant 0 : index
    %get3A_21 = vector.load %arg6[%get3A_19, %get3A_20] : memref<1x128xf32, #tpu.memory_space<vmem>>, vector<1x128xf32>
    %add3A_22 = vector.broadcast %get3A_21 : vector<1x128xf32> to vector<1024x128xf32>
    %add3A_23 = arith.addf %mul3A_18, %add3A_22 : vector<1024x128xf32>
    %max3A = arith.constant 0.000000e+00 : f32
    %max3A_24 = vector.broadcast %max3A : f32 to vector<1024x128xf32>
    %max3A_25 = arith.maximumf %add3A_23, %max3A_24 : vector<1024x128xf32>
    %swap3A = arith.constant 0 : index
    %swap3A_26 = arith.constant 0 : index
    %swap3A_27 = vector.load %arg7[%swap3A, %swap3A_26] : memref<1024x128xf32, #tpu.memory_space<vmem>>, vector<1024x128xf32>
    tpu.vector_store %arg7[%swap3A, %swap3A_26], %max3A_25 {strides = array<i32>} : memref<1024x128xf32, #tpu.memory_space<vmem>>, vector<1024x128xf32>,
    return
  }
  func.func @transform_0(%arg0: i32) -> (i32, i32) {
    %c0_i32 = arith.constant 0 : i32
    %c0_i32_0 = arith.constant 0 : i32
    return %arg0, %c0_i32 : i32, i32
  }
  func.func @transform_1(%arg0: i32) -> (i32, i32) {
    %c0_i32 = arith.constant 0 : i32
    %c0_i32_0 = arith.constant 0 : i32
    return %arg0, %c0_i32 : i32, i32
  }
  func.func @transform_2(%arg0: i32) -> (i32, i32) {
    %c0_i32 = arith.constant 0 : i32
    %c0_i32_0 = arith.constant 0 : i32
    return %arg0, %c0_i32 : i32, i32
  }
  func.func @transform_3(%arg0: i32) -> (i32, i32) {
    %c0_i32 = arith.constant 0 : i32
    %c0_i32_0 = arith.constant 0 : i32
    return %arg0, %c0_i32 : i32, i32
  }
  func.func @transform_4(%arg0: i32) -> (i32, i32) {
    %c0_i32 = arith.constant 0 : i32
    %c0_i32_0 = arith.constant 0 : i32
    return %arg0, %c0_i32 : i32, i32
  }
  func.func @transform_5(%arg0: i32) -> (i32, i32) {
    %c0_i32 = arith.constant 0 : i32
    %c0_i32_0 = arith.constant 0 : i32
    %c0_i32_1 = arith.constant 0 : i32
    return %c0_i32, %c0_i32_0 : i32, i32
  }
  func.func @transform_6(%arg0: i32) -> (i32, i32) {
    %c0_i32 = arith.constant 0 : i32
    %c0_i32_0 = arith.constant 0 : i32
    return %arg0, %c0_i32 : i32, i32
  }
}

</mosaic_0001>

<sc_bundles>
// kernel: kernel.11.cloned.1.call-start
scs
__scs_entry_jumppad:
0x0: {  	(pc) =	sbr.rel $0x88, $3  }
0x1: {  	(tag) =	ssettag $0x0;
	lr =	simm.s32 $0x1  }
0x2: {  	[smem:$0x3F9B] =	sst lr;
	_ =	strace $0xD0000000  }
0x3: {  	_ = 	snop  }
0x4: {  	_ = 	snop  }
0x5: {  	_ = 	snop  }
0x6: {  	_ = 	snop  }
0x7: {  	_ = 	snop  }
__scs_overlays_trampoline_lowered:
0x8: {  	[smem:$0x3FAA] =	sst s0  }
0x9: {  	[smem:$0x3FAB] =	sst s1  }
0xa: {  	[smem:$0x3FAC] =	sst s2  }
0xb: {  	[smem:$0x3FAD] =	sst s3  }
0xc: {  	[smem:$0x3FAE] =	sst s4  }
0xd: {  	[smem:$0x3FAF] =	sst s5  }
0xe: {  	[smem:$0x3FB0] =	sst s6  }
0xf: {  	[smem:$0x3FB1] =	sst s7  }
0x10: {  	[smem:$0x3FB2] =	sst s8  }
0x11: {  	[smem:$0x3FB3] =	sst s9;
	s0 =	simm.s32 @!p0 $0x0  }
0x12: {  	s1 =	sld [smem:$0x3F99];
	s0 =	simm.s32 @p0 $0x1  }
0x13: {  	[smem:$0x3FB4] =	sst s0;
	s0 =	simm.s32 @!p1 $0x0  }
0x14: {  	s2 =	sld [smem:$0x3F98];
	s0 =	simm.s32 @p1 $0x1  }
0x15: {  	[smem:$0x3FB5] =	sst s0;
	s0 =	simm.s32 @!p2 $0x0  }
0x16: {  	s3 =	sld [smem:$0x3FDB];
	s0 =	simm.s32 @p2 $0x1  }
0x17: {  	s4 =	simm.s32 $0x1BF5;
	[smem:$0x3FB7] =	sst s0  }
0x18: {  	s0 =	sld [smem:$0x3F9A];
	_ =	swait.ge [sflag:s4], $0x0  }
0x19: {  	s7 =	sld [smem:$0x3F9B]  }
0x1a: {  	s8 =	sadd.s32 $0xFFFFE003, lr  }
0x1b: {  	s9 =	sadd.s32 $0xFFFFFEF7, lr;
	s5 =	simm.s32 $0xFFFFFFFF;
	p2 =	slt.u32 s8, $0xFFFFF086  }
0x1c: {  	p1 =	slt.u32 s9, $0xF7A;
	s5 =	simm.s32 @!p2 $0x0  }
0x1d: {  	s5 =	simm.s32 @p1 $0x1;
	p0 =	seq.s32 s7, s2  }
0x1e: {  	s7 =	smul.u32 @!p0 $0xF7A, s2;
	p2 =	seq.s32 @!p0 s5, $0x0  }
0x1f: {  	s9 =	smul.u32 $0xF7A, s1;
	s8 =	simm.s32 @!p0 $0x1BF5;
	p2 =	por !p2, p0  }
0x20: {  	[sflag:s8] =	ssyncset.s32 @!p0 $0xFFFFF086;
	s6 =	sadd.s32 @!p0 s3, s7;
	s7 =	simm.s32 @!p0 $0x108  }
0x21: {  	s3 =	sadd.s32 s3, s9;
	s6 =	sadd.s32 @!p0 $0x88, s6;
	s7 =	simm.s32 @p2 $0x1082  }
0x22: {  	[simem:s7], [sflag:s8] =	dma.local @!p0 [hbm:s6], $0xF7A  }
0x23: {  	s9 =	sor.u32 $0xD0000000, s2;
	s6 =	simm.s32 $0x108;
	_ =	swait.ge @!p0 [sflag:s8], $0x0  }
0x24: {  	s3 =	sadd.s32 $0x88, s3;
	s6 =	simm.s32 @!p1 $0x1082;
	[sflag:s4] =	ssyncset.s32 $0xFFFFF086  }
0x25: {  	[simem:s6], [sflag:s4] =	dma.local [hbm:s3], $0xF7A  }
0x26: {  	[smem:$0x3F9B] =	sst s1;
	(tag) =	ssettag s2;
	_ =	strace s9  }
0x27: {  	s1 =	sld [smem:$0x3FAB]  }
0x28: {  	s2 =	sld [smem:$0x3FAC]  }
0x29: {  	s4 =	sld [smem:$0x3FAE]  }
0x2a: {  	p0 =	seq.s32 s5, $0x0;
	s5 =	sld [smem:$0x3FAF]  }
0x2b: {  	s6 =	sld [smem:$0x3FB0]  }
0x2c: {  	s7 =	sld [smem:$0x3FB1]  }
0x2d: {  	s3 =	simm.s32 $0x108;
	s8 =	sld [smem:$0x3FB2]  }
0x2e: {  	s3 =	simm.s32 @!p0 $0x1082;
	s9 =	sld [smem:$0x3FB3]  }
0x2f: {  	lr =	sadd.s32 s0, s3;
	s0 =	sld [smem:$0x3FAA]  }
0x30: {  	s3 =	sld [smem:$0x3FAD]  }
0x31: {  	[smem:$0x3FB6] =	sst s10  }
0x32: {  	s10 =	sld [smem:$0x3FB4];
	_ =	sdelay $0x3  }
0x33: {  	p0 =	seq.s32 s10, $0x1;
	s10 =	sld [smem:$0x3FB6];
	_ =	sdelay $0x3  }
0x34: {  	[smem:$0x3FB6] =	sst s10  }
0x35: {  	s10 =	sld [smem:$0x3FB5];
	_ =	sdelay $0x3  }
0x36: {  	p1 =	seq.s32 s10, $0x1;
	s10 =	sld [smem:$0x3FB6];
	_ =	sdelay $0x3  }
0x37: {  	[smem:$0x3FB6] =	sst s10  }
0x38: {  	s10 =	sld [smem:$0x3FB7]  }
0x39: {  	_ = 	snop;
	(pc) =	sbr.ind lr, $3  }
0x3a: {  	_ = 	snop  }
0x3b: {  	_ = 	snop  }
0x3c: {  	p2 =	seq.s32 s10, $0x1;
	s10 =	sld [smem:$0x3FB6]  }
0x3d: {  	_ =	shalt  }
0x3e: {  	_ =	shalt  }
0x3f: {  	_ =	shalt  }
0x40: {  	_ =	shalt  }
0x41: {  	_ =	shalt  }
0x42: {  	_ =	shalt  }
0x43: {  	_ =	shalt  }
0x44: {  	_ =	shalt  }
0x45: {  	_ =	shalt  }
0x46: {  	_ =	shalt  }
0x47: {  	_ =	shalt  }
0x48: {  	_ =	shalt  }
0x49: {  	_ =	shalt  }
0x4a: {  	_ =	shalt  }
0x4b: {  	_ =	shalt  }
0x4c: {  	_ =	shalt  }
0x4d: {  	_ =	shalt  }
0x4e: {  	_ =	shalt  }
0x4f: {  	_ =	shalt  }
0x50: {  	_ =	shalt  }
0x51: {  	_ =	shalt  }
0x52: {  	_ =	shalt  }
0x53: {  	_ =	shalt  }
0x54: {  	_ =	shalt  }
0x55: {  	_ =	shalt  }
0x56: {  	_ =	shalt  }
0x57: {  	_ =	shalt  }
0x58: {  	_ =	shalt  }
0x59: {  	_ =	shalt  }
0x5a: {  	_ =	shalt  }
0x5b: {  	_ =	shalt  }
0x5c: {  	_ =	shalt  }
0x5d: {  	_ =	shalt  }
0x5e: {  	_ =	shalt  }
0x5f: {  	_ =	shalt  }
0x60: {  	_ =	shalt  }
0x61: {  	_ =	shalt  }
0x62: {  	_ =	shalt  }
0x63: {  	_ =	shalt  }
0x64: {  	_ =	shalt  }
0x65: {  	_ =	shalt  }
0x66: {  	_ =	shalt  }
0x67: {  	_ =	shalt  }
0x68: {  	_ =	shalt  }
0x69: {  	_ =	shalt  }
0x6a: {  	_ =	shalt  }
0x6b: {  	_ =	shalt  }
0x6c: {  	_ =	shalt  }
0x6d: {  	_ =	shalt  }
0x6e: {  	_ =	shalt  }
0x6f: {  	_ =	shalt  }
0x70: {  	_ =	shalt  }
0x71: {  	_ =	shalt  }
0x72: {  	_ =	shalt  }
0x73: {  	_ =	shalt  }
0x74: {  	_ =	shalt  }
0x75: {  	_ =	shalt  }
0x76: {  	_ =	shalt  }
0x77: {  	_ =	shalt  }
0x78: {  	_ =	shalt  }
0x79: {  	_ =	shalt  }
0x7a: {  	_ =	shalt  }
0x7b: {  	_ =	shalt  }
0x7c: {  	_ =	shalt  }
0x7d: {  	_ =	shalt  }
0x7e: {  	_ =	shalt  }
0x7f: {  	_ =	shalt  }
0x80: {  	_ =	shalt  }
0x81: {  	_ =	shalt  }
0x82: {  	_ =	shalt  }
0x83: {  	_ =	shalt  }
0x84: {  	_ =	shalt  }
0x85: {  	_ =	shalt  }
0x86: {  	_ =	shalt  }
0x87: {  	_ =	shalt  }
.Lfunc_end0:
.L_simem_size_0:
called_computation.1_lowered:
.L_overlay_start_0:
0x88: {  	s2 =	sld [smem:$0x3FD9]  }
0x89: {  	s3 =	sld [smem:$0x3FFE];
	_ =	sdelay $0x1  }
0x8a: {  	s1 =	srdreg.scid  }
0x8b: {  	s0 =	sand.u32 $0x1, s1  }
0x8c: {  	s17 =	sshll.u32 s0, $0xA;
	s2 =	sadd.s32 s3, s2  }
0x8d: {  	s2 =	sadd.s32 s2, s17  }
0x8e: {  	[smem:$0x3FC2] =	sst s2  }
0x8f: {  	_ = 	snop  }
0x90: {  	s2 =	sld [smem:$0x3FD0];
	(tm) =	ssettm $0x1  }
0x91: {  	s18 =	sld [smem:$0x3FFB];
	_ =	sdelay $0x3  }
0x92: {  	_ =	strace s18  }
0x93: {  	s3 =	sld [smem:$0x3FFC];
	_ =	sdelay $0x3  }
0x94: {  	_ =	strace s3  }
0x95: {  	s3 =	sld [smem:$0x3FFD];
	_ =	sdelay $0x3  }
0x96: {  	_ =	strace s3  }
0x97: {  	_ =	strace $0x8FFFFFFF  }
0x98: {  	s19 =	sld [smem:$0x3FDB];
	_ =	sdelay $0x1  }
0x99: {  	s4 =	simm.s32 $_scs_section_size  }
0x9a: {  	s5 =	simm.s32 $_size__tile_overlayer_lowered;
	s6 =	simm.s32 $_tile_overlayer_lowered  }
0x9b: {  	s22 =	simm.s32 $0x1BFF;
	s21 =	sshll.u32 s6, $0x1;
	s3 =	sadd.s32 s4, s19  }
0x9c: {  	s7 =	simm.s32 $0x0;
	s20 =	sshll.u32 s5, $0x1;
	s5 =	sadd.s32 s21, s3  }
0x9d: {  	[timem:s7], [sflag:s22] =	dma.local [hbm:s5], s20  }
0x9e: {  	_ =	swait.ge [sflag:s22], s20  }
0x9f: {  	s4 =	ssub.s32 $0x0, s20;
	[sflag:s22] =	ssyncset.done $0x0  }
0xa0: {  	[sflag:s22] =	ssyncadd.s32 s4;
	_ =	sdelay $0x1  }
0xa1: {  	s23 =	simm.s32 $0x1B8B  }
0xa2: {  	_ =	swait.ge [sflag:s23], $0x1  }
0xa3: {  	[sflag:s23] =	ssyncset.done $0x0  }
0xa4: {  	s25 =	simm.s32 $0x1B8E;
	s24 =	sld [smem:$0x3FFE];
	[sflag:s23] =	ssyncadd.s32 $0xFFFFFFFF  }
0xa5: {  	s26 =	simm.s32 $execute0_lowered;
	[smem:$0x3FD2] =	sst s25  }
0xa6: {  	s5 =	sshll.u32 s26, $0x1;
	_ =	strace $0x80000049;
	[dreg:$0x1] =	wrdreg $0xFFFFFFFF  }
0xa7: {  	s28 =	simm.s32 $_size_execute0_lowered;
	s3 =	sadd.s32 s3, s5;
	[dreg:$0x0] =	wrdreg $0x0  }
0xa8: {  	s5 =	sshll.u32 s28, $0x1;
	[dreg:$0x2] =	wrdreg s3  }
0xa9: {  	[dreg:$0x3] =	wrdreg s5  }
0xaa: {  	[dreg:$0x4] =	wrdreg $0xC0  }
0xab: {  	_ =	task [dreg:s7], $0x5FFFF  }
0xac: {  	[dreg:$0x1] =	wrdreg $0xFFFFFFFF  }
0xad: {  	[dreg:$0x0] =	wrdreg $0x60  }
0xae: {  	[dreg:$0x2] =	wrdreg s24  }
0xaf: {  	[dreg:$0x3] =	wrdreg s2  }
0xb0: {  	[dreg:$0x4] =	wrdreg $0x0  }
0xb1: {  	[dreg:$0x5] =	wrdreg $0x9  }
0xb2: {  	_ =	task.clear_ibuf [dreg:s7], $0x6FFFF;
	_ =	strace $0x90000049  }
0xb3: {  	s29 =	simm.s32 $0x9;
	_ =	strace $0x8000004B  }
0xb4: {  	_ =	swait.ge [sflag:s29], $0x1  }
0xb5: {  	[sflag:s29] =	ssyncadd.s32 $0xFFFFFFFF  }
0xb6: {  	_ =	strace $0x9000004B  }
0xb7: {  	_ =	sfence  }
0xb8: {  	s30 =	sld [smem:$0x0];
	_ =	sdelay $0x2  }
0xb9: {  	s31 =	sshll.u32 s1, $0xD;
	s1 =	sshrl.u32 s1, $0x2  }
0xba: {  	s3 =	sand.u32 $0x4000, s31;
	s1 =	sadd.s32 s1, s30  }
0xbb: {  	s0 =	sor.u32 s3, s0;
	s1 =	sshll.u32 s1, $0x11  }
0xbc: {  	s0 =	sor.u32 s1, s0  }
0xbd: {  	s0 =	sadd.s32 $0x8F2B, s0  }
0xbe: {  	[sflag:s0] =	ssyncadd.remote.s32 $0x1  }
0xbf: {  	_ =	sfence.sel $0xFFFF  }
0xc0: {  	[dreg:$0x0] =	wrdreg $0xFFFFFFFF;
	(pc) =	sbr.abs _section_cstart, $3  }
0xc1: {  	[dreg:$0x1] =	wrdreg $0xFFFFFFFF  }
0xc2: {  	_ =	task.clear_ibuf [dreg:s7], $0x2FFFF;
	_ =	strace $0x9FFFFFFF  }
0xc3: {  	(tm) =	ssettm $0x7FFFFFFF  }
tec
execute0_lowered:
.L_overlay_start_1:
0x0: {  	(tag) =	ssettag $0x1  }
0x1: {  	s0 =	rddreg [dreg:$0x0]  }
0x2: {  	s1 =	rddreg [dreg:$0x1]  }
0x3: {  	s2 =	rddreg [dreg:$0x2];
	s3 =	simm.s32 $0x0;
	s7 =	srdreg.scid  }
0x4: {  	s15 =	stileid.u32;
	s16 =	simm.s32 $0x14000;
	s17 =	simm.s32 $0x15000  }
0x5: {  	s18 =	simm.s32 $0x40;
	s19 =	simm.s32 $0x14080;
	s20 =	simm.s32 $0x18000  }
0x6: {  	s21 =	simm.s32 $0x1;
	s22 =	simm.s32 $0x16000;
	s28 =	simm.s32 $0x4  }
0x7: {  	s29 =	simm.s32 $0x15F80;
	s30 =	simm.s32 $0x5;
	s31 =	simm.s32 $0x6  }
0x8: {  	[smem:$0x7FF] =	sst s3;
	s4 =	sadd.s32 $0x42200, s0;
	s5 =	sadd.s32 $0x6A200, s0  }
0x9: {  	s6 =	sadd.s32 $0x4000, s0;
	s9 =	sand.u32 $0x1, s7;
	s7 =	sadd.s32 $0x18E00, s0  }
0xa: {  	s8 =	sadd.s32 $0x17A00, s0;
	s12 =	smul.u32 $0x50000, s15;
	s13 =	sadd.s32 $0x92200, s0  }
0xb: {  	s0 =	sadd.s32 $0xBA200, s0;
	s24 =	smul.u32 $0x2800, s15;
	s25 =	sshll.u32 s15, $0x6  }
0xc: {  	_ =	strace $0x8000004A;
	s10 =	ssub.s32 $0x2, s9;
	p0 =	seq.s32 s9, $0x0  }
0xd: {  	s9 =	smul.u32 $0xA000, s15;
	s11 =	sshrl.u32 s10, $0x1;
	s23 =	sshrl.u32 s12, $0x2  }
0xe: {  	s5 =	smov.u32 @p0 s4;
	s0 =	smov.u32 @p0 s13;
	s4 =	sor.u32 $0x1C09, s25  }
0xf: {  	p0 =	seq.s32 s15, $0xF;
	s15 =	simm.s32 $0x9;
	s25 =	simm.s32 $0x1C000  }
.Ltmp0:
0x10: {  	s10 =	ssub.s32 s10, s11;
	s26 =	sadd.s32 s5, s24;
	(pc) =	sbr.rel .LBB2_1-.Ltmp0, $4  }
0x11: {  	s14 =	sadd.s32 s23, s2;
	s0 =	sadd.s32 s0, s24;
	[dreg:$0x5] =	wrdreg s26  }
0x12: {  	s23 =	simm.s32 $0x1A000;
	s10 =	smax.u32 s10, $0x1;
	[dreg:$0x6] =	wrdreg s0  }
0x13: {  	s24 =	simm.s32 $0x2;
	s11 =	sshrl.u32 s14, $0x3;
	[dreg:$0x4] =	wrdreg s10  }
0x14: {  	s26 =	simm.s32 $0x3;
	s10 =	simm.s32 $0x0;
	[dreg:$0x7] =	wrdreg s11  }
.LBB2_10:
0x15: {  	_ =	swait.ge [sflag:s30], $0x2000  }
0x16: {  	[sflag:s30] =	ssyncset.done $0x0  }
0x17: {  	[sflag:s30] =	ssyncadd.s32 $0xFFFFE000  }
0x18: {  	_ =	swait.ge [sflag:s31], $0x2000  }
0x19: {  	[sflag:s31] =	ssyncset.done $0x0  }
0x1a: {  	s0 =	simm.s32 $0x7;
	[sflag:s31] =	ssyncadd.s32 $0xFFFFE000  }
0x1b: {  	_ =	swait.ge [sflag:s0], $0x2000  }
0x1c: {  	[sflag:s0] =	ssyncset.done $0x0  }
0x1d: {  	s12 =	simm.s32 $0x8;
	[sflag:s0] =	ssyncadd.s32 $0xFFFFE000  }
0x1e: {  	_ =	swait.ge [sflag:s12], $0x2000  }
0x1f: {  	[sflag:s12] =	ssyncset.done $0x0  }
0x20: {  	[sflag:s12] =	ssyncadd.s32 $0xFFFFE000  }
0x21: {  	[bflag:$0x0] =	sbarrier.arrive $0xFFFF  }
0x22: {  	s13 =	rddreg [dreg:$0x6]  }
0x23: {  	s11 =	rddreg [dreg:$0x7]  }
0x24: {  	[hbm:s13], [sflag:s14] =	dma.local [spmem:s11], $0x2800  }
0x25: {  	_ =	swait.ge [sflag:s15], $0x2800  }
0x26: {  	s4 =	smov.u32 s14;
	s10 =	sadd.s32 $0x1, s10;
	s14 =	rddreg [dreg:$0x4]  }
0x27: {  	p1 =	sne.s32 s10, s14  }
.Ltmp1:
0x28: {  	_ = 	snop;
	(pc) =	sbr.rel @!p1 .LBB2_11-.Ltmp1, $3  }
0x29: {  	_ =	sdelay $0x1  }
0x2a: {  	[sflag:s15] =	ssyncset.done $0x0  }
0x2b: {  	[sflag:s15] =	ssyncadd.s32 $0xFFFFD800  }
.LBB2_1:
0x2c: {  	s0 =	rddreg [dreg:$0x5]  }
0x2d: {  	[spmem:s11], [sflag:s4] =	dma.local [hbm:s0], $0x2800  }
.Ltmp2:
0x2e: {  	_ =	swait.ge [sflag:s15], $0x2800;
	(pc) =	sbr.rel @p0 .LBB2_6-.Ltmp2, $4  }
.Ltmp3:
0x2f: {  	[sflag:s15] =	ssyncset.done $0x0;
	(pc) =	sbr.rel @!p0 .LBB2_2-.Ltmp3, $4  }
0x30: {  	[sflag:s15] =	ssyncadd.s32 $0xFFFFD800  }
0x31: {  	[bflag:$0x0] =	sbarrier.arrive $0xFFFF  }
0x32: {  	s14 =	smov.u32 s4;
	s13 =	simm.s32 $0x0;
	s11 =	simm.s32 $0x0  }
0x33: {  	_ = 	snop  }
.LBB2_9:
0x34: {  	s13 =	sadd.s32 $0x1, s13  }
0x35: {  	p1 =	sne.s32 s13, $0xA  }
.Ltmp4:
0x36: {  	_ = 	snop;
	(pc) =	sbr.rel @!p1 .LBB2_10-.Ltmp4, $4  }
0x37: {  	_ =	swait.ge [sflag:s28], $0x2000  }
0x38: {  	[sflag:s28] =	ssyncset.done $0x0  }
0x39: {  	[sflag:s28] =	ssyncadd.s32 $0xFFFFE000  }
0x3a: {  	[spmem:s2] =	stream.indirect.scatter.add.f32 [tilespmem:s25], [sflag:$0x8], $0x80, s29, s18, $0xb8;
	[tilespmem:$0x1E000] =	vst v63  }
.LBB2_6:
0x3b: {  	s0 =	sshll.u32 s13, $0x9  }
0x3c: {  	s4 =	sadd.s32 s7, s0  }
0x3d: {  	[tilespmem:s16], [sflag:$0x9] =	stream.linear.gather [hbm4b:s4+s3], $0x1000, $0x38;
	[tilespmem:$0x1E000] =	vst v63  }
0x3e: {  	_ =	swait.ge [sflag:s15], $0x1000  }
0x3f: {  	[sflag:s15] =	ssyncset.done $0x0  }
0x40: {  	s0 =	sadd.s32 s8, s0;
	[sflag:s15] =	ssyncadd.s32 $0xFFFFF000  }
0x41: {  	[tilespmem:s17], [sflag:$0x9] =	stream.linear.gather [hbm4b:s0+s3], $0x1000, $0x38;
	[tilespmem:$0x1E000] =	vst v63  }
0x42: {  	p1 =	seq.s32 s13, $0x0;
	_ =	swait.ge [sflag:s15], $0x1000  }
0x43: {  	s11 =	simm.s32 @p1 $0x16000;
	[sflag:s15] =	ssyncset.done $0x0  }
0x44: {  	s4 =	simm.s32 @p1 $0x14000;
	s0 =	simm.s32 @p1 $0x40;
	[sflag:s15] =	ssyncadd.s32 $0xFFFFF000  }
0x45: {  	[tilespmem:s11], [sflag:$0x1] =	stream.indirect.gather @p1 [hbm4b:s5+s0], $0x80, s4, s0, $0xb8;
	[tilespmem:$0x1E000] =	vst v63  }
0x46: {  	s0 =	simm.s32 @!p1 $0x5  }
0x47: {  	_ =	swait.ge @!p1 [sflag:s0], $0x2000  }
0x48: {  	s4 =	simm.s32 @!p1 $0x14000;
	[sflag:s0] =	ssyncset.done @!p1 $0x0  }
0x49: {  	s11 =	simm.s32 @!p1 $0x16000;
	[sflag:s0] =	ssyncadd.s32 @!p1 $0xFFFFE000;
	s0 =	simm.s32 @!p1 $0x40  }
0x4a: {  	[tilespmem:s11], [sflag:$0x1] =	stream.indirect.gather @!p1 [hbm4b:s5+s0], $0x80, s4, s0, $0xb8;
	[tilespmem:$0x1E000] =	vst v63  }
0x4b: {  	s0 =	simm.s32 @!p1 $0x6  }
0x4c: {  	_ =	swait.ge @!p1 [sflag:s0], $0x2000  }
0x4d: {  	[sflag:s0] =	ssyncset.done @!p1 $0x0  }
0x4e: {  	s11 =	simm.s32 $0x0;
	[sflag:s0] =	ssyncadd.s32 @!p1 $0xFFFFE000;
	s0 =	simm.s32 $0x0  }
0x4f: {  	[tilespmem:s20], [sflag:$0x2] =	stream.indirect.gather [hbm4b:s5+s18], $0x80, s19, s18, $0xb8;
	[tilespmem:$0x1E000] =	vst v63  }
.LBB2_7:
0x50: {  	_ =	swait.ge [sflag:s21], $0x2000  }
0x51: {  	s4 =	sshra.s32 s11, $0x2;
	[sflag:s21] =	ssyncset.done $0x0  }
0x52: {  	s12 =	sadd.s32 $0x15000, s4;
	[sflag:s21] =	ssyncadd.s32 $0xFFFFE000  }
0x53: {  	[spmem:s2] =	stream.indirect.scatter.add.f32 [tilespmem:s22], [sflag:$0x5], $0x80, s12, s18, $0xb8;
	[tilespmem:$0x1E000] =	vst v63  }
0x54: {  	s12 =	sor.u32 s13, s0  }
0x55: {  	p1 =	seq.s32 s12, $0x0  }
0x56: {  	s12 =	simm.s32 @!p1 $0x7  }
0x57: {  	_ =	swait.ge @!p1 [sflag:s12], $0x2000  }
0x58: {  	[sflag:s12] =	ssyncset.done @!p1 $0x0  }
0x59: {  	[sflag:s12] =	ssyncadd.s32 @!p1 $0xFFFFE000;
	s12 =	sadd.s32 $0x14100, s4  }
0x5a: {  	[tilespmem:s23], [sflag:$0x3] =	stream.indirect.gather [hbm4b:s5+s18], $0x80, s12, s18, $0xb8;
	[tilespmem:$0x1E000] =	vst v63  }
0x5b: {  	_ =	swait.ge [sflag:s24], $0x2000  }
0x5c: {  	[sflag:s24] =	ssyncset.done $0x0  }
0x5d: {  	s12 =	sadd.s32 $0x15080, s4;
	[sflag:s24] =	ssyncadd.s32 $0xFFFFE000  }
0x5e: {  	[spmem:s2] =	stream.indirect.scatter.add.f32 [tilespmem:s20], [sflag:$0x6], $0x80, s12, s18, $0xb8;
	[tilespmem:$0x1E000] =	vst v63  }
0x5f: {  	s12 =	simm.s32 @!p1 $0x8  }
0x60: {  	_ =	swait.ge @!p1 [sflag:s12], $0x2000  }
0x61: {  	[sflag:s12] =	ssyncset.done @!p1 $0x0  }
0x62: {  	[sflag:s12] =	ssyncadd.s32 @!p1 $0xFFFFE000;
	s12 =	sadd.s32 $0x14180, s4;
	p1 =	seq.s32 s11, $0x3800  }
0x63: {  	[tilespmem:s25], [sflag:$0x4] =	stream.indirect.gather [hbm4b:s5+s18], $0x80, s12, s18, $0xb8;
	[tilespmem:$0x1E000] =	vst v63  }
.Ltmp5:
0x64: {  	_ = 	snop;
	(pc) =	sbr.rel @p1 .LBB2_9-.Ltmp5, $4  }
0x65: {  	_ =	swait.ge [sflag:s26], $0x2000  }
0x66: {  	[sflag:s26] =	ssyncset.done $0x0  }
0x67: {  	s12 =	sadd.s32 $0x15100, s4;
	[sflag:s26] =	ssyncadd.s32 $0xFFFFE000  }
0x68: {  	[spmem:s2] =	stream.indirect.scatter.add.f32 [tilespmem:s23], [sflag:$0x7], $0x80, s12, s18, $0xb8;
	[tilespmem:$0x1E000] =	vst v63  }
0x69: {  	_ =	swait.ge [sflag:s30], $0x2000  }
0x6a: {  	[sflag:s30] =	ssyncset.done $0x0  }
0x6b: {  	s12 =	sadd.s32 $0x14200, s4;
	[sflag:s30] =	ssyncadd.s32 $0xFFFFE000  }
0x6c: {  	[tilespmem:s22], [sflag:$0x1] =	stream.indirect.gather [hbm4b:s5+s18], $0x80, s12, s18, $0xb8;
	[tilespmem:$0x1E000] =	vst v63  }
0x6d: {  	_ =	swait.ge [sflag:s28], $0x2000  }
0x6e: {  	[sflag:s28] =	ssyncset.done $0x0  }
0x6f: {  	s12 =	sadd.s32 $0x15180, s4;
	[sflag:s28] =	ssyncadd.s32 $0xFFFFE000  }
0x70: {  	[spmem:s2] =	stream.indirect.scatter.add.f32 [tilespmem:s25], [sflag:$0x8], $0x80, s12, s18, $0xb8;
	[tilespmem:$0x1E000] =	vst v63  }
.Ltmp6:
0x71: {  	_ = 	snop;
	(pc) =	sbr.rel .LBB2_7-.Ltmp6, $4  }
0x72: {  	_ =	swait.ge [sflag:s31], $0x2000  }
0x73: {  	s0 =	sadd.s32 $0x1, s0;
	[sflag:s31] =	ssyncset.done $0x0  }
0x74: {  	s11 =	sadd.s32 $0x800, s11;
	s12 =	sadd.s32 $0x14280, s4;
	[sflag:s31] =	ssyncadd.s32 $0xFFFFE000  }
0x75: {  	[tilespmem:s20], [sflag:$0x2] =	stream.indirect.gather [hbm4b:s5+s18], $0x80, s12, s18, $0xb8;
	[tilespmem:$0x1E000] =	vst v63  }
.LBB2_5:
0x76: {  	s11 =	sadd.s32 $0x1, s11  }
0x77: {  	p1 =	seq.s32 s11, $0xA  }
.Ltmp7:
0x78: {  	_ = 	snop;
	(pc) =	sbr.rel @p1 .LBB2_10-.Ltmp7, $4  }
0x79: {  	_ =	swait.ge [sflag:s28], $0x2000  }
0x7a: {  	[sflag:s28] =	ssyncset.done $0x0  }
0x7b: {  	[sflag:s28] =	ssyncadd.s32 $0xFFFFE000  }
0x7c: {  	[spmem:s2] =	stream.indirect.scatter.add.f32 [tilespmem:s25], [sflag:$0x8], $0x80, s29, s18, $0xb8;
	[tilespmem:$0x1E000] =	vst v63  }
.LBB2_2:
0x7d: {  	s0 =	sshll.u32 s11, $0xC  }
0x7e: {  	s0 =	sadd.s32 s9, s0  }
0x7f: {  	s0 =	sshrl.u32 s0, $0x3  }
0x80: {  	s4 =	sadd.s32 s6, s0  }
0x81: {  	[tilespmem:s16], [sflag:$0x9] =	stream.linear.gather [hbm4b:s4+s3], $0x1000, $0x38;
	[tilespmem:$0x1E000] =	vst v63  }
0x82: {  	_ =	swait.ge [sflag:s15], $0x1000  }
0x83: {  	[sflag:s15] =	ssyncset.done $0x0  }
0x84: {  	s0 =	sadd.s32 s1, s0;
	[sflag:s15] =	ssyncadd.s32 $0xFFFFF000  }
0x85: {  	[tilespmem:s17], [sflag:$0x9] =	stream.linear.gather [hbm4b:s0+s3], $0x1000, $0x38;
	[tilespmem:$0x1E000] =	vst v63  }
0x86: {  	p1 =	seq.s32 s11, $0x0;
	_ =	swait.ge [sflag:s15], $0x1000  }
0x87: {  	s13 =	simm.s32 @p1 $0x16000;
	[sflag:s15] =	ssyncset.done $0x0  }
0x88: {  	s4 =	simm.s32 @p1 $0x14000;
	s0 =	simm.s32 @p1 $0x40;
	[sflag:s15] =	ssyncadd.s32 $0xFFFFF000  }
0x89: {  	[tilespmem:s13], [sflag:$0x1] =	stream.indirect.gather @p1 [hbm4b:s5+s0], $0x80, s4, s0, $0xb8;
	[tilespmem:$0x1E000] =	vst v63  }
0x8a: {  	s0 =	simm.s32 @!p1 $0x5  }
0x8b: {  	_ =	swait.ge @!p1 [sflag:s0], $0x2000  }
0x8c: {  	s4 =	simm.s32 @!p1 $0x14000;
	[sflag:s0] =	ssyncset.done @!p1 $0x0  }
0x8d: {  	s13 =	simm.s32 @!p1 $0x16000;
	[sflag:s0] =	ssyncadd.s32 @!p1 $0xFFFFE000;
	s0 =	simm.s32 @!p1 $0x40  }
0x8e: {  	[tilespmem:s13], [sflag:$0x1] =	stream.indirect.gather @!p1 [hbm4b:s5+s0], $0x80, s4, s0, $0xb8;
	[tilespmem:$0x1E000] =	vst v63  }
0x8f: {  	s0 =	simm.s32 @!p1 $0x6  }
0x90: {  	_ =	swait.ge @!p1 [sflag:s0], $0x2000  }
0x91: {  	[sflag:s0] =	ssyncset.done @!p1 $0x0  }
0x92: {  	s13 =	simm.s32 $0x0;
	[sflag:s0] =	ssyncadd.s32 @!p1 $0xFFFFE000;
	s0 =	simm.s32 $0x0  }
0x93: {  	[tilespmem:s20], [sflag:$0x2] =	stream.indirect.gather [hbm4b:s5+s18], $0x80, s19, s18, $0xb8;
	[tilespmem:$0x1E000] =	vst v63  }
.LBB2_3:
0x94: {  	_ =	swait.ge [sflag:s21], $0x2000  }
0x95: {  	s4 =	sshra.s32 s13, $0x2;
	[sflag:s21] =	ssyncset.done $0x0  }
0x96: {  	s12 =	sadd.s32 $0x15000, s4;
	[sflag:s21] =	ssyncadd.s32 $0xFFFFE000  }
0x97: {  	[spmem:s2] =	stream.indirect.scatter.add.f32 [tilespmem:s22], [sflag:$0x5], $0x80, s12, s18, $0xb8;
	[tilespmem:$0x1E000] =	vst v63  }
0x98: {  	s12 =	sor.u32 s11, s0  }
0x99: {  	p1 =	seq.s32 s12, $0x0  }
0x9a: {  	s12 =	simm.s32 @!p1 $0x7  }
0x9b: {  	_ =	swait.ge @!p1 [sflag:s12], $0x2000  }
0x9c: {  	[sflag:s12] =	ssyncset.done @!p1 $0x0  }
0x9d: {  	[sflag:s12] =	ssyncadd.s32 @!p1 $0xFFFFE000;
	s12 =	sadd.s32 $0x14100, s4  }
0x9e: {  	[tilespmem:s23], [sflag:$0x3] =	stream.indirect.gather [hbm4b:s5+s18], $0x80, s12, s18, $0xb8;
	[tilespmem:$0x1E000] =	vst v63  }
0x9f: {  	_ =	swait.ge [sflag:s24], $0x2000  }
0xa0: {  	[sflag:s24] =	ssyncset.done $0x0  }
0xa1: {  	s12 =	sadd.s32 $0x15080, s4;
	[sflag:s24] =	ssyncadd.s32 $0xFFFFE000  }
0xa2: {  	[spmem:s2] =	stream.indirect.scatter.add.f32 [tilespmem:s20], [sflag:$0x6], $0x80, s12, s18, $0xb8;
	[tilespmem:$0x1E000] =	vst v63  }
0xa3: {  	s12 =	simm.s32 @!p1 $0x8  }
0xa4: {  	_ =	swait.ge @!p1 [sflag:s12], $0x2000  }
0xa5: {  	[sflag:s12] =	ssyncset.done @!p1 $0x0  }
0xa6: {  	[sflag:s12] =	ssyncadd.s32 @!p1 $0xFFFFE000;
	s12 =	sadd.s32 $0x14180, s4;
	p1 =	seq.s32 s13, $0x3800  }
0xa7: {  	[tilespmem:s25], [sflag:$0x4] =	stream.indirect.gather [hbm4b:s5+s18], $0x80, s12, s18, $0xb8;
	[tilespmem:$0x1E000] =	vst v63  }
.Ltmp8:
0xa8: {  	_ = 	snop;
	(pc) =	sbr.rel @p1 .LBB2_5-.Ltmp8, $4  }
0xa9: {  	_ =	swait.ge [sflag:s26], $0x2000  }
0xaa: {  	[sflag:s26] =	ssyncset.done $0x0  }
0xab: {  	s12 =	sadd.s32 $0x15100, s4;
	[sflag:s26] =	ssyncadd.s32 $0xFFFFE000  }
0xac: {  	[spmem:s2] =	stream.indirect.scatter.add.f32 [tilespmem:s23], [sflag:$0x7], $0x80, s12, s18, $0xb8;
	[tilespmem:$0x1E000] =	vst v63  }
0xad: {  	_ =	swait.ge [sflag:s30], $0x2000  }
0xae: {  	[sflag:s30] =	ssyncset.done $0x0  }
0xaf: {  	s12 =	sadd.s32 $0x14200, s4;
	[sflag:s30] =	ssyncadd.s32 $0xFFFFE000  }
0xb0: {  	[tilespmem:s22], [sflag:$0x1] =	stream.indirect.gather [hbm4b:s5+s18], $0x80, s12, s18, $0xb8;
	[tilespmem:$0x1E000] =	vst v63  }
0xb1: {  	_ =	swait.ge [sflag:s28], $0x2000  }
0xb2: {  	[sflag:s28] =	ssyncset.done $0x0  }
0xb3: {  	s12 =	sadd.s32 $0x15180, s4;
	[sflag:s28] =	ssyncadd.s32 $0xFFFFE000  }
0xb4: {  	[spmem:s2] =	stream.indirect.scatter.add.f32 [tilespmem:s25], [sflag:$0x8], $0x80, s12, s18, $0xb8;
	[tilespmem:$0x1E000] =	vst v63  }
.Ltmp9:
0xb5: {  	_ = 	snop;
	(pc) =	sbr.rel .LBB2_3-.Ltmp9, $4  }
0xb6: {  	_ =	swait.ge [sflag:s31], $0x2000  }
0xb7: {  	s0 =	sadd.s32 $0x1, s0;
	[sflag:s31] =	ssyncset.done $0x0  }
0xb8: {  	s13 =	sadd.s32 $0x800, s13;
	s12 =	sadd.s32 $0x14280, s4;
	[sflag:s31] =	ssyncadd.s32 $0xFFFFE000  }
0xb9: {  	[tilespmem:s20], [sflag:$0x2] =	stream.indirect.gather [hbm4b:s5+s18], $0x80, s12, s18, $0xb8;
	[tilespmem:$0x1E000] =	vst v63  }
.LBB2_11:
0xba: {  	_ =	sfence.sel $0x180000  }
0xbb: {  	[bflag:$0x0] =	sbarrier.arrive $0xFFFF  }
0xbc: {  	_ =	strace $0x9000004A  }
0xbd: {  	s0 =	stileid.u32;
	[bflag:$0x2] =	sbarrier.arrive $0xFFFF  }
0xbe: {  	p0 =	sne.s32 s0, $0x0;
	s0 =	rddreg [dreg:$0x3]  }
0xbf: {  	s0 =	sadd.s32 @!p0 $0x100000, s0  }
0xc0: {  	[sflag:s0] =	ssyncadd.tile.s32 @!p0 $0x1;
	_ =	shalt  }
.Lfunc_end2:
_tile_overlayer_lowered:
.L_overlay_start_2:
0xc1: {  	(tag) =	ssettag $0x2  }
0xc2: {  	s0 =	rddreg [dreg:$0x0];
	s2 =	stileid.u32  }
0xc3: {  	s1 =	rddreg [dreg:$0x1];
	p0 =	sne.s32 s2, $0x0  }
0xc4: {  	s3 =	rddreg [dreg:$0x2];
	[bflag:$0x3] =	sbarrier.arrive $0xFFFF;
	s2 =	simm.s32 @!p0 $0x1C09  }
0xc5: {  	[timem:s3], [sflag:s2] =	dma.local @!p0 [hbm:s0], s1  }
0xc6: {  	s0 =	simm.s32 @!p0 $0x9  }
0xc7: {  	_ =	swait.ge @!p0 [sflag:s0], s1  }
0xc8: {  	s1 =	ssub.s32 @!p0 $0x0, s1;
	[sflag:s0] =	ssyncset.done @!p0 $0x0  }
0xc9: {  	[sflag:s0] =	ssyncadd.s32 @!p0 s1  }
0xca: {  	[bflag:$0x3] =	sbarrier.arrive $0xFFFF  }
0xcb: {  	_ =	shalt  }

// kernel: kernel.14.cloned.1.call-start
scs
__scs_entry_jumppad:
0x0: {  	(pc) =	sbr.rel $0x88, $3  }
0x1: {  	(tag) =	ssettag $0x0;
	lr =	simm.s32 $0x1  }
0x2: {  	[smem:$0x3F9B] =	sst lr;
	_ =	strace $0xD0000000  }
0x3: {  	_ = 	snop  }
0x4: {  	_ = 	snop  }
0x5: {  	_ = 	snop  }
0x6: {  	_ = 	snop  }
0x7: {  	_ = 	snop  }
__scs_overlays_trampoline_lowered:
0x8: {  	[smem:$0x3FAA] =	sst s0  }
0x9: {  	[smem:$0x3FAB] =	sst s1  }
0xa: {  	[smem:$0x3FAC] =	sst s2  }
0xb: {  	[smem:$0x3FAD] =	sst s3  }
0xc: {  	[smem:$0x3FAE] =	sst s4  }
0xd: {  	[smem:$0x3FAF] =	sst s5  }
0xe: {  	[smem:$0x3FB0] =	sst s6  }
0xf: {  	[smem:$0x3FB1] =	sst s7  }
0x10: {  	[smem:$0x3FB2] =	sst s8  }
0x11: {  	[smem:$0x3FB3] =	sst s9;
	s0 =	simm.s32 @!p0 $0x0  }
0x12: {  	s1 =	sld [smem:$0x3F99];
	s0 =	simm.s32 @p0 $0x1  }
0x13: {  	[smem:$0x3FB4] =	sst s0;
	s0 =	simm.s32 @!p1 $0x0  }
0x14: {  	s2 =	sld [smem:$0x3F98];
	s0 =	simm.s32 @p1 $0x1  }
0x15: {  	[smem:$0x3FB5] =	sst s0;
	s0 =	simm.s32 @!p2 $0x0  }
0x16: {  	s3 =	sld [smem:$0x3FDB];
	s0 =	simm.s32 @p2 $0x1  }
0x17: {  	s4 =	simm.s32 $0x1BF5;
	[smem:$0x3FB7] =	sst s0  }
0x18: {  	s0 =	sld [smem:$0x3F9A];
	_ =	swait.ge [sflag:s4], $0x0  }
0x19: {  	s7 =	sld [smem:$0x3F9B]  }
0x1a: {  	s8 =	sadd.s32 $0xFFFFE003, lr  }
0x1b: {  	s9 =	sadd.s32 $0xFFFFFEF7, lr;
	s5 =	simm.s32 $0xFFFFFFFF;
	p2 =	slt.u32 s8, $0xFFFFF086  }
0x1c: {  	p1 =	slt.u32 s9, $0xF7A;
	s5 =	simm.s32 @!p2 $0x0  }
0x1d: {  	s5 =	simm.s32 @p1 $0x1;
	p0 =	seq.s32 s7, s2  }
0x1e: {  	s7 =	smul.u32 @!p0 $0xF7A, s2;
	p2 =	seq.s32 @!p0 s5, $0x0  }
0x1f: {  	s9 =	smul.u32 $0xF7A, s1;
	s8 =	simm.s32 @!p0 $0x1BF5;
	p2 =	por !p2, p0  }
0x20: {  	[sflag:s8] =	ssyncset.s32 @!p0 $0xFFFFF086;
	s6 =	sadd.s32 @!p0 s3, s7;
	s7 =	simm.s32 @!p0 $0x108  }
0x21: {  	s3 =	sadd.s32 s3, s9;
	s6 =	sadd.s32 @!p0 $0x88, s6;
	s7 =	simm.s32 @p2 $0x1082  }
0x22: {  	[simem:s7], [sflag:s8] =	dma.local @!p0 [hbm:s6], $0xF7A  }
0x23: {  	s9 =	sor.u32 $0xD0000000, s2;
	s6 =	simm.s32 $0x108;
	_ =	swait.ge @!p0 [sflag:s8], $0x0  }
0x24: {  	s3 =	sadd.s32 $0x88, s3;
	s6 =	simm.s32 @!p1 $0x1082;
	[sflag:s4] =	ssyncset.s32 $0xFFFFF086  }
0x25: {  	[simem:s6], [sflag:s4] =	dma.local [hbm:s3], $0xF7A  }
0x26: {  	[smem:$0x3F9B] =	sst s1;
	(tag) =	ssettag s2;
	_ =	strace s9  }
0x27: {  	s1 =	sld [smem:$0x3FAB]  }
0x28: {  	s2 =	sld [smem:$0x3FAC]  }
0x29: {  	s4 =	sld [smem:$0x3FAE]  }
0x2a: {  	p0 =	seq.s32 s5, $0x0;
	s5 =	sld [smem:$0x3FAF]  }
0x2b: {  	s6 =	sld [smem:$0x3FB0]  }
0x2c: {  	s7 =	sld [smem:$0x3FB1]  }
0x2d: {  	s3 =	simm.s32 $0x108;
	s8 =	sld [smem:$0x3FB2]  }
0x2e: {  	s3 =	simm.s32 @!p0 $0x1082;
	s9 =	sld [smem:$0x3FB3]  }
0x2f: {  	lr =	sadd.s32 s0, s3;
	s0 =	sld [smem:$0x3FAA]  }
0x30: {  	s3 =	sld [smem:$0x3FAD]  }
0x31: {  	[smem:$0x3FB6] =	sst s10  }
0x32: {  	s10 =	sld [smem:$0x3FB4];
	_ =	sdelay $0x3  }
0x33: {  	p0 =	seq.s32 s10, $0x1;
	s10 =	sld [smem:$0x3FB6];
	_ =	sdelay $0x3  }
0x34: {  	[smem:$0x3FB6] =	sst s10  }
0x35: {  	s10 =	sld [smem:$0x3FB5];
	_ =	sdelay $0x3  }
0x36: {  	p1 =	seq.s32 s10, $0x1;
	s10 =	sld [smem:$0x3FB6];
	_ =	sdelay $0x3  }
0x37: {  	[smem:$0x3FB6] =	sst s10  }
0x38: {  	s10 =	sld [smem:$0x3FB7]  }
0x39: {  	_ = 	snop;
	(pc) =	sbr.ind lr, $3  }
0x3a: {  	_ = 	snop  }
0x3b: {  	_ = 	snop  }
0x3c: {  	p2 =	seq.s32 s10, $0x1;
	s10 =	sld [smem:$0x3FB6]  }
0x3d: {  	_ =	shalt  }
0x3e: {  	_ =	shalt  }
0x3f: {  	_ =	shalt  }
0x40: {  	_ =	shalt  }
0x41: {  	_ =	shalt  }
0x42: {  	_ =	shalt  }
0x43: {  	_ =	shalt  }
0x44: {  	_ =	shalt  }
0x45: {  	_ =	shalt  }
0x46: {  	_ =	shalt  }
0x47: {  	_ =	shalt  }
0x48: {  	_ =	shalt  }
0x49: {  	_ =	shalt  }
0x4a: {  	_ =	shalt  }
0x4b: {  	_ =	shalt  }
0x4c: {  	_ =	shalt  }
0x4d: {  	_ =	shalt  }
0x4e: {  	_ =	shalt  }
0x4f: {  	_ =	shalt  }
0x50: {  	_ =	shalt  }
0x51: {  	_ =	shalt  }
0x52: {  	_ =	shalt  }
0x53: {  	_ =	shalt  }
0x54: {  	_ =	shalt  }
0x55: {  	_ =	shalt  }
0x56: {  	_ =	shalt  }
0x57: {  	_ =	shalt  }
0x58: {  	_ =	shalt  }
0x59: {  	_ =	shalt  }
0x5a: {  	_ =	shalt  }
0x5b: {  	_ =	shalt  }
0x5c: {  	_ =	shalt  }
0x5d: {  	_ =	shalt  }
0x5e: {  	_ =	shalt  }
0x5f: {  	_ =	shalt  }
0x60: {  	_ =	shalt  }
0x61: {  	_ =	shalt  }
0x62: {  	_ =	shalt  }
0x63: {  	_ =	shalt  }
0x64: {  	_ =	shalt  }
0x65: {  	_ =	shalt  }
0x66: {  	_ =	shalt  }
0x67: {  	_ =	shalt  }
0x68: {  	_ =	shalt  }
0x69: {  	_ =	shalt  }
0x6a: {  	_ =	shalt  }
0x6b: {  	_ =	shalt  }
0x6c: {  	_ =	shalt  }
0x6d: {  	_ =	shalt  }
0x6e: {  	_ =	shalt  }
0x6f: {  	_ =	shalt  }
0x70: {  	_ =	shalt  }
0x71: {  	_ =	shalt  }
0x72: {  	_ =	shalt  }
0x73: {  	_ =	shalt  }
0x74: {  	_ =	shalt  }
0x75: {  	_ =	shalt  }
0x76: {  	_ =	shalt  }
0x77: {  	_ =	shalt  }
0x78: {  	_ =	shalt  }
0x79: {  	_ =	shalt  }
0x7a: {  	_ =	shalt  }
0x7b: {  	_ =	shalt  }
0x7c: {  	_ =	shalt  }
0x7d: {  	_ =	shalt  }
0x7e: {  	_ =	shalt  }
0x7f: {  	_ =	shalt  }
0x80: {  	_ =	shalt  }
0x81: {  	_ =	shalt  }
0x82: {  	_ =	shalt  }
0x83: {  	_ =	shalt  }
0x84: {  	_ =	shalt  }
0x85: {  	_ =	shalt  }
0x86: {  	_ =	shalt  }
0x87: {  	_ =	shalt  }
.Lfunc_end0:
.L_simem_size_0:
called_computation.2_lowered:
.L_overlay_start_0:
0x88: {  	s2 =	sld [smem:$0x3FD9]  }
0x89: {  	s3 =	sld [smem:$0x3FFE];
	_ =	sdelay $0x1  }
0x8a: {  	s1 =	srdreg.scid  }
0x8b: {  	s0 =	sand.u32 $0x1, s1  }
0x8c: {  	s17 =	sshll.u32 s0, $0xA;
	s2 =	sadd.s32 s3, s2  }
0x8d: {  	s2 =	sadd.s32 s2, s17  }
0x8e: {  	[smem:$0x3FC2] =	sst s2  }
0x8f: {  	_ = 	snop  }
0x90: {  	s2 =	sld [smem:$0x3FD0];
	(tm) =	ssettm $0x1  }
0x91: {  	s18 =	sld [smem:$0x3FFB];
	_ =	sdelay $0x3  }
0x92: {  	_ =	strace s18  }
0x93: {  	s3 =	sld [smem:$0x3FFC];
	_ =	sdelay $0x3  }
0x94: {  	_ =	strace s3  }
0x95: {  	s3 =	sld [smem:$0x3FFD];
	_ =	sdelay $0x3  }
0x96: {  	_ =	strace s3  }
0x97: {  	_ =	strace $0x8FFFFFFF  }
0x98: {  	s19 =	sld [smem:$0x3FDB];
	_ =	sdelay $0x1  }
0x99: {  	s4 =	simm.s32 $_scs_section_size  }
0x9a: {  	s5 =	simm.s32 $_size__tile_overlayer_lowered;
	s6 =	simm.s32 $_tile_overlayer_lowered  }
0x9b: {  	s22 =	simm.s32 $0x1BFF;
	s21 =	sshll.u32 s6, $0x1;
	s3 =	sadd.s32 s4, s19  }
0x9c: {  	s7 =	simm.s32 $0x0;
	s20 =	sshll.u32 s5, $0x1;
	s5 =	sadd.s32 s21, s3  }
0x9d: {  	[timem:s7], [sflag:s22] =	dma.local [hbm:s5], s20  }
0x9e: {  	_ =	swait.ge [sflag:s22], s20  }
0x9f: {  	s4 =	ssub.s32 $0x0, s20;
	[sflag:s22] =	ssyncset.done $0x0  }
0xa0: {  	[sflag:s22] =	ssyncadd.s32 s4;
	_ =	sdelay $0x1  }
0xa1: {  	s23 =	simm.s32 $0x1B8B  }
0xa2: {  	_ =	swait.ge [sflag:s23], $0x1  }
0xa3: {  	[sflag:s23] =	ssyncset.done $0x0  }
0xa4: {  	s25 =	simm.s32 $0x1B8E;
	s24 =	sld [smem:$0x3FFE];
	[sflag:s23] =	ssyncadd.s32 $0xFFFFFFFF  }
0xa5: {  	s26 =	simm.s32 $execute0_lowered;
	[smem:$0x3FD2] =	sst s25  }
0xa6: {  	s5 =	sshll.u32 s26, $0x1;
	_ =	strace $0x8000004C;
	[dreg:$0x1] =	wrdreg $0xFFFFFFFF  }
0xa7: {  	s28 =	simm.s32 $_size_execute0_lowered;
	s3 =	sadd.s32 s3, s5;
	[dreg:$0x0] =	wrdreg $0x0  }
0xa8: {  	s5 =	sshll.u32 s28, $0x1;
	[dreg:$0x2] =	wrdreg s3  }
0xa9: {  	[dreg:$0x3] =	wrdreg s5  }
0xaa: {  	[dreg:$0x4] =	wrdreg $0xC0  }
0xab: {  	_ =	task [dreg:s7], $0x5FFFF  }
0xac: {  	[dreg:$0x1] =	wrdreg $0xFFFFFFFF  }
0xad: {  	[dreg:$0x0] =	wrdreg $0x60  }
0xae: {  	[dreg:$0x2] =	wrdreg s24  }
0xaf: {  	[dreg:$0x3] =	wrdreg s2  }
0xb0: {  	[dreg:$0x4] =	wrdreg $0x0  }
0xb1: {  	[dreg:$0x5] =	wrdreg $0x9  }
0xb2: {  	_ =	task.clear_ibuf [dreg:s7], $0x6FFFF;
	_ =	strace $0x9000004C  }
0xb3: {  	s29 =	simm.s32 $0x9;
	_ =	strace $0x8000004E  }
0xb4: {  	_ =	swait.ge [sflag:s29], $0x1  }
0xb5: {  	[sflag:s29] =	ssyncadd.s32 $0xFFFFFFFF  }
0xb6: {  	_ =	strace $0x9000004E  }
0xb7: {  	_ =	sfence  }
0xb8: {  	s30 =	sld [smem:$0x0];
	_ =	sdelay $0x2  }
0xb9: {  	s31 =	sshll.u32 s1, $0xD;
	s1 =	sshrl.u32 s1, $0x2  }
0xba: {  	s3 =	sand.u32 $0x4000, s31;
	s1 =	sadd.s32 s1, s30  }
0xbb: {  	s0 =	sor.u32 s3, s0;
	s1 =	sshll.u32 s1, $0x11  }
0xbc: {  	s0 =	sor.u32 s1, s0  }
0xbd: {  	s0 =	sadd.s32 $0x8F2B, s0  }
0xbe: {  	[sflag:s0] =	ssyncadd.remote.s32 $0x1  }
0xbf: {  	_ =	sfence.sel $0xFFFF  }
0xc0: {  	[dreg:$0x0] =	wrdreg $0xFFFFFFFF;
	(pc) =	sbr.abs _section_cstart, $3  }
0xc1: {  	[dreg:$0x1] =	wrdreg $0xFFFFFFFF  }
0xc2: {  	_ =	task.clear_ibuf [dreg:s7], $0x2FFFF;
	_ =	strace $0x9FFFFFFF  }
0xc3: {  	(tm) =	ssettm $0x7FFFFFFF  }
tec
execute0_lowered:
.L_overlay_start_1:
0x0: {  	(tag) =	ssettag $0x1  }
0x1: {  	s0 =	rddreg [dreg:$0x0]  }
0x2: {  	s2 =	rddreg [dreg:$0x2];
	s3 =	simm.s32 $0x0  }
0x3: {  	s1 =	srdreg.scid;
	s10 =	stileid.u32;
	s15 =	simm.s32 $0x9  }
0x4: {  	s17 =	simm.s32 $0x15000;
	s18 =	simm.s32 $0x40;
	s19 =	simm.s32 $0x14080  }
0x5: {  	s20 =	simm.s32 $0x18000;
	s28 =	simm.s32 $0x5;
	s29 =	simm.s32 $0x4  }
0x6: {  	s30 =	simm.s32 $0x6;
	s31 =	simm.s32 $0x15E00;
	s12 =	simm.s32 $0x8  }
0x7: {  	s13 =	simm.s32 $0x14F80;
	s14 =	simm.s32 $0x15F80;
	[smem:$0x7FF] =	sst s3  }
0x8: {  	s5 =	sadd.s32 $0x42200, s0;
	s1 =	sand.u32 $0x1, s1;
	s6 =	smul.u32 $0x50000, s10  }
0x9: {  	s4 =	sadd.s32 $0x4000, s0;
	s7 =	sadd.s32 $0x18E00, s0;
	s8 =	smul.u32 $0x2800, s10  }
0xa: {  	s9 =	sadd.s32 $0x17A00, s0;
	_ =	strace $0x8000004D;
	[dreg:$0x4] =	wrdreg s4  }
0xb: {  	s24 =	sshll.u32 s10, $0x6;
	s21 =	ssub.s32 $0x2, s1;
	[dreg:$0x5] =	wrdreg s7  }
0xc: {  	[dreg:$0x6] =	wrdreg s9;
	s25 =	sshll.u32 s1, $0x4;
	p0 =	seq.s32 s1, $0x1  }
0xd: {  	s1 =	simm.s32 $0x92200;
	s11 =	sor.u32 $0x1C09, s24;
	s24 =	simm.s32 $0x2  }
0xe: {  	s7 =	simm.s32 $0x0;
	s22 =	sshrl.u32 s21, $0x1;
	s6 =	sshrl.u32 s6, $0x2  }
0xf: {  	s23 =	sadd.s32 s5, s8;
	s26 =	sor.u32 s10, s25;
	s1 =	simm.s32 @!p0 $0x6A200  }
0x10: {  	s25 =	simm.s32 $0x1C000;
	s10 =	simm.s32 $0x15F00;
	[dreg:$0x8] =	wrdreg s11  }
0x11: {  	s4 =	ssub.s32 s21, s22;
	s6 =	sadd.s32 s6, s2;
	[dreg:$0x7] =	wrdreg s23  }
0x12: {  	s9 =	smul.u32 $0x5000, s26;
	s0 =	sadd.s32 s1, s0;
	p0 =	seq.s32 s26, $0x1F  }
.Ltmp0:
0x13: {  	s21 =	simm.s32 $0x1;
	s22 =	simm.s32 $0x16000;
	(pc) =	sbr.rel .LBB2_1-.Ltmp0, $4  }
0x14: {  	s23 =	simm.s32 $0x1A000;
	s4 =	smax.u32 s4, $0x1;
	[dreg:$0x9] =	wrdreg s9  }
0x15: {  	s26 =	simm.s32 $0x3;
	s0 =	sadd.s32 s0, s8;
	[dreg:$0xa] =	wrdreg s4  }
0x16: {  	s6 =	sshrl.u32 s6, $0x3;
	[dreg:$0xb] =	wrdreg s0;
	s0 =	simm.s32 $0x7  }
0x17: {  	s4 =	simm.s32 $0x14F00;
	s9 =	simm.s32 $0x15E80;
	[dreg:$0xc] =	wrdreg s6  }
.LBB2_8:
0x18: {  	_ =	swait.ge [sflag:s28], $0x2000  }
0x19: {  	[sflag:s28] =	ssyncset.done $0x0  }
0x1a: {  	[sflag:s28] =	ssyncadd.s32 $0xFFFFE000  }
0x1b: {  	_ =	swait.ge [sflag:s30], $0x2000  }
0x1c: {  	[sflag:s30] =	ssyncset.done $0x0  }
0x1d: {  	[sflag:s30] =	ssyncadd.s32 $0xFFFFE000  }
0x1e: {  	_ =	swait.ge [sflag:s0], $0x2000  }
0x1f: {  	[sflag:s0] =	ssyncset.done $0x0  }
0x20: {  	[sflag:s0] =	ssyncadd.s32 $0xFFFFE000  }
0x21: {  	_ =	swait.ge [sflag:s12], $0x2000  }
0x22: {  	[sflag:s12] =	ssyncset.done $0x0  }
0x23: {  	[sflag:s12] =	ssyncadd.s32 $0xFFFFE000  }
0x24: {  	[bflag:$0x0] =	sbarrier.arrive $0xFFFF  }
0x25: {  	s11 =	rddreg [dreg:$0x8]  }
0x26: {  	s1 =	rddreg [dreg:$0xb]  }
0x27: {  	s6 =	rddreg [dreg:$0xc]  }
0x28: {  	[hbm:s1], [sflag:s11] =	dma.local [spmem:s6], $0x2800  }
0x29: {  	_ =	swait.ge [sflag:s15], $0x2800  }
0x2a: {  	s7 =	rddreg [dreg:$0xd]  }
0x2b: {  	s16 =	rddreg [dreg:$0xa];
	s7 =	sadd.s32 $0x1, s7  }
0x2c: {  	p1 =	sne.s32 s7, s16  }
.Ltmp1:
0x2d: {  	_ = 	snop;
	(pc) =	sbr.rel @!p1 .LBB2_9-.Ltmp1, $3  }
0x2e: {  	_ =	sdelay $0x1  }
0x2f: {  	[sflag:s15] =	ssyncset.done $0x0  }
0x30: {  	[sflag:s15] =	ssyncadd.s32 $0xFFFFD800  }
.LBB2_1:
0x31: {  	[dreg:$0xd] =	wrdreg s7  }
0x32: {  	s1 =	rddreg [dreg:$0x7]  }
0x33: {  	[spmem:s6], [sflag:s11] =	dma.local [hbm:s1], $0x2800  }
.Ltmp2:
0x34: {  	_ =	swait.ge [sflag:s15], $0x2800;
	(pc) =	sbr.rel @!p0 .LBB2_2-.Ltmp2, $4  }
0x35: {  	[sflag:s15] =	ssyncset.done $0x0  }
0x36: {  	[sflag:s15] =	ssyncadd.s32 $0xFFFFD800  }
0x37: {  	[bflag:$0x0] =	sbarrier.arrive $0xFFFF  }
0x38: {  	s1 =	simm.s32 $0x0;
	s6 =	simm.s32 $0x0  }
.LBB2_5:
0x39: {  	s1 =	sshll.u32 s6, $0x9  }
0x3a: {  	s7 =	rddreg [dreg:$0x5];
	s1 =	sadd.s32 $0xA00, s1  }
0x3b: {  	s8 =	simm.s32 $0x14000;
	s7 =	sadd.s32 s7, s1  }
0x3c: {  	[tilespmem:s8], [sflag:$0x9] =	stream.linear.gather [hbm4b:s7+s3], $0x1000, $0x38;
	[tilespmem:$0x1E000] =	vst v63  }
0x3d: {  	_ =	swait.ge [sflag:s15], $0x1000  }
0x3e: {  	[sflag:s15] =	ssyncset.done $0x0;
	s16 =	rddreg [dreg:$0x6]  }
0x3f: {  	[sflag:s15] =	ssyncadd.s32 $0xFFFFF000;
	s1 =	sadd.s32 s16, s1  }
0x40: {  	[tilespmem:s17], [sflag:$0x9] =	stream.linear.gather [hbm4b:s1+s3], $0x1000, $0x38;
	[tilespmem:$0x1E000] =	vst v63  }
0x41: {  	p1 =	seq.s32 s6, $0x0;
	_ =	swait.ge [sflag:s15], $0x1000  }
0x42: {  	s7 =	simm.s32 @p1 $0x14000;
	[sflag:s15] =	ssyncset.done $0x0  }
0x43: {  	s8 =	simm.s32 @p1 $0x16000;
	s1 =	simm.s32 @p1 $0x40;
	[sflag:s15] =	ssyncadd.s32 $0xFFFFF000  }
0x44: {  	[tilespmem:s8], [sflag:$0x1] =	stream.indirect.gather @p1 [hbm4b:s5+s1], $0x80, s7, s1, $0xb8;
	[tilespmem:$0x1E000] =	vst v63  }
0x45: {  	s1 =	simm.s32 @!p1 $0x5  }
0x46: {  	_ =	swait.ge @!p1 [sflag:s1], $0x2000  }
0x47: {  	s7 =	simm.s32 @!p1 $0x14000;
	[sflag:s1] =	ssyncset.done @!p1 $0x0  }
0x48: {  	s8 =	simm.s32 @!p1 $0x16000;
	[sflag:s1] =	ssyncadd.s32 @!p1 $0xFFFFE000;
	s1 =	simm.s32 @!p1 $0x40  }
0x49: {  	[tilespmem:s8], [sflag:$0x1] =	stream.indirect.gather @!p1 [hbm4b:s5+s1], $0x80, s7, s1, $0xb8;
	[tilespmem:$0x1E000] =	vst v63  }
0x4a: {  	s1 =	simm.s32 @!p1 $0x6  }
0x4b: {  	_ =	swait.ge @!p1 [sflag:s1], $0x2000  }
0x4c: {  	[sflag:s1] =	ssyncset.done @!p1 $0x0  }
0x4d: {  	[sflag:s1] =	ssyncadd.s32 @!p1 $0xFFFFE000;
	s1 =	simm.s32 $0x0  }
0x4e: {  	[tilespmem:s20], [sflag:$0x2] =	stream.indirect.gather [hbm4b:s5+s18], $0x80, s19, s18, $0xb8;
	[tilespmem:$0x1E000] =	vst v63  }
0x4f: {  	s8 =	sor.u32 s6, s1;
	_ =	swait.ge [sflag:s21], $0x2000  }
0x50: {  	p1 =	seq.s32 s8, $0x0;
	[sflag:s21] =	ssyncset.done $0x0  }
0x51: {  	s11 =	simm.s32 $0x15000;
	s8 =	simm.s32 @!p1 $0x7;
	[sflag:s21] =	ssyncadd.s32 $0xFFFFE000  }
0x52: {  	[spmem:s2] =	stream.indirect.scatter.add.f32 [tilespmem:s22], [sflag:$0x5], $0x80, s11, s18, $0xb8;
	[tilespmem:$0x1E000] =	vst v63  }
0x53: {  	_ =	swait.ge @!p1 [sflag:s8], $0x2000  }
0x54: {  	[sflag:s8] =	ssyncset.done @!p1 $0x0  }
0x55: {  	s16 =	simm.s32 $0x14100;
	[sflag:s8] =	ssyncadd.s32 @!p1 $0xFFFFE000  }
0x56: {  	[tilespmem:s23], [sflag:$0x3] =	stream.indirect.gather [hbm4b:s5+s18], $0x80, s16, s18, $0xb8;
	[tilespmem:$0x1E000] =	vst v63  }
0x57: {  	_ =	swait.ge [sflag:s24], $0x2000  }
0x58: {  	[sflag:s24] =	ssyncset.done $0x0  }
0x59: {  	s11 =	simm.s32 $0x15080;
	s8 =	simm.s32 @!p1 $0x8;
	[sflag:s24] =	ssyncadd.s32 $0xFFFFE000  }
0x5a: {  	[spmem:s2] =	stream.indirect.scatter.add.f32 [tilespmem:s20], [sflag:$0x6], $0x80, s11, s18, $0xb8;
	[tilespmem:$0x1E000] =	vst v63  }
0x5b: {  	_ =	swait.ge @!p1 [sflag:s8], $0x2000  }
0x5c: {  	[sflag:s8] =	ssyncset.done @!p1 $0x0  }
0x5d: {  	s16 =	simm.s32 $0x14180;
	[sflag:s8] =	ssyncadd.s32 @!p1 $0xFFFFE000  }
0x5e: {  	[tilespmem:s25], [sflag:$0x4] =	stream.indirect.gather [hbm4b:s5+s18], $0x80, s16, s18, $0xb8;
	[tilespmem:$0x1E000] =	vst v63  }
0x5f: {  	_ =	swait.ge [sflag:s26], $0x2000  }
0x60: {  	[sflag:s26] =	ssyncset.done $0x0  }
0x61: {  	s8 =	simm.s32 $0x15100;
	[sflag:s26] =	ssyncadd.s32 $0xFFFFE000  }
0x62: {  	[spmem:s2] =	stream.indirect.scatter.add.f32 [tilespmem:s23], [sflag:$0x7], $0x80, s8, s18, $0xb8;
	[tilespmem:$0x1E000] =	vst v63  }
0x63: {  	_ =	swait.ge [sflag:s28], $0x2000  }
0x64: {  	[sflag:s28] =	ssyncset.done $0x0  }
0x65: {  	s11 =	simm.s32 $0x14200;
	[sflag:s28] =	ssyncadd.s32 $0xFFFFE000  }
0x66: {  	[tilespmem:s22], [sflag:$0x1] =	stream.indirect.gather [hbm4b:s5+s18], $0x80, s11, s18, $0xb8;
	[tilespmem:$0x1E000] =	vst v63  }
0x67: {  	_ =	swait.ge [sflag:s29], $0x2000  }
0x68: {  	[sflag:s29] =	ssyncset.done $0x0  }
0x69: {  	s16 =	simm.s32 $0x15180;
	[sflag:s29] =	ssyncadd.s32 $0xFFFFE000  }
0x6a: {  	[spmem:s2] =	stream.indirect.scatter.add.f32 [tilespmem:s25], [sflag:$0x8], $0x80, s16, s18, $0xb8;
	[tilespmem:$0x1E000] =	vst v63  }
0x6b: {  	_ =	swait.ge [sflag:s30], $0x2000  }
0x6c: {  	s7 =	simm.s32 $0x800;
	s8 =	simm.s32 $0x14280;
	[sflag:s30] =	ssyncset.done $0x0  }
.LBB2_6:
0x6d: {  	[sflag:s30] =	ssyncadd.s32 $0xFFFFE000  }
0x6e: {  	s1 =	sadd.s32 $0x1, s1;
	s11 =	smov.u32 s7;
	s7 =	sadd.s32 $0x800, s7  }
0x6f: {  	[tilespmem:s20], [sflag:$0x2] =	stream.indirect.gather [hbm4b:s5+s18], $0x80, s8, s18, $0xb8;
	[tilespmem:$0x1E000] =	vst v63  }
0x70: {  	s8 =	sshra.s32 s11, $0x2;
	s11 =	sor.u32 s6, s1;
	_ =	swait.ge [sflag:s21], $0x2000  }
0x71: {  	s16 =	sadd.s32 $0x15000, s8;
	p2 =	seq.s32 s11, $0x0;
	[sflag:s21] =	ssyncset.done $0x0  }
0x72: {  	p1 =	sne.s32 s7, $0x3800;
	s11 =	simm.s32 @!p2 $0x7;
	[sflag:s21] =	ssyncadd.s32 $0xFFFFE000  }
0x73: {  	[spmem:s2] =	stream.indirect.scatter.add.f32 [tilespmem:s22], [sflag:$0x5], $0x80, s16, s18, $0xb8;
	[tilespmem:$0x1E000] =	vst v63  }
0x74: {  	_ =	swait.ge @!p2 [sflag:s11], $0x2000  }
0x75: {  	s16 =	sadd.s32 $0x14100, s8;
	[sflag:s11] =	ssyncset.done @!p2 $0x0  }
0x76: {  	[sflag:s11] =	ssyncadd.s32 @!p2 $0xFFFFE000  }
0x77: {  	[tilespmem:s23], [sflag:$0x3] =	stream.indirect.gather [hbm4b:s5+s18], $0x80, s16, s18, $0xb8;
	[tilespmem:$0x1E000] =	vst v63  }
0x78: {  	_ =	swait.ge [sflag:s24], $0x2000  }
0x79: {  	s11 =	sadd.s32 $0x15080, s8;
	[sflag:s24] =	ssyncset.done $0x0  }
0x7a: {  	s16 =	simm.s32 @!p2 $0x8;
	[sflag:s24] =	ssyncadd.s32 $0xFFFFE000  }
0x7b: {  	[spmem:s2] =	stream.indirect.scatter.add.f32 [tilespmem:s20], [sflag:$0x6], $0x80, s11, s18, $0xb8;
	[tilespmem:$0x1E000] =	vst v63  }
0x7c: {  	_ =	swait.ge @!p2 [sflag:s16], $0x2000  }
0x7d: {  	s11 =	sadd.s32 $0x14180, s8;
	[sflag:s16] =	ssyncset.done @!p2 $0x0  }
0x7e: {  	[sflag:s16] =	ssyncadd.s32 @!p2 $0xFFFFE000  }
0x7f: {  	[tilespmem:s25], [sflag:$0x4] =	stream.indirect.gather [hbm4b:s5+s18], $0x80, s11, s18, $0xb8;
	[tilespmem:$0x1E000] =	vst v63  }
0x80: {  	_ =	swait.ge [sflag:s26], $0x2000  }
0x81: {  	s11 =	sadd.s32 $0x15100, s8;
	[sflag:s26] =	ssyncset.done $0x0  }
0x82: {  	[sflag:s26] =	ssyncadd.s32 $0xFFFFE000  }
0x83: {  	[spmem:s2] =	stream.indirect.scatter.add.f32 [tilespmem:s23], [sflag:$0x7], $0x80, s11, s18, $0xb8;
	[tilespmem:$0x1E000] =	vst v63  }
0x84: {  	_ =	swait.ge [sflag:s28], $0x2000  }
0x85: {  	s11 =	sadd.s32 $0x14200, s8;
	[sflag:s28] =	ssyncset.done $0x0  }
0x86: {  	[sflag:s28] =	ssyncadd.s32 $0xFFFFE000  }
0x87: {  	[tilespmem:s22], [sflag:$0x1] =	stream.indirect.gather [hbm4b:s5+s18], $0x80, s11, s18, $0xb8;
	[tilespmem:$0x1E000] =	vst v63  }
0x88: {  	_ =	swait.ge [sflag:s29], $0x2000  }
.Ltmp3:
0x89: {  	s11 =	sadd.s32 $0x15180, s8;
	[sflag:s29] =	ssyncset.done $0x0;
	(pc) =	sbr.rel @p1 .LBB2_6-.Ltmp3, $4  }
0x8a: {  	[sflag:s29] =	ssyncadd.s32 $0xFFFFE000  }
0x8b: {  	[spmem:s2] =	stream.indirect.scatter.add.f32 [tilespmem:s25], [sflag:$0x8], $0x80, s11, s18, $0xb8;
	[tilespmem:$0x1E000] =	vst v63  }
0x8c: {  	_ =	swait.ge [sflag:s30], $0x2000  }
0x8d: {  	s8 =	sadd.s32 $0x14280, s8;
	[sflag:s30] =	ssyncset.done $0x0  }
0x8e: {  	[sflag:s30] =	ssyncadd.s32 $0xFFFFE000  }
0x8f: {  	[tilespmem:s20], [sflag:$0x2] =	stream.indirect.gather [hbm4b:s5+s18], $0x80, s8, s18, $0xb8;
	[tilespmem:$0x1E000] =	vst v63  }
0x90: {  	_ =	swait.ge [sflag:s21], $0x2000  }
0x91: {  	[sflag:s21] =	ssyncset.done $0x0  }
0x92: {  	[sflag:s21] =	ssyncadd.s32 $0xFFFFE000  }
0x93: {  	[spmem:s2] =	stream.indirect.scatter.add.f32 [tilespmem:s22], [sflag:$0x5], $0x80, s31, s18, $0xb8;
	[tilespmem:$0x1E000] =	vst v63  }
0x94: {  	_ =	swait.ge [sflag:s0], $0x2000  }
0x95: {  	[sflag:s0] =	ssyncset.done $0x0  }
0x96: {  	[sflag:s0] =	ssyncadd.s32 $0xFFFFE000  }
0x97: {  	[tilespmem:s23], [sflag:$0x3] =	stream.indirect.gather [hbm4b:s5+s18], $0x80, s4, s18, $0xb8;
	[tilespmem:$0x1E000] =	vst v63  }
0x98: {  	_ =	swait.ge [sflag:s24], $0x2000  }
0x99: {  	[sflag:s24] =	ssyncset.done $0x0  }
0x9a: {  	[sflag:s24] =	ssyncadd.s32 $0xFFFFE000  }
0x9b: {  	[spmem:s2] =	stream.indirect.scatter.add.f32 [tilespmem:s20], [sflag:$0x6], $0x80, s9, s18, $0xb8;
	[tilespmem:$0x1E000] =	vst v63  }
0x9c: {  	_ =	swait.ge [sflag:s12], $0x2000  }
0x9d: {  	[sflag:s12] =	ssyncset.done $0x0  }
0x9e: {  	[sflag:s12] =	ssyncadd.s32 $0xFFFFE000  }
0x9f: {  	[tilespmem:s25], [sflag:$0x4] =	stream.indirect.gather [hbm4b:s5+s18], $0x80, s13, s18, $0xb8;
	[tilespmem:$0x1E000] =	vst v63  }
0xa0: {  	_ =	swait.ge [sflag:s26], $0x2000  }
0xa1: {  	s6 =	sadd.s32 $0x1, s6;
	[sflag:s26] =	ssyncset.done $0x0  }
0xa2: {  	p1 =	sne.s32 s6, $0x5;
	[sflag:s26] =	ssyncadd.s32 $0xFFFFE000  }
0xa3: {  	[spmem:s2] =	stream.indirect.scatter.add.f32 [tilespmem:s23], [sflag:$0x7], $0x80, s10, s18, $0xb8;
	[tilespmem:$0x1E000] =	vst v63  }
.Ltmp4:
0xa4: {  	_ = 	snop;
	(pc) =	sbr.rel @p1 .LBB2_5-.Ltmp4, $4  }
.Ltmp5:
0xa5: {  	_ =	swait.ge [sflag:s29], $0x2000;
	(pc) =	sbr.rel @!p1 .LBB2_8-.Ltmp5, $4  }
0xa6: {  	[sflag:s29] =	ssyncset.done $0x0  }
0xa7: {  	[sflag:s29] =	ssyncadd.s32 $0xFFFFE000  }
0xa8: {  	[spmem:s2] =	stream.indirect.scatter.add.f32 [tilespmem:s25], [sflag:$0x8], $0x80, s14, s18, $0xb8;
	[tilespmem:$0x1E000] =	vst v63  }
0xa9: {  	_ = 	snop  }
.LBB2_2:
0xaa: {  	s6 =	sshll.u32 s1, $0xC;
	s7 =	rddreg [dreg:$0x9]  }
0xab: {  	s6 =	sadd.s32 s7, s6  }
0xac: {  	s11 =	rddreg [dreg:$0x4];
	s6 =	sshrl.u32 s6, $0x3  }
0xad: {  	s8 =	simm.s32 $0x14000;
	s7 =	sadd.s32 s11, s6  }
0xae: {  	[tilespmem:s8], [sflag:$0x9] =	stream.linear.gather [hbm4b:s7+s3], $0x1000, $0x38;
	[tilespmem:$0x1E000] =	vst v63  }
0xaf: {  	_ =	swait.ge [sflag:s15], $0x1000  }
0xb0: {  	[sflag:s15] =	ssyncset.done $0x0  }
0xb1: {  	[sflag:s15] =	ssyncadd.s32 $0xFFFFF000  }
0xb2: {  	s16 =	rddreg [dreg:$0x1]  }
0xb3: {  	s6 =	sadd.s32 s16, s6  }
0xb4: {  	[tilespmem:s17], [sflag:$0x9] =	stream.linear.gather [hbm4b:s6+s3], $0x1000, $0x38;
	[tilespmem:$0x1E000] =	vst v63  }
0xb5: {  	p1 =	seq.s32 s1, $0x0;
	_ =	swait.ge [sflag:s15], $0x1000  }
0xb6: {  	s7 =	simm.s32 @p1 $0x14000;
	[sflag:s15] =	ssyncset.done $0x0  }
0xb7: {  	s8 =	simm.s32 @p1 $0x16000;
	s6 =	simm.s32 @p1 $0x40;
	[sflag:s15] =	ssyncadd.s32 $0xFFFFF000  }
0xb8: {  	[tilespmem:s8], [sflag:$0x1] =	stream.indirect.gather @p1 [hbm4b:s5+s6], $0x80, s7, s6, $0xb8;
	[tilespmem:$0x1E000] =	vst v63  }
0xb9: {  	s6 =	simm.s32 @!p1 $0x5  }
0xba: {  	_ =	swait.ge @!p1 [sflag:s6], $0x2000  }
0xbb: {  	s7 =	simm.s32 @!p1 $0x14000;
	[sflag:s6] =	ssyncset.done @!p1 $0x0  }
0xbc: {  	s8 =	simm.s32 @!p1 $0x16000;
	[sflag:s6] =	ssyncadd.s32 @!p1 $0xFFFFE000;
	s6 =	simm.s32 @!p1 $0x40  }
0xbd: {  	[tilespmem:s8], [sflag:$0x1] =	stream.indirect.gather @!p1 [hbm4b:s5+s6], $0x80, s7, s6, $0xb8;
	[tilespmem:$0x1E000] =	vst v63  }
0xbe: {  	s6 =	simm.s32 @!p1 $0x6  }
0xbf: {  	_ =	swait.ge @!p1 [sflag:s6], $0x2000  }
0xc0: {  	[sflag:s6] =	ssyncset.done @!p1 $0x0  }
0xc1: {  	[sflag:s6] =	ssyncadd.s32 @!p1 $0xFFFFE000;
	s6 =	simm.s32 $0x0  }
0xc2: {  	[tilespmem:s20], [sflag:$0x2] =	stream.indirect.gather [hbm4b:s5+s18], $0x80, s19, s18, $0xb8;
	[tilespmem:$0x1E000] =	vst v63  }
0xc3: {  	s8 =	sor.u32 s1, s6;
	_ =	swait.ge [sflag:s21], $0x2000  }
0xc4: {  	p1 =	seq.s32 s8, $0x0;
	[sflag:s21] =	ssyncset.done $0x0  }
0xc5: {  	s11 =	simm.s32 $0x15000;
	s8 =	simm.s32 @!p1 $0x7;
	[sflag:s21] =	ssyncadd.s32 $0xFFFFE000  }
0xc6: {  	[spmem:s2] =	stream.indirect.scatter.add.f32 [tilespmem:s22], [sflag:$0x5], $0x80, s11, s18, $0xb8;
	[tilespmem:$0x1E000] =	vst v63  }
0xc7: {  	_ =	swait.ge @!p1 [sflag:s8], $0x2000  }
0xc8: {  	[sflag:s8] =	ssyncset.done @!p1 $0x0  }
0xc9: {  	s16 =	simm.s32 $0x14100;
	[sflag:s8] =	ssyncadd.s32 @!p1 $0xFFFFE000  }
0xca: {  	[tilespmem:s23], [sflag:$0x3] =	stream.indirect.gather [hbm4b:s5+s18], $0x80, s16, s18, $0xb8;
	[tilespmem:$0x1E000] =	vst v63  }
0xcb: {  	_ =	swait.ge [sflag:s24], $0x2000  }
0xcc: {  	[sflag:s24] =	ssyncset.done $0x0  }
0xcd: {  	s11 =	simm.s32 $0x15080;
	s8 =	simm.s32 @!p1 $0x8;
	[sflag:s24] =	ssyncadd.s32 $0xFFFFE000  }
0xce: {  	[spmem:s2] =	stream.indirect.scatter.add.f32 [tilespmem:s20], [sflag:$0x6], $0x80, s11, s18, $0xb8;
	[tilespmem:$0x1E000] =	vst v63  }
0xcf: {  	_ =	swait.ge @!p1 [sflag:s8], $0x2000  }
0xd0: {  	[sflag:s8] =	ssyncset.done @!p1 $0x0  }
0xd1: {  	s16 =	simm.s32 $0x14180;
	[sflag:s8] =	ssyncadd.s32 @!p1 $0xFFFFE000  }
0xd2: {  	[tilespmem:s25], [sflag:$0x4] =	stream.indirect.gather [hbm4b:s5+s18], $0x80, s16, s18, $0xb8;
	[tilespmem:$0x1E000] =	vst v63  }
0xd3: {  	_ =	swait.ge [sflag:s26], $0x2000  }
0xd4: {  	[sflag:s26] =	ssyncset.done $0x0  }
0xd5: {  	s8 =	simm.s32 $0x15100;
	[sflag:s26] =	ssyncadd.s32 $0xFFFFE000  }
0xd6: {  	[spmem:s2] =	stream.indirect.scatter.add.f32 [tilespmem:s23], [sflag:$0x7], $0x80, s8, s18, $0xb8;
	[tilespmem:$0x1E000] =	vst v63  }
0xd7: {  	_ =	swait.ge [sflag:s28], $0x2000  }
0xd8: {  	[sflag:s28] =	ssyncset.done $0x0  }
0xd9: {  	s11 =	simm.s32 $0x14200;
	[sflag:s28] =	ssyncadd.s32 $0xFFFFE000  }
0xda: {  	[tilespmem:s22], [sflag:$0x1] =	stream.indirect.gather [hbm4b:s5+s18], $0x80, s11, s18, $0xb8;
	[tilespmem:$0x1E000] =	vst v63  }
0xdb: {  	_ =	swait.ge [sflag:s29], $0x2000  }
0xdc: {  	[sflag:s29] =	ssyncset.done $0x0  }
0xdd: {  	s16 =	simm.s32 $0x15180;
	[sflag:s29] =	ssyncadd.s32 $0xFFFFE000  }
0xde: {  	[spmem:s2] =	stream.indirect.scatter.add.f32 [tilespmem:s25], [sflag:$0x8], $0x80, s16, s18, $0xb8;
	[tilespmem:$0x1E000] =	vst v63  }
0xdf: {  	_ =	swait.ge [sflag:s30], $0x2000  }
0xe0: {  	s7 =	simm.s32 $0x800;
	s8 =	simm.s32 $0x14280;
	[sflag:s30] =	ssyncset.done $0x0  }
.LBB2_3:
0xe1: {  	[sflag:s30] =	ssyncadd.s32 $0xFFFFE000  }
0xe2: {  	s6 =	sadd.s32 $0x1, s6;
	s11 =	smov.u32 s7;
	s7 =	sadd.s32 $0x800, s7  }
0xe3: {  	[tilespmem:s20], [sflag:$0x2] =	stream.indirect.gather [hbm4b:s5+s18], $0x80, s8, s18, $0xb8;
	[tilespmem:$0x1E000] =	vst v63  }
0xe4: {  	s8 =	sshra.s32 s11, $0x2;
	s11 =	sor.u32 s1, s6;
	_ =	swait.ge [sflag:s21], $0x2000  }
0xe5: {  	s16 =	sadd.s32 $0x15000, s8;
	p2 =	seq.s32 s11, $0x0;
	[sflag:s21] =	ssyncset.done $0x0  }
0xe6: {  	p1 =	sne.s32 s7, $0x3800;
	s11 =	simm.s32 @!p2 $0x7;
	[sflag:s21] =	ssyncadd.s32 $0xFFFFE000  }
0xe7: {  	[spmem:s2] =	stream.indirect.scatter.add.f32 [tilespmem:s22], [sflag:$0x5], $0x80, s16, s18, $0xb8;
	[tilespmem:$0x1E000] =	vst v63  }
0xe8: {  	_ =	swait.ge @!p2 [sflag:s11], $0x2000  }
0xe9: {  	s16 =	sadd.s32 $0x14100, s8;
	[sflag:s11] =	ssyncset.done @!p2 $0x0  }
0xea: {  	[sflag:s11] =	ssyncadd.s32 @!p2 $0xFFFFE000  }
0xeb: {  	[tilespmem:s23], [sflag:$0x3] =	stream.indirect.gather [hbm4b:s5+s18], $0x80, s16, s18, $0xb8;
	[tilespmem:$0x1E000] =	vst v63  }
0xec: {  	_ =	swait.ge [sflag:s24], $0x2000  }
0xed: {  	s11 =	sadd.s32 $0x15080, s8;
	[sflag:s24] =	ssyncset.done $0x0  }
0xee: {  	s16 =	simm.s32 @!p2 $0x8;
	[sflag:s24] =	ssyncadd.s32 $0xFFFFE000  }
0xef: {  	[spmem:s2] =	stream.indirect.scatter.add.f32 [tilespmem:s20], [sflag:$0x6], $0x80, s11, s18, $0xb8;
	[tilespmem:$0x1E000] =	vst v63  }
0xf0: {  	_ =	swait.ge @!p2 [sflag:s16], $0x2000  }
0xf1: {  	s11 =	sadd.s32 $0x14180, s8;
	[sflag:s16] =	ssyncset.done @!p2 $0x0  }
0xf2: {  	[sflag:s16] =	ssyncadd.s32 @!p2 $0xFFFFE000  }
0xf3: {  	[tilespmem:s25], [sflag:$0x4] =	stream.indirect.gather [hbm4b:s5+s18], $0x80, s11, s18, $0xb8;
	[tilespmem:$0x1E000] =	vst v63  }
0xf4: {  	_ =	swait.ge [sflag:s26], $0x2000  }
0xf5: {  	s11 =	sadd.s32 $0x15100, s8;
	[sflag:s26] =	ssyncset.done $0x0  }
0xf6: {  	[sflag:s26] =	ssyncadd.s32 $0xFFFFE000  }
0xf7: {  	[spmem:s2] =	stream.indirect.scatter.add.f32 [tilespmem:s23], [sflag:$0x7], $0x80, s11, s18, $0xb8;
	[tilespmem:$0x1E000] =	vst v63  }
0xf8: {  	_ =	swait.ge [sflag:s28], $0x2000  }
0xf9: {  	s11 =	sadd.s32 $0x14200, s8;
	[sflag:s28] =	ssyncset.done $0x0  }
0xfa: {  	[sflag:s28] =	ssyncadd.s32 $0xFFFFE000  }
0xfb: {  	[tilespmem:s22], [sflag:$0x1] =	stream.indirect.gather [hbm4b:s5+s18], $0x80, s11, s18, $0xb8;
	[tilespmem:$0x1E000] =	vst v63  }
0xfc: {  	_ =	swait.ge [sflag:s29], $0x2000  }
.Ltmp6:
0xfd: {  	s11 =	sadd.s32 $0x15180, s8;
	[sflag:s29] =	ssyncset.done $0x0;
	(pc) =	sbr.rel @p1 .LBB2_3-.Ltmp6, $4  }
0xfe: {  	[sflag:s29] =	ssyncadd.s32 $0xFFFFE000  }
0xff: {  	[spmem:s2] =	stream.indirect.scatter.add.f32 [tilespmem:s25], [sflag:$0x8], $0x80, s11, s18, $0xb8;
	[tilespmem:$0x1E000] =	vst v63  }
0x100: {  	_ =	swait.ge [sflag:s30], $0x2000  }
0x101: {  	s8 =	sadd.s32 $0x14280, s8;
	[sflag:s30] =	ssyncset.done $0x0  }
0x102: {  	[sflag:s30] =	ssyncadd.s32 $0xFFFFE000  }
0x103: {  	[tilespmem:s20], [sflag:$0x2] =	stream.indirect.gather [hbm4b:s5+s18], $0x80, s8, s18, $0xb8;
	[tilespmem:$0x1E000] =	vst v63  }
0x104: {  	_ =	swait.ge [sflag:s21], $0x2000  }
0x105: {  	[sflag:s21] =	ssyncset.done $0x0  }
0x106: {  	[sflag:s21] =	ssyncadd.s32 $0xFFFFE000  }
0x107: {  	[spmem:s2] =	stream.indirect.scatter.add.f32 [tilespmem:s22], [sflag:$0x5], $0x80, s31, s18, $0xb8;
	[tilespmem:$0x1E000] =	vst v63  }
0x108: {  	_ =	swait.ge [sflag:s0], $0x2000  }
0x109: {  	[sflag:s0] =	ssyncset.done $0x0  }
0x10a: {  	[sflag:s0] =	ssyncadd.s32 $0xFFFFE000  }
0x10b: {  	[tilespmem:s23], [sflag:$0x3] =	stream.indirect.gather [hbm4b:s5+s18], $0x80, s4, s18, $0xb8;
	[tilespmem:$0x1E000] =	vst v63  }
0x10c: {  	_ =	swait.ge [sflag:s24], $0x2000  }
0x10d: {  	[sflag:s24] =	ssyncset.done $0x0  }
0x10e: {  	[sflag:s24] =	ssyncadd.s32 $0xFFFFE000  }
0x10f: {  	[spmem:s2] =	stream.indirect.scatter.add.f32 [tilespmem:s20], [sflag:$0x6], $0x80, s9, s18, $0xb8;
	[tilespmem:$0x1E000] =	vst v63  }
0x110: {  	_ =	swait.ge [sflag:s12], $0x2000  }
0x111: {  	[sflag:s12] =	ssyncset.done $0x0  }
0x112: {  	[sflag:s12] =	ssyncadd.s32 $0xFFFFE000  }
0x113: {  	[tilespmem:s25], [sflag:$0x4] =	stream.indirect.gather [hbm4b:s5+s18], $0x80, s13, s18, $0xb8;
	[tilespmem:$0x1E000] =	vst v63  }
0x114: {  	_ =	swait.ge [sflag:s26], $0x2000  }
0x115: {  	s1 =	sadd.s32 $0x1, s1;
	[sflag:s26] =	ssyncset.done $0x0  }
0x116: {  	p1 =	seq.s32 s1, $0x5;
	[sflag:s26] =	ssyncadd.s32 $0xFFFFE000  }
0x117: {  	[spmem:s2] =	stream.indirect.scatter.add.f32 [tilespmem:s23], [sflag:$0x7], $0x80, s10, s18, $0xb8;
	[tilespmem:$0x1E000] =	vst v63  }
.Ltmp7:
0x118: {  	_ = 	snop;
	(pc) =	sbr.rel @!p1 .LBB2_2-.Ltmp7, $4  }
.Ltmp8:
0x119: {  	_ =	swait.ge [sflag:s29], $0x2000;
	(pc) =	sbr.rel @p1 .LBB2_8-.Ltmp8, $4  }
0x11a: {  	[sflag:s29] =	ssyncset.done $0x0  }
0x11b: {  	[sflag:s29] =	ssyncadd.s32 $0xFFFFE000  }
0x11c: {  	[spmem:s2] =	stream.indirect.scatter.add.f32 [tilespmem:s25], [sflag:$0x8], $0x80, s14, s18, $0xb8;
	[tilespmem:$0x1E000] =	vst v63  }
0x11d: {  	_ = 	snop  }
.LBB2_9:
0x11e: {  	_ =	sfence.sel $0x180000  }
0x11f: {  	[bflag:$0x0] =	sbarrier.arrive $0xFFFF  }
0x120: {  	_ =	strace $0x9000004D  }
0x121: {  	s0 =	stileid.u32;
	[bflag:$0x2] =	sbarrier.arrive $0xFFFF  }
0x122: {  	p0 =	sne.s32 s0, $0x0;
	s0 =	rddreg [dreg:$0x3]  }
0x123: {  	s0 =	sadd.s32 @!p0 $0x100000, s0  }
0x124: {  	[sflag:s0] =	ssyncadd.tile.s32 @!p0 $0x1;
	_ =	shalt  }
.Lfunc_end2:
_tile_overlayer_lowered:
.L_overlay_start_2:
0x125: {  	(tag) =	ssettag $0x2  }
0x126: {  	s0 =	rddreg [dreg:$0x0];
	s2 =	stileid.u32  }
0x127: {  	s1 =	rddreg [dreg:$0x1];
	p0 =	sne.s32 s2, $0x0  }
0x128: {  	s3 =	rddreg [dreg:$0x2];
	[bflag:$0x3] =	sbarrier.arrive $0xFFFF;
	s2 =	simm.s32 @!p0 $0x1C09  }
0x129: {  	[timem:s3], [sflag:s2] =	dma.local @!p0 [hbm:s0], s1  }
0x12a: {  	s0 =	simm.s32 @!p0 $0x9  }
0x12b: {  	_ =	swait.ge @!p0 [sflag:s0], s1  }
0x12c: {  	s1 =	ssub.s32 @!p0 $0x0, s1;
	[sflag:s0] =	ssyncset.done @!p0 $0x0  }
0x12d: {  	[sflag:s0] =	ssyncadd.s32 @!p0 s1  }
0x12e: {  	[bflag:$0x3] =	sbarrier.arrive $0xFFFF  }
0x12f: {  	_ =	shalt  }

// kernel: kernel.8.cloned.1.call-start
scs
__scs_entry_jumppad:
0x0: {  	(pc) =	sbr.rel $0x88, $3  }
0x1: {  	(tag) =	ssettag $0x0;
	lr =	simm.s32 $0x1  }
0x2: {  	[smem:$0x3F9B] =	sst lr;
	_ =	strace $0xD0000000  }
0x3: {  	_ = 	snop  }
0x4: {  	_ = 	snop  }
0x5: {  	_ = 	snop  }
0x6: {  	_ = 	snop  }
0x7: {  	_ = 	snop  }
__scs_overlays_trampoline_lowered:
0x8: {  	[smem:$0x3FAA] =	sst s0  }
0x9: {  	[smem:$0x3FAB] =	sst s1  }
0xa: {  	[smem:$0x3FAC] =	sst s2  }
0xb: {  	[smem:$0x3FAD] =	sst s3  }
0xc: {  	[smem:$0x3FAE] =	sst s4  }
0xd: {  	[smem:$0x3FAF] =	sst s5  }
0xe: {  	[smem:$0x3FB0] =	sst s6  }
0xf: {  	[smem:$0x3FB1] =	sst s7  }
0x10: {  	[smem:$0x3FB2] =	sst s8  }
0x11: {  	[smem:$0x3FB3] =	sst s9;
	s0 =	simm.s32 @!p0 $0x0  }
0x12: {  	s1 =	sld [smem:$0x3F99];
	s0 =	simm.s32 @p0 $0x1  }
0x13: {  	[smem:$0x3FB4] =	sst s0;
	s0 =	simm.s32 @!p1 $0x0  }
0x14: {  	s2 =	sld [smem:$0x3F98];
	s0 =	simm.s32 @p1 $0x1  }
0x15: {  	[smem:$0x3FB5] =	sst s0;
	s0 =	simm.s32 @!p2 $0x0  }
0x16: {  	s3 =	sld [smem:$0x3FDB];
	s0 =	simm.s32 @p2 $0x1  }
0x17: {  	s4 =	simm.s32 $0x1BF5;
	[smem:$0x3FB7] =	sst s0  }
0x18: {  	s0 =	sld [smem:$0x3F9A];
	_ =	swait.ge [sflag:s4], $0x0  }
0x19: {  	s7 =	sld [smem:$0x3F9B]  }
0x1a: {  	s8 =	sadd.s32 $0xFFFFE003, lr  }
0x1b: {  	s9 =	sadd.s32 $0xFFFFFEF7, lr;
	s5 =	simm.s32 $0xFFFFFFFF;
	p2 =	slt.u32 s8, $0xFFFFF086  }
0x1c: {  	p1 =	slt.u32 s9, $0xF7A;
	s5 =	simm.s32 @!p2 $0x0  }
0x1d: {  	s5 =	simm.s32 @p1 $0x1;
	p0 =	seq.s32 s7, s2  }
0x1e: {  	s7 =	smul.u32 @!p0 $0xF7A, s2;
	p2 =	seq.s32 @!p0 s5, $0x0  }
0x1f: {  	s9 =	smul.u32 $0xF7A, s1;
	s8 =	simm.s32 @!p0 $0x1BF5;
	p2 =	por !p2, p0  }
0x20: {  	[sflag:s8] =	ssyncset.s32 @!p0 $0xFFFFF086;
	s6 =	sadd.s32 @!p0 s3, s7;
	s7 =	simm.s32 @!p0 $0x108  }
0x21: {  	s3 =	sadd.s32 s3, s9;
	s6 =	sadd.s32 @!p0 $0x88, s6;
	s7 =	simm.s32 @p2 $0x1082  }
0x22: {  	[simem:s7], [sflag:s8] =	dma.local @!p0 [hbm:s6], $0xF7A  }
0x23: {  	s9 =	sor.u32 $0xD0000000, s2;
	s6 =	simm.s32 $0x108;
	_ =	swait.ge @!p0 [sflag:s8], $0x0  }
0x24: {  	s3 =	sadd.s32 $0x88, s3;
	s6 =	simm.s32 @!p1 $0x1082;
	[sflag:s4] =	ssyncset.s32 $0xFFFFF086  }
0x25: {  	[simem:s6], [sflag:s4] =	dma.local [hbm:s3], $0xF7A  }
0x26: {  	[smem:$0x3F9B] =	sst s1;
	(tag) =	ssettag s2;
	_ =	strace s9  }
0x27: {  	s1 =	sld [smem:$0x3FAB]  }
0x28: {  	s2 =	sld [smem:$0x3FAC]  }
0x29: {  	s4 =	sld [smem:$0x3FAE]  }
0x2a: {  	p0 =	seq.s32 s5, $0x0;
	s5 =	sld [smem:$0x3FAF]  }
0x2b: {  	s6 =	sld [smem:$0x3FB0]  }
0x2c: {  	s7 =	sld [smem:$0x3FB1]  }
0x2d: {  	s3 =	simm.s32 $0x108;
	s8 =	sld [smem:$0x3FB2]  }
0x2e: {  	s3 =	simm.s32 @!p0 $0x1082;
	s9 =	sld [smem:$0x3FB3]  }
0x2f: {  	lr =	sadd.s32 s0, s3;
	s0 =	sld [smem:$0x3FAA]  }
0x30: {  	s3 =	sld [smem:$0x3FAD]  }
0x31: {  	[smem:$0x3FB6] =	sst s10  }
0x32: {  	s10 =	sld [smem:$0x3FB4];
	_ =	sdelay $0x3  }
0x33: {  	p0 =	seq.s32 s10, $0x1;
	s10 =	sld [smem:$0x3FB6];
	_ =	sdelay $0x3  }
0x34: {  	[smem:$0x3FB6] =	sst s10  }
0x35: {  	s10 =	sld [smem:$0x3FB5];
	_ =	sdelay $0x3  }
0x36: {  	p1 =	seq.s32 s10, $0x1;
	s10 =	sld [smem:$0x3FB6];
	_ =	sdelay $0x3  }
0x37: {  	[smem:$0x3FB6] =	sst s10  }
0x38: {  	s10 =	sld [smem:$0x3FB7]  }
0x39: {  	_ = 	snop;
	(pc) =	sbr.ind lr, $3  }
0x3a: {  	_ = 	snop  }
0x3b: {  	_ = 	snop  }
0x3c: {  	p2 =	seq.s32 s10, $0x1;
	s10 =	sld [smem:$0x3FB6]  }
0x3d: {  	_ =	shalt  }
0x3e: {  	_ =	shalt  }
0x3f: {  	_ =	shalt  }
0x40: {  	_ =	shalt  }
0x41: {  	_ =	shalt  }
0x42: {  	_ =	shalt  }
0x43: {  	_ =	shalt  }
0x44: {  	_ =	shalt  }
0x45: {  	_ =	shalt  }
0x46: {  	_ =	shalt  }
0x47: {  	_ =	shalt  }
0x48: {  	_ =	shalt  }
0x49: {  	_ =	shalt  }
0x4a: {  	_ =	shalt  }
0x4b: {  	_ =	shalt  }
0x4c: {  	_ =	shalt  }
0x4d: {  	_ =	shalt  }
0x4e: {  	_ =	shalt  }
0x4f: {  	_ =	shalt  }
0x50: {  	_ =	shalt  }
0x51: {  	_ =	shalt  }
0x52: {  	_ =	shalt  }
0x53: {  	_ =	shalt  }
0x54: {  	_ =	shalt  }
0x55: {  	_ =	shalt  }
0x56: {  	_ =	shalt  }
0x57: {  	_ =	shalt  }
0x58: {  	_ =	shalt  }
0x59: {  	_ =	shalt  }
0x5a: {  	_ =	shalt  }
0x5b: {  	_ =	shalt  }
0x5c: {  	_ =	shalt  }
0x5d: {  	_ =	shalt  }
0x5e: {  	_ =	shalt  }
0x5f: {  	_ =	shalt  }
0x60: {  	_ =	shalt  }
0x61: {  	_ =	shalt  }
0x62: {  	_ =	shalt  }
0x63: {  	_ =	shalt  }
0x64: {  	_ =	shalt  }
0x65: {  	_ =	shalt  }
0x66: {  	_ =	shalt  }
0x67: {  	_ =	shalt  }
0x68: {  	_ =	shalt  }
0x69: {  	_ =	shalt  }
0x6a: {  	_ =	shalt  }
0x6b: {  	_ =	shalt  }
0x6c: {  	_ =	shalt  }
0x6d: {  	_ =	shalt  }
0x6e: {  	_ =	shalt  }
0x6f: {  	_ =	shalt  }
0x70: {  	_ =	shalt  }
0x71: {  	_ =	shalt  }
0x72: {  	_ =	shalt  }
0x73: {  	_ =	shalt  }
0x74: {  	_ =	shalt  }
0x75: {  	_ =	shalt  }
0x76: {  	_ =	shalt  }
0x77: {  	_ =	shalt  }
0x78: {  	_ =	shalt  }
0x79: {  	_ =	shalt  }
0x7a: {  	_ =	shalt  }
0x7b: {  	_ =	shalt  }
0x7c: {  	_ =	shalt  }
0x7d: {  	_ =	shalt  }
0x7e: {  	_ =	shalt  }
0x7f: {  	_ =	shalt  }
0x80: {  	_ =	shalt  }
0x81: {  	_ =	shalt  }
0x82: {  	_ =	shalt  }
0x83: {  	_ =	shalt  }
0x84: {  	_ =	shalt  }
0x85: {  	_ =	shalt  }
0x86: {  	_ =	shalt  }
0x87: {  	_ =	shalt  }
.Lfunc_end0:
.L_simem_size_0:
called_computation_lowered:
.L_overlay_start_0:
0x88: {  	s2 =	sld [smem:$0x3FD9]  }
0x89: {  	s3 =	sld [smem:$0x3FFE];
	_ =	sdelay $0x1  }
0x8a: {  	s1 =	srdreg.scid  }
0x8b: {  	s0 =	sand.u32 $0x1, s1  }
0x8c: {  	s17 =	sshll.u32 s0, $0xA;
	s2 =	sadd.s32 s3, s2  }
0x8d: {  	s2 =	sadd.s32 s2, s17  }
0x8e: {  	[smem:$0x3FC2] =	sst s2  }
0x8f: {  	_ = 	snop  }
0x90: {  	s2 =	sld [smem:$0x3FD0];
	(tm) =	ssettm $0x1  }
0x91: {  	s18 =	sld [smem:$0x3FFB];
	_ =	sdelay $0x3  }
0x92: {  	_ =	strace s18  }
0x93: {  	s3 =	sld [smem:$0x3FFC];
	_ =	sdelay $0x3  }
0x94: {  	_ =	strace s3  }
0x95: {  	s3 =	sld [smem:$0x3FFD];
	_ =	sdelay $0x3  }
0x96: {  	_ =	strace s3  }
0x97: {  	_ =	strace $0x8FFFFFFF  }
0x98: {  	s19 =	sld [smem:$0x3FDB];
	_ =	sdelay $0x1  }
0x99: {  	s4 =	simm.s32 $_scs_section_size  }
0x9a: {  	s5 =	simm.s32 $_size__tile_overlayer_lowered;
	s6 =	simm.s32 $_tile_overlayer_lowered  }
0x9b: {  	s22 =	simm.s32 $0x1BFF;
	s21 =	sshll.u32 s6, $0x1;
	s3 =	sadd.s32 s4, s19  }
0x9c: {  	s7 =	simm.s32 $0x0;
	s20 =	sshll.u32 s5, $0x1;
	s5 =	sadd.s32 s21, s3  }
0x9d: {  	[timem:s7], [sflag:s22] =	dma.local [hbm:s5], s20  }
0x9e: {  	_ =	swait.ge [sflag:s22], s20  }
0x9f: {  	s4 =	ssub.s32 $0x0, s20;
	[sflag:s22] =	ssyncset.done $0x0  }
0xa0: {  	[sflag:s22] =	ssyncadd.s32 s4;
	_ =	sdelay $0x1  }
0xa1: {  	s23 =	simm.s32 $0x1B8B  }
0xa2: {  	_ =	swait.ge [sflag:s23], $0x1  }
0xa3: {  	[sflag:s23] =	ssyncset.done $0x0  }
0xa4: {  	s25 =	simm.s32 $0x1B8E;
	s24 =	sld [smem:$0x3FFE];
	[sflag:s23] =	ssyncadd.s32 $0xFFFFFFFF  }
0xa5: {  	s26 =	simm.s32 $execute0_lowered;
	[smem:$0x3FD2] =	sst s25  }
0xa6: {  	s5 =	sshll.u32 s26, $0x1;
	_ =	strace $0x80000046;
	[dreg:$0x1] =	wrdreg $0xFFFFFFFF  }
0xa7: {  	s28 =	simm.s32 $_size_execute0_lowered;
	s3 =	sadd.s32 s3, s5;
	[dreg:$0x0] =	wrdreg $0x0  }
0xa8: {  	s5 =	sshll.u32 s28, $0x1;
	[dreg:$0x2] =	wrdreg s3  }
0xa9: {  	[dreg:$0x3] =	wrdreg s5  }
0xaa: {  	[dreg:$0x4] =	wrdreg $0xC0  }
0xab: {  	_ =	task [dreg:s7], $0x5FFFF  }
0xac: {  	[dreg:$0x1] =	wrdreg $0xFFFFFFFF  }
0xad: {  	[dreg:$0x0] =	wrdreg $0x60  }
0xae: {  	[dreg:$0x2] =	wrdreg s2  }
0xaf: {  	[dreg:$0x3] =	wrdreg s24  }
0xb0: {  	[dreg:$0x4] =	wrdreg $0x0  }
0xb1: {  	[dreg:$0x5] =	wrdreg $0x9  }
0xb2: {  	_ =	task.clear_ibuf [dreg:s7], $0x6FFFF;
	_ =	strace $0x90000046  }
0xb3: {  	s29 =	simm.s32 $0x9;
	_ =	strace $0x80000048  }
0xb4: {  	_ =	swait.ge [sflag:s29], $0x1  }
0xb5: {  	[sflag:s29] =	ssyncadd.s32 $0xFFFFFFFF  }
0xb6: {  	_ =	strace $0x90000048  }
0xb7: {  	_ =	sfence  }
0xb8: {  	s30 =	sld [smem:$0x0];
	_ =	sdelay $0x2  }
0xb9: {  	s31 =	sshll.u32 s1, $0xD;
	s1 =	sshrl.u32 s1, $0x2  }
0xba: {  	s3 =	sand.u32 $0x4000, s31;
	s1 =	sadd.s32 s1, s30  }
0xbb: {  	s0 =	sor.u32 s3, s0;
	s1 =	sshll.u32 s1, $0x11  }
0xbc: {  	s0 =	sor.u32 s1, s0  }
0xbd: {  	s0 =	sadd.s32 $0x8F2B, s0  }
0xbe: {  	[sflag:s0] =	ssyncadd.remote.s32 $0x1  }
0xbf: {  	_ =	sfence.sel $0xFFFF  }
0xc0: {  	[dreg:$0x0] =	wrdreg $0xFFFFFFFF;
	(pc) =	sbr.abs _section_cstart, $3  }
0xc1: {  	[dreg:$0x1] =	wrdreg $0xFFFFFFFF  }
0xc2: {  	_ =	task.clear_ibuf [dreg:s7], $0x2FFFF;
	_ =	strace $0x9FFFFFFF  }
0xc3: {  	(tm) =	ssettm $0x7FFFFFFF  }
tec
execute0_lowered:
.L_overlay_start_1:
0x0: {  	(tag) =	ssettag $0x1  }
0x1: {  	s5 =	rddreg [dreg:$0x0]  }
0x2: {  	s7 =	rddreg [dreg:$0x1];
	s0 =	srdreg.scid  }
0x3: {  	s2 =	rddreg [dreg:$0x2];
	s1 =	stileid.u32  }
0x4: {  	s3 =	simm.s32 $0x0;
	s16 =	simm.s32 $0x0;
	s8 =	smul.u32 $0x280, s1  }
0x5: {  	s6 =	sand.u32 $0x1, s0;
	s0 =	rddreg [dreg:$0x3];
	s11 =	smul.u32 $0xFFFFFF60, s1  }
0x6: {  	[smem:$0x7FF] =	sst s3;
	s25 =	smul.u32 $0xA0, s1;
	s14 =	sshll.u32 s1, $0x6  }
0x7: {  	s4 =	sshll.u32 s6, $0x4;
	s9 =	ssub.s32 $0x2, s6;
	s12 =	smul.u32 $0xFFFFF600, s6  }
0x8: {  	_ =	strace $0x80000047;
	s13 =	smul.u32 $0xA00, s6;
	p0 =	seq.s32 s6, $0x1  }
0x9: {  	s14 =	sor.u32 $0x1C01, s14;
	s4 =	sor.u32 s1, s4;
	s10 =	sshrl.u32 s9, $0x1  }
0xa: {  	s4 =	smul.u32 $0xA0, s4;
	s9 =	ssub.s32 s9, s10;
	s26 =	sadd.s32 s12, s11  }
0xb: {  	s11 =	simm.s32 $0x3400;
	s28 =	sadd.s32 s25, s13;
	s12 =	simm.s32 $0x280  }
0xc: {  	s13 =	simm.s32 $0x40;
	s11 =	simm.s32 @!p0 $0x3A00;
	s30 =	smax.u32 s28, $0x12E8  }
0xd: {  	s24 =	smin.u32 s4, $0x12E8;
	s4 =	sadd.s32 s8, s2;
	s8 =	sshrl.u32 s8, $0x3  }
0xe: {  	s29 =	sadd.s32 s11, s7;
	s7 =	smax.u32 s9, $0x1;
	s31 =	sshll.u32 s30, $0x7  }
0xf: {  	s11 =	simm.s32 $0x1;
	s10 =	sshll.u32 s24, $0x4;
	s8 =	sadd.s32 s29, s8  }
0x10: {  	s9 =	sadd.s32 $0xFFF68E80, s31;
	s5 =	sadd.s32 s5, s10;
	s10 =	sadd.s32 $0x1388, s26  }
0x11: {  	v0 =	vimm.f32 $1.000000000e+00;
	s15 =	sshrl.u32 s4, $0x3;
	s6 =	smin.u32 s10, $0xA0;
	s10 =	simm.s32 $0x5280  }
.LBB2_1:
0x12: {  	[tilespmem:$0x5280] =	vst v0  }
0x13: {  	[tilespmem:$0x5290] =	vst v0  }
0x14: {  	[tilespmem:$0x52A0] =	vst v0  }
0x15: {  	[tilespmem:$0x52B0] =	vst v0  }
0x16: {  	[tilespmem:$0x52C0] =	vst v0  }
0x17: {  	[tilespmem:$0x52D0] =	vst v0  }
0x18: {  	[tilespmem:$0x52E0] =	vst v0  }
0x19: {  	[tilespmem:$0x52F0] =	vst v0  }
0x1a: {  	[tilespmem:$0x5300] =	vst v0  }
0x1b: {  	[tilespmem:$0x5310] =	vst v0  }
0x1c: {  	[tilespmem:$0x5320] =	vst v0  }
0x1d: {  	[tilespmem:$0x5330] =	vst v0  }
0x1e: {  	[tilespmem:$0x5340] =	vst v0  }
0x1f: {  	[tilespmem:$0x5350] =	vst v0  }
0x20: {  	[tilespmem:$0x5360] =	vst v0  }
0x21: {  	[tilespmem:$0x5370] =	vst v0  }
0x22: {  	[tilespmem:$0x5380] =	vst v0  }
0x23: {  	[tilespmem:$0x5390] =	vst v0  }
0x24: {  	[tilespmem:$0x53A0] =	vst v0  }
0x25: {  	[tilespmem:$0x53B0] =	vst v0  }
0x26: {  	[tilespmem:$0x53C0] =	vst v0  }
0x27: {  	[tilespmem:$0x53D0] =	vst v0  }
0x28: {  	[tilespmem:$0x53E0] =	vst v0  }
0x29: {  	[tilespmem:$0x53F0] =	vst v0  }
0x2a: {  	[tilespmem:$0x5400] =	vst v0  }
0x2b: {  	[tilespmem:$0x5410] =	vst v0  }
0x2c: {  	[tilespmem:$0x5420] =	vst v0  }
0x2d: {  	[tilespmem:$0x5430] =	vst v0  }
0x2e: {  	[tilespmem:$0x5440] =	vst v0  }
0x2f: {  	[tilespmem:$0x5450] =	vst v0  }
0x30: {  	[tilespmem:$0x5460] =	vst v0  }
0x31: {  	[tilespmem:$0x5470] =	vst v0  }
0x32: {  	[tilespmem:$0x5480] =	vst v0  }
0x33: {  	[tilespmem:$0x5490] =	vst v0  }
0x34: {  	[tilespmem:$0x54A0] =	vst v0  }
0x35: {  	[tilespmem:$0x54B0] =	vst v0  }
0x36: {  	[tilespmem:$0x54C0] =	vst v0  }
0x37: {  	[tilespmem:$0x54D0] =	vst v0  }
0x38: {  	[tilespmem:$0x54E0] =	vst v0  }
0x39: {  	[tilespmem:$0x54F0] =	vst v0  }
0x3a: {  	[spmem:s4] =	stream.linear.scatter [tilespmem:s10], [sflag:$0x1], $0x280, $0x38;
	[tilespmem:$0x5500] =	vst v63  }
0x3b: {  	_ =	swait.ge [sflag:s11], $0x280  }
0x3c: {  	[sflag:s11] =	ssyncset.done $0x0  }
0x3d: {  	[sflag:s11] =	ssyncadd.s32 $0xFFFFFD80  }
0x3e: {  	[tilespmem:s12], [sflag:$0x1] =	stream.linear.gather [hbm4b:s5+s3], $0x5000, $0x38;
	[tilespmem:$0x5500] =	vst v63  }
0x3f: {  	_ =	swait.ge [sflag:s11], $0x5000  }
0x40: {  	p0 =	sne.s32 s6, $0x1;
	[sflag:s11] =	ssyncset.done $0x0  }
.Ltmp0:
0x41: {  	[sflag:s11] =	ssyncadd.s32 $0xFFFFB000;
	(pc) =	sbr.rel @!p0 .LBB2_3-.Ltmp0, $4  }
0x42: {  	[bflag:$0x0] =	sbarrier.arrive $0xFFFF  }
0x43: {  	[spmem:s2] =	stream.indirect.scatter.add.f32 [tilespmem:s10], [sflag:$0x1], $0x1, s9, s13, $0xb8;
	[tilespmem:$0x5500] =	vst v63  }
0x44: {  	_ =	swait.ge [sflag:s11], $0x40  }
0x45: {  	s17 =	sadd.s32 $0xFFFFFFFF, s6;
	s18 =	smov.u32 s9;
	[sflag:s11] =	ssyncset.done $0x0  }
.LBB2_2:
0x46: {  	p0 =	sne.s32 s17, $0x1;
	[sflag:s11] =	ssyncadd.s32 $0xFFFFFFC0;
	s18 =	sadd.s32 $0x80, s18  }
.Ltmp1:
0x47: {  	s17 =	sadd.s32 $0xFFFFFFFF, s17;
	(pc) =	sbr.rel @p0 .LBB2_2-.Ltmp1, $4  }
0x48: {  	_ = 	snop  }
0x49: {  	[spmem:s2] =	stream.indirect.scatter.add.f32 [tilespmem:s10], [sflag:$0x1], $0x1, s18, s13, $0xb8;
	[tilespmem:$0x5500] =	vst v63  }
0x4a: {  	_ =	swait.ge [sflag:s11], $0x40  }
0x4b: {  	[sflag:s11] =	ssyncset.done $0x0  }
.LBB2_3:
0x4c: {  	s16 =	sadd.s32 $0x1, s16  }
0x4d: {  	[sflag:s11] =	ssyncadd.s32 $0xFFFFFFC0;
	p0 =	sne.s32 s16, s7  }
.Ltmp2:
0x4e: {  	[bflag:$0x0] =	sbarrier.arrive $0xFFFF;
	(pc) =	sbr.rel @p0 .LBB2_1-.Ltmp2, $4  }
0x4f: {  	[hbm:s8], [sflag:s14] =	dma.local [spmem:s15], $0x50  }
0x50: {  	_ =	swait.ge [sflag:s11], $0x50  }
0x51: {  	[sflag:s11] =	ssyncset.done $0x0  }
0x52: {  	[sflag:s11] =	ssyncadd.s32 $0xFFFFFFB0  }
0x53: {  	_ =	sfence.sel $0x180000  }
0x54: {  	[bflag:$0x0] =	sbarrier.arrive $0xFFFF  }
0x55: {  	p0 =	sne.s32 s1, $0x0;
	_ =	strace $0x90000047  }
0x56: {  	s0 =	sadd.s32 @!p0 $0x100000, s0;
	[bflag:$0x2] =	sbarrier.arrive $0xFFFF  }
0x57: {  	[sflag:s0] =	ssyncadd.tile.s32 @!p0 $0x1;
	_ =	shalt  }
.Lfunc_end2:
_tile_overlayer_lowered:
.L_overlay_start_2:
0x58: {  	(tag) =	ssettag $0x2  }
0x59: {  	s0 =	rddreg [dreg:$0x0];
	s2 =	stileid.u32  }
0x5a: {  	s1 =	rddreg [dreg:$0x1];
	p0 =	sne.s32 s2, $0x0  }
0x5b: {  	s3 =	rddreg [dreg:$0x2];
	[bflag:$0x3] =	sbarrier.arrive $0xFFFF;
	s2 =	simm.s32 @!p0 $0x1C01  }
0x5c: {  	[timem:s3], [sflag:s2] =	dma.local @!p0 [hbm:s0], s1  }
0x5d: {  	s0 =	simm.s32 @!p0 $0x1  }
0x5e: {  	_ =	swait.ge @!p0 [sflag:s0], s1  }
0x5f: {  	s1 =	ssub.s32 @!p0 $0x0, s1;
	[sflag:s0] =	ssyncset.done @!p0 $0x0  }
0x60: {  	[sflag:s0] =	ssyncadd.s32 @!p0 s1  }
0x61: {  	[bflag:$0x3] =	sbarrier.arrive $0xFFFF  }
0x62: {  	_ =	shalt  }

</sc_bundles>
